<compile_context>
chip_gen: v7x
topology: tpu7x:2x2x1
jax: 0.10.2.dev20260603
libtpu: 0.0.44.dev20260713+nightly
codegen_flags: <defaults>
</compile_context>

<pallas_src>
import functools

import jax
import jax.numpy as jnp
from jax import lax
from jax.experimental import pallas as pl
from jax.experimental.pallas import tpu as pltpu
from jax.experimental.pallas import tpu_sc as plsc

_N_NODES = 10000
_N_EDGES = 320000
_D = 128
_NC = 2
_NS = 16
_LANES = 16
_VPR = _D // _LANES
_EDGES_PER_TILE = _N_EDGES // (_NC * _NS)
_CHUNK = 64
_TAIL = _EDGES_PER_TILE % _CHUNK
_NCH = _EDGES_PER_TILE // _CHUNK
_ROWS_PER_TILE = 640
_RBLK = 80

_mesh = plsc.VectorSubcoreMesh(core_axis_name="c", subcore_axis_name="s")


def _relu_add(gref, eref, rows, step):

    @pl.loop(0, rows, step=step)
    def _(i):
        for r in range(step):
            for j in range(_VPR):
                slc = (pl.ds(i + r, 1), pl.ds(j * _LANES, _LANES))
                gref.at[slc][...] = jnp.maximum(
                    gref.at[slc][...] + eref.at[slc][...], 0.0)


@functools.partial(
    pl.kernel,
    out_type=jax.ShapeDtypeStruct((_NC, _N_NODES, _D), jnp.float32),
    mesh=_mesh,
    scratch_types=[
        pltpu.VMEM_SHARED((_N_NODES, _D), jnp.float32),
        [pltpu.VMEM((_CHUNK, _D), jnp.float32)] * 4,
        [pltpu.VMEM((_CHUNK, _D), jnp.float32)] * 2,
        [pltpu.VMEM((_CHUNK,), jnp.int32)] * 2,
        [pltpu.VMEM((_CHUNK,), jnp.int32)] * 4,
        [pltpu.SemaphoreType.DMA] * 4,
        [pltpu.SemaphoreType.DMA] * 2,
        [pltpu.SemaphoreType.DMA] * 2,
        [pltpu.SemaphoreType.DMA] * 2,
    ],
)
def _gine_sc(x_hbm, src_hbm, dst_hbm, ea_hbm, out_hbm,
             acc, g, e, sidx, didx, gsem, esem, isem, ssem):
    cid = lax.axis_index("c")
    sid = lax.axis_index("s")
    row0 = sid * _ROWS_PER_TILE
    nblk = jnp.where(sid == _NS - 1, (_N_NODES - 15 * _ROWS_PER_TILE) // _RBLK,
                     _ROWS_PER_TILE // _RBLK)

    @pl.when(cid == 0)
    def _():
        @pl.loop(0, nblk)
        def _(k):
            r = row0 + k * _RBLK
            pltpu.sync_copy(x_hbm.at[pl.ds(r, _RBLK), :],
                            acc.at[pl.ds(r, _RBLK), :])

    @pl.when(cid != 0)
    def _():
        @pl.loop(0, _RBLK)
        def _(i):
            for j in range(_VPR):
                g[0].at[pl.ds(i, 1), pl.ds(j * _LANES, _LANES)][...] = (
                    jnp.zeros((1, _LANES), jnp.float32))

        @pl.loop(0, nblk)
        def _(k):
            pltpu.sync_copy(g[0].at[pl.ds(0, _RBLK), :],
                            acc.at[pl.ds(row0 + k * _RBLK, _RBLK), :])

    plsc.subcore_barrier()

    base0 = (cid * _NS + sid) * _EDGES_PER_TILE

    def cbase(m):
        return base0 + _TAIL + m * _CHUNK

    pltpu.sync_copy(src_hbm.at[pl.ds(base0, _TAIL)], sidx[0].at[pl.ds(0, _TAIL)])
    pltpu.sync_copy(dst_hbm.at[pl.ds(base0, _TAIL)], didx[0].at[pl.ds(0, _TAIL)])
    pltpu.sync_copy(ea_hbm.at[pl.ds(base0, _TAIL), :], e[0].at[pl.ds(0, _TAIL), :])
    pltpu.async_copy(x_hbm.at[sidx[0].at[pl.ds(0, _TAIL)]],
                     g[0].at[pl.ds(0, _TAIL), :], gsem[0]).wait()
    _relu_add(g[0], e[0], _TAIL, 2)
    pltpu.sync_copy(g[0].at[pl.ds(0, _TAIL), :],
                    acc.at[didx[0].at[pl.ds(0, _TAIL)]], add=True)

    i0a = pltpu.async_copy(src_hbm.at[pl.ds(cbase(0), _CHUNK)], sidx[0], isem[0])
    i0b = pltpu.async_copy(dst_hbm.at[pl.ds(cbase(0), _CHUNK)], didx[0], isem[0])
    i0a.wait()
    i0b.wait()
    pltpu.async_copy(x_hbm.at[sidx[0]], g[0], gsem[0])
    pltpu.async_copy(ea_hbm.at[pl.ds(cbase(0), _CHUNK), :], e[0], esem[0])
    pltpu.async_copy(src_hbm.at[pl.ds(cbase(1), _CHUNK)], sidx[1], isem[1])
    pltpu.async_copy(dst_hbm.at[pl.ds(cbase(1), _CHUNK)], didx[1], isem[1])

    @pl.loop(0, _NCH // 4)
    def _(kk):
        for j in range(4):
            m = 4 * kk + j
            j2, j4 = j % 2, j
            @pl.when(m >= 2)
            def _():
                pltpu.make_async_copy(
                    g[(j + 2) % 4], acc.at[didx[(j + 2) % 4]], ssem[j2]).wait()
            pltpu.make_async_copy(
                src_hbm.at[pl.ds(cbase(0), _CHUNK)], sidx[(j + 1) % 2],
                isem[(j + 1) % 2]).wait()
            pltpu.make_async_copy(
                dst_hbm.at[pl.ds(cbase(0), _CHUNK)], didx[(j + 1) % 4],
                isem[(j + 1) % 2]).wait()
            mp1 = jnp.minimum(m + 1, _NCH - 1)
            pltpu.async_copy(x_hbm.at[sidx[(j + 1) % 2]], g[(j + 1) % 4],
                             gsem[(j + 1) % 4])
            pltpu.async_copy(ea_hbm.at[pl.ds(cbase(mp1), _CHUNK), :],
                             e[(j + 1) % 2], esem[(j + 1) % 2])
            pltpu.make_async_copy(x_hbm.at[sidx[j2]], g[j4], gsem[j4]).wait()
            pltpu.make_async_copy(ea_hbm.at[pl.ds(cbase(0), _CHUNK), :],
                                  e[j2], esem[j2]).wait()
            mp2 = jnp.minimum(m + 2, _NCH - 1)
            pltpu.async_copy(src_hbm.at[pl.ds(cbase(mp2), _CHUNK)], sidx[j2],
                             isem[j2])
            pltpu.async_copy(dst_hbm.at[pl.ds(cbase(mp2), _CHUNK)],
                             didx[(j + 2) % 4], isem[j2])
            _relu_add(g[j4], e[j2], _CHUNK, 2)
            pltpu.async_copy(g[j4], acc.at[didx[j4]], ssem[j2], add=True)

    pltpu.make_async_copy(g[2], acc.at[didx[2]], ssem[0]).wait()
    pltpu.make_async_copy(g[3], acc.at[didx[3]], ssem[1]).wait()
    pltpu.make_async_copy(x_hbm.at[sidx[0]], g[0], gsem[0]).wait()
    pltpu.make_async_copy(ea_hbm.at[pl.ds(cbase(0), _CHUNK), :], e[0],
                          esem[0]).wait()
    pltpu.make_async_copy(src_hbm.at[pl.ds(cbase(0), _CHUNK)], sidx[1],
                          isem[1]).wait()
    pltpu.make_async_copy(dst_hbm.at[pl.ds(cbase(0), _CHUNK)], didx[1],
                          isem[1]).wait()

    plsc.subcore_barrier()

    @pl.loop(0, nblk)
    def _(k):
        r = row0 + k * _RBLK
        pltpu.sync_copy(acc.at[pl.ds(r, _RBLK), :],
                        out_hbm.at[cid, pl.ds(r, _RBLK), :])


def _combine_body(parts_ref, o_ref):
    o_ref[...] = parts_ref[0] + parts_ref[1]


_combine = pl.pallas_call(
    _combine_body,
    out_shape=jax.ShapeDtypeStruct((_N_NODES, _D), jnp.float32),
)


@jax.jit
def kernel(x, edge_index, edge_attr):
    src = edge_index[0].astype(jnp.int32)
    dst = edge_index[1].astype(jnp.int32)
    parts = _gine_sc(x, src, dst, edge_attr)
    return _combine(parts)

# --- scband reference (transcript-rebuilt; emitter-appended) ---
"""Pipeline reference for scband-gineconv-9826885173951 (READ-ONLY COPY).

The authoritative reference and input builder live on the scoring server;
editing this copy changes nothing except your own understanding.
"""

import jax, jax.numpy as jnp
import numpy as np

N_NODES = 10000
N_EDGES = 320000
D_FEAT = 128
EPS = 0.0

def setup_inputs(seed: int = 0) -> dict:
    key = jax.random.key(seed)
    k1, k2, k3 = jax.random.split(key, 3)
    x = jax.random.normal(k1, (N_NODES, D_FEAT), dtype=jnp.float32)
    edge_index = jax.random.randint(k2, (2, N_EDGES), 0, N_NODES, dtype=jnp.int64)
    edge_attr = jax.random.normal(k3, (N_EDGES, D_FEAT), dtype=jnp.float32)
    return {"x": x, "edge_index": edge_index, "edge_attr": edge_attr}

def reference(x, edge_index, edge_attr):
    src = edge_index[0]
    dst = edge_index[1]
    # message: relu(src_node_feat + edge_feat)
    m = jax.nn.relu(x[src] + edge_attr)
    # sum aggregation onto destination nodes
    neigh = jax.ops.segment_sum(m, dst, num_segments=N_NODES)
    # GINE update: (1 + eps) * h_dst + sum of messages; apply_func is None
    rst = (1.0 + EPS) * x + neigh
    return rst

if __name__ == "__main__":
    import jax
    _d = setup_inputs()
    print(jax.jit(kernel)(*tuple(_d.values())))

</pallas_src>

<mosaic_0001>
#map = affine_map<(d0, d1) -> (0, 0)>
#map1 = affine_map<(d0, d1) -> (0)>
#map2 = affine_map<(d0, d1) -> (0, 0, 0)>
module attributes {stable_mosaic.version = 14 : i64} {
  func.func @_gine_sc(%arg0: i32, %arg1: i32, %arg2: memref<10000x128xf32, #tpu.memory_space<hbm>>, %arg3: memref<320000xi32, #tpu.memory_space<hbm>>, %arg4: memref<320000xi32, #tpu.memory_space<hbm>>, %arg5: memref<320000x128xf32, #tpu.memory_space<hbm>>, %arg6: memref<2x10000x128xf32, #tpu.memory_space<hbm>>, %arg7: memref<10000x128xf32, #tpu.memory_space<vmem_shared>>, %arg8: memref<64x128xf32, #tpu.memory_space<vmem>>, %arg9: memref<64x128xf32, #tpu.memory_space<vmem>>, %arg10: memref<64x128xf32, #tpu.memory_space<vmem>>, %arg11: memref<64x128xf32, #tpu.memory_space<vmem>>, %arg12: memref<64x128xf32, #tpu.memory_space<vmem>>, %arg13: memref<64x128xf32, #tpu.memory_space<vmem>>, %arg14: memref<64xi32, #tpu.memory_space<vmem>>, %arg15: memref<64xi32, #tpu.memory_space<vmem>>, %arg16: memref<64xi32, #tpu.memory_space<vmem>>, %arg17: memref<64xi32, #tpu.memory_space<vmem>>, %arg18: memref<64xi32, #tpu.memory_space<vmem>>, %arg19: memref<64xi32, #tpu.memory_space<vmem>>, %arg20: memref<!tpu.dma_semaphore, #tpu.memory_space<semaphore_mem>>, %arg21: memref<!tpu.dma_semaphore, #tpu.memory_space<semaphore_mem>>, %arg22: memref<!tpu.dma_semaphore, #tpu.memory_space<semaphore_mem>>, %arg23: memref<!tpu.dma_semaphore, #tpu.memory_space<semaphore_mem>>, %arg24: memref<!tpu.dma_semaphore, #tpu.memory_space<semaphore_mem>>, %arg25: memref<!tpu.dma_semaphore, #tpu.memory_space<semaphore_mem>>, %arg26: memref<!tpu.dma_semaphore, #tpu.memory_space<semaphore_mem>>, %arg27: memref<!tpu.dma_semaphore, #tpu.memory_space<semaphore_mem>>, %arg28: memref<!tpu.dma_semaphore, #tpu.memory_space<semaphore_mem>>, %arg29: memref<!tpu.dma_semaphore, #tpu.memory_space<semaphore_mem>>) attributes {dimension_semantics = [#tpu.dimension_semantics<core_parallel>, #tpu.dimension_semantics<subcore_parallel>], iteration_bounds = array<i64: 2, 16>, scalar_prefetch = 0 : i64, scratch_operands = 23 : i64, tpu.core_type = #tpu.core_type<sc_vector_subcore>, window_params = [{transform_indices = #map}, {transform_indices = #map1}, {transform_indices = #map1}, {transform_indices = #map}, {transform_indices = #map2}]} {
    %mul3A = arith.constant 640 : i32
    %mul3A_0 = arith.muli %arg1, %mul3A : i32
    %eq3A = arith.constant 15 : i32
    %eq3A_1 = arith.cmpi eq, %arg1, %eq3A : i32
    %jit3A = arith.constant 5 : i32
    %jit3A_2 = arith.constant 8 : i32
    %select_n3A = arith.select %eq3A_1, %jit3A, %jit3A_2 : i32
    %eq3A_3 = arith.constant 0 : i32
    %eq3A_4 = arith.cmpi eq, %arg0, %eq3A_3 : i32
    %convert_element_type3A = arith.extui %eq3A_4 : i1 to i32
    %cond3A = arith.constant 0 : i32
    %cond3A_5 = arith.cmpi ne, %convert_element_type3A, %cond3A : i32
    scf.if %cond3A_5 {
      %sub3A_122 = arith.constant 0 : i32
      %sub3A_123 = arith.subi %select_n3A, %sub3A_122 : i32
      %sub3A_124 = arith.constant 1 : i32
      %sub3A_125 = arith.constant 1 : i32
      %sub3A_126 = arith.subi %sub3A_124, %sub3A_125 : i32
      %add3A_127 = arith.addi %sub3A_123, %sub3A_126 : i32
      %div3A_128 = arith.constant 1 : i32
      %div3A_129 = arith.divsi %add3A_127, %div3A_128 : i32
      %while3A_130 = arith.constant 1 : i32
      %while3A_131 = arith.constant 0 : i32
      %while3A_132 = arith.constant 0 : i32
      %while3A_133 = arith.subi %div3A_129, %while3A_132 : i32
      %while3A_134 = arith.addi %while3A_132, %while3A_133 : i32
      %while3A_135 = arith.constant 1 : i32
      %while3A_136 = arith.divsi %while3A_133, %while3A_135 : i32
      %while3A_137 = arith.muli %while3A_136, %while3A_135 : i32
      %while3A_138 = arith.addi %while3A_132, %while3A_137 : i32
      %while3A_139 = arith.constant 1 : i32
      scf.for %while3A_141 = %while3A_132 to %while3A_138 step %while3A_139  : i32 {
        %mul3A_142 = arith.muli %while3A_141, %while3A_130 : i32
        %add3A_143 = arith.addi %while3A_131, %mul3A_142 : i32
        %mul3A_144 = arith.constant 80 : i32
        %mul3A_145 = arith.muli %add3A_143, %mul3A_144 : i32
        %add3A_146 = arith.addi %mul3A_0, %mul3A_145 : i32
        "tpu.region"() ({
          %run_scoped3A = tpu.sem_alloc : memref<!tpu.dma_semaphore, #tpu.memory_space<semaphore_mem>>
          %dma_start3A_147 = arith.constant 0 : i32
          %dma_start3A_148 = tpu.memref_slice %arg7[%add3A_146, %dma_start3A_147] : memref<10000x128xf32, #tpu.memory_space<vmem_shared>> -> memref<80x128xf32, #tpu.memory_space<vmem_shared>>
          %dma_start3A_149 = arith.constant 0 : i32
          %dma_start3A_150 = tpu.memref_slice %arg2[%add3A_146, %dma_start3A_149] : memref<10000x128xf32, #tpu.memory_space<hbm>> -> memref<80x128xf32, #tpu.memory_space<hbm>>
          tpu.enqueue_dma source(%dma_start3A_150 : memref<80x128xf32, #tpu.memory_space<hbm>>) target(%dma_start3A_148 : memref<80x128xf32, #tpu.memory_space<vmem_shared>>) target_semaphore(%run_scoped3A : memref<!tpu.dma_semaphore, #tpu.memory_space<semaphore_mem>>)
          %dma_wait3A_151 = arith.constant 0 : i32
          %dma_wait3A_152 = tpu.memref_slice %arg7[%add3A_146, %dma_wait3A_151] : memref<10000x128xf32, #tpu.memory_space<vmem_shared>> -> memref<80x128xf32, #tpu.memory_space<vmem_shared>>
          %dma_wait3A_153 = arith.constant 0 : i32
          %dma_wait3A_154 = tpu.memref_slice %arg2[%add3A_146, %dma_wait3A_153] : memref<10000x128xf32, #tpu.memory_space<hbm>> -> memref<80x128xf32, #tpu.memory_space<hbm>>
          tpu.wait_dma2 semaphore(%run_scoped3A : memref<!tpu.dma_semaphore, #tpu.memory_space<semaphore_mem>>) src(%dma_wait3A_154 : memref<80x128xf32, #tpu.memory_space<hbm>>) dst(%dma_wait3A_152 : memref<80x128xf32, #tpu.memory_space<vmem_shared>>)
          tpu.yield
        }) : () -> ()
      }
      %while3A_140 = arith.constant 1 : i32
      scf.for %while3A_141 = %while3A_138 to %while3A_134 step %while3A_140  : i32 {
        %mul3A_142 = arith.muli %while3A_141, %while3A_130 : i32
        %add3A_143 = arith.addi %while3A_131, %mul3A_142 : i32
        %mul3A_144 = arith.constant 80 : i32
        %mul3A_145 = arith.muli %add3A_143, %mul3A_144 : i32
        %add3A_146 = arith.addi %mul3A_0, %mul3A_145 : i32
        "tpu.region"() ({
          %run_scoped3A = tpu.sem_alloc : memref<!tpu.dma_semaphore, #tpu.memory_space<semaphore_mem>>
          %dma_start3A_147 = arith.constant 0 : i32
          %dma_start3A_148 = tpu.memref_slice %arg7[%add3A_146, %dma_start3A_147] : memref<10000x128xf32, #tpu.memory_space<vmem_shared>> -> memref<80x128xf32, #tpu.memory_space<vmem_shared>>
          %dma_start3A_149 = arith.constant 0 : i32
          %dma_start3A_150 = tpu.memref_slice %arg2[%add3A_146, %dma_start3A_149] : memref<10000x128xf32, #tpu.memory_space<hbm>> -> memref<80x128xf32, #tpu.memory_space<hbm>>
          tpu.enqueue_dma source(%dma_start3A_150 : memref<80x128xf32, #tpu.memory_space<hbm>>) target(%dma_start3A_148 : memref<80x128xf32, #tpu.memory_space<vmem_shared>>) target_semaphore(%run_scoped3A : memref<!tpu.dma_semaphore, #tpu.memory_space<semaphore_mem>>)
          %dma_wait3A_151 = arith.constant 0 : i32
          %dma_wait3A_152 = tpu.memref_slice %arg7[%add3A_146, %dma_wait3A_151] : memref<10000x128xf32, #tpu.memory_space<vmem_shared>> -> memref<80x128xf32, #tpu.memory_space<vmem_shared>>
          %dma_wait3A_153 = arith.constant 0 : i32
          %dma_wait3A_154 = tpu.memref_slice %arg2[%add3A_146, %dma_wait3A_153] : memref<10000x128xf32, #tpu.memory_space<hbm>> -> memref<80x128xf32, #tpu.memory_space<hbm>>
          tpu.wait_dma2 semaphore(%run_scoped3A : memref<!tpu.dma_semaphore, #tpu.memory_space<semaphore_mem>>) src(%dma_wait3A_154 : memref<80x128xf32, #tpu.memory_space<hbm>>) dst(%dma_wait3A_152 : memref<80x128xf32, #tpu.memory_space<vmem_shared>>)
          tpu.yield
        }) : () -> ()
      }
    } else {
    }
    %ne3A = arith.constant 0 : i32
    %ne3A_6 = arith.cmpi ne, %arg0, %ne3A : i32
    %convert_element_type3A_7 = arith.extui %ne3A_6 : i1 to i32
    %cond3A_8 = arith.constant 0 : i32
    %cond3A_9 = arith.cmpi ne, %convert_element_type3A_7, %cond3A_8 : i32
    scf.if %cond3A_9 {
      %scan3A_122 = arith.constant 0 : i32
      %scan3A_123 = arith.constant 80 : i32
      %scan3A_124 = arith.addi %scan3A_122, %scan3A_123 : i32
      %scan3A_125 = arith.constant 1 : i32
      scf.for %scan3A_146 = %scan3A_122 to %scan3A_124 step %scan3A_125  : i32 {
        %mul3A_147 = arith.constant 1 : i32
        %mul3A_148 = arith.muli %scan3A_146, %mul3A_147 : i32
        %add3A_149 = arith.constant 0 : i32
        %add3A_150 = arith.addi %add3A_149, %mul3A_148 : i32
        %broadcast_in_dim3A = arith.constant 0.000000e+00 : f32
        %broadcast_in_dim3A_151 = vector.broadcast %broadcast_in_dim3A : f32 to vector<1x16xf32>
        %swap3A = arith.index_cast %add3A_150 : i32 to index
        %swap3A_152 = arith.constant 0 : index
        %swap3A_153 = tpu.vector_load %arg8[%swap3A, %swap3A_152] {strides = array<i32>} : memref<64x128xf32, #tpu.memory_space<vmem>>, vector<1x16xf32>,
        %swap3A_154 = vector.shape_cast %swap3A_153 : vector<1x16xf32> to vector<1x16xf32>
        %swap3A_155 = vector.shape_cast %broadcast_in_dim3A_151 : vector<1x16xf32> to vector<1x16xf32>
        tpu.vector_store %arg8[%swap3A, %swap3A_152], %swap3A_155 {strides = array<i32>} : memref<64x128xf32, #tpu.memory_space<vmem>>, vector<1x16xf32>,
        %broadcast_in_dim3A_156 = arith.constant 0.000000e+00 : f32
        %broadcast_in_dim3A_157 = vector.broadcast %broadcast_in_dim3A_156 : f32 to vector<1x16xf32>
        %swap3A_158 = arith.index_cast %add3A_150 : i32 to index
        %swap3A_159 = arith.constant 16 : index
        %swap3A_160 = tpu.vector_load %arg8[%swap3A_158, %swap3A_159] {strides = array<i32>} : memref<64x128xf32, #tpu.memory_space<vmem>>, vector<1x16xf32>,
        %swap3A_161 = vector.shape_cast %swap3A_160 : vector<1x16xf32> to vector<1x16xf32>
        %swap3A_162 = vector.shape_cast %broadcast_in_dim3A_157 : vector<1x16xf32> to vector<1x16xf32>
        tpu.vector_store %arg8[%swap3A_158, %swap3A_159], %swap3A_162 {strides = array<i32>} : memref<64x128xf32, #tpu.memory_space<vmem>>, vector<1x16xf32>,
        %broadcast_in_dim3A_163 = arith.constant 0.000000e+00 : f32
        %broadcast_in_dim3A_164 = vector.broadcast %broadcast_in_dim3A_163 : f32 to vector<1x16xf32>
        %swap3A_165 = arith.index_cast %add3A_150 : i32 to index
        %swap3A_166 = arith.constant 32 : index
        %swap3A_167 = tpu.vector_load %arg8[%swap3A_165, %swap3A_166] {strides = array<i32>} : memref<64x128xf32, #tpu.memory_space<vmem>>, vector<1x16xf32>,
        %swap3A_168 = vector.shape_cast %swap3A_167 : vector<1x16xf32> to vector<1x16xf32>
        %swap3A_169 = vector.shape_cast %broadcast_in_dim3A_164 : vector<1x16xf32> to vector<1x16xf32>
        tpu.vector_store %arg8[%swap3A_165, %swap3A_166], %swap3A_169 {strides = array<i32>} : memref<64x128xf32, #tpu.memory_space<vmem>>, vector<1x16xf32>,
        %broadcast_in_dim3A_170 = arith.constant 0.000000e+00 : f32
        %broadcast_in_dim3A_171 = vector.broadcast %broadcast_in_dim3A_170 : f32 to vector<1x16xf32>
        %swap3A_172 = arith.index_cast %add3A_150 : i32 to index
        %swap3A_173 = arith.constant 48 : index
        %swap3A_174 = tpu.vector_load %arg8[%swap3A_172, %swap3A_173] {strides = array<i32>} : memref<64x128xf32, #tpu.memory_space<vmem>>, vector<1x16xf32>,
        %swap3A_175 = vector.shape_cast %swap3A_174 : vector<1x16xf32> to vector<1x16xf32>
        %swap3A_176 = vector.shape_cast %broadcast_in_dim3A_171 : vector<1x16xf32> to vector<1x16xf32>
        tpu.vector_store %arg8[%swap3A_172, %swap3A_173], %swap3A_176 {strides = array<i32>} : memref<64x128xf32, #tpu.memory_space<vmem>>, vector<1x16xf32>,
        %broadcast_in_dim3A_177 = arith.constant 0.000000e+00 : f32
        %broadcast_in_dim3A_178 = vector.broadcast %broadcast_in_dim3A_177 : f32 to vector<1x16xf32>
        %swap3A_179 = arith.index_cast %add3A_150 : i32 to index
        %swap3A_180 = arith.constant 64 : index
        %swap3A_181 = tpu.vector_load %arg8[%swap3A_179, %swap3A_180] {strides = array<i32>} : memref<64x128xf32, #tpu.memory_space<vmem>>, vector<1x16xf32>,
        %swap3A_182 = vector.shape_cast %swap3A_181 : vector<1x16xf32> to vector<1x16xf32>
        %swap3A_183 = vector.shape_cast %broadcast_in_dim3A_178 : vector<1x16xf32> to vector<1x16xf32>
        tpu.vector_store %arg8[%swap3A_179, %swap3A_180], %swap3A_183 {strides = array<i32>} : memref<64x128xf32, #tpu.memory_space<vmem>>, vector<1x16xf32>,
        %broadcast_in_dim3A_184 = arith.constant 0.000000e+00 : f32
        %broadcast_in_dim3A_185 = vector.broadcast %broadcast_in_dim3A_184 : f32 to vector<1x16xf32>
        %swap3A_186 = arith.index_cast %add3A_150 : i32 to index
        %swap3A_187 = arith.constant 80 : index
        %swap3A_188 = tpu.vector_load %arg8[%swap3A_186, %swap3A_187] {strides = array<i32>} : memref<64x128xf32, #tpu.memory_space<vmem>>, vector<1x16xf32>,
        %swap3A_189 = vector.shape_cast %swap3A_188 : vector<1x16xf32> to vector<1x16xf32>
        %swap3A_190 = vector.shape_cast %broadcast_in_dim3A_185 : vector<1x16xf32> to vector<1x16xf32>
        tpu.vector_store %arg8[%swap3A_186, %swap3A_187], %swap3A_190 {strides = array<i32>} : memref<64x128xf32, #tpu.memory_space<vmem>>, vector<1x16xf32>,
        %broadcast_in_dim3A_191 = arith.constant 0.000000e+00 : f32
        %broadcast_in_dim3A_192 = vector.broadcast %broadcast_in_dim3A_191 : f32 to vector<1x16xf32>
        %swap3A_193 = arith.index_cast %add3A_150 : i32 to index
        %swap3A_194 = arith.constant 96 : index
        %swap3A_195 = tpu.vector_load %arg8[%swap3A_193, %swap3A_194] {strides = array<i32>} : memref<64x128xf32, #tpu.memory_space<vmem>>, vector<1x16xf32>,
        %swap3A_196 = vector.shape_cast %swap3A_195 : vector<1x16xf32> to vector<1x16xf32>
        %swap3A_197 = vector.shape_cast %broadcast_in_dim3A_192 : vector<1x16xf32> to vector<1x16xf32>
        tpu.vector_store %arg8[%swap3A_193, %swap3A_194], %swap3A_197 {strides = array<i32>} : memref<64x128xf32, #tpu.memory_space<vmem>>, vector<1x16xf32>,
        %broadcast_in_dim3A_198 = arith.constant 0.000000e+00 : f32
        %broadcast_in_dim3A_199 = vector.broadcast %broadcast_in_dim3A_198 : f32 to vector<1x16xf32>
        %swap3A_200 = arith.index_cast %add3A_150 : i32 to index
        %swap3A_201 = arith.constant 112 : index
        %swap3A_202 = tpu.vector_load %arg8[%swap3A_200, %swap3A_201] {strides = array<i32>} : memref<64x128xf32, #tpu.memory_space<vmem>>, vector<1x16xf32>,
        %swap3A_203 = vector.shape_cast %swap3A_202 : vector<1x16xf32> to vector<1x16xf32>
        %swap3A_204 = vector.shape_cast %broadcast_in_dim3A_199 : vector<1x16xf32> to vector<1x16xf32>
        tpu.vector_store %arg8[%swap3A_200, %swap3A_201], %swap3A_204 {strides = array<i32>} : memref<64x128xf32, #tpu.memory_space<vmem>>, vector<1x16xf32>,
      }
      %scan3A_126 = arith.constant 80 : i32
      %sub3A_127 = arith.constant 0 : i32
      %sub3A_128 = arith.subi %select_n3A, %sub3A_127 : i32
      %sub3A_129 = arith.constant 1 : i32
      %sub3A_130 = arith.constant 1 : i32
      %sub3A_131 = arith.subi %sub3A_129, %sub3A_130 : i32
      %add3A_132 = arith.addi %sub3A_128, %sub3A_131 : i32
      %div3A_133 = arith.constant 1 : i32
      %div3A_134 = arith.divsi %add3A_132, %div3A_133 : i32
      %while3A_135 = arith.constant 1 : i32
      %while3A_136 = arith.constant 0 : i32
      %while3A_137 = arith.constant 0 : i32
      %while3A_138 = arith.subi %div3A_134, %while3A_137 : i32
      %while3A_139 = arith.addi %while3A_137, %while3A_138 : i32
      %while3A_140 = arith.constant 1 : i32
      %while3A_141 = arith.divsi %while3A_138, %while3A_140 : i32
      %while3A_142 = arith.muli %while3A_141, %while3A_140 : i32
      %while3A_143 = arith.addi %while3A_137, %while3A_142 : i32
      %while3A_144 = arith.constant 1 : i32
      scf.for %while3A_146 = %while3A_137 to %while3A_143 step %while3A_144  : i32 {
        %mul3A_147 = arith.muli %while3A_146, %while3A_135 : i32
        %add3A_148 = arith.addi %while3A_136, %mul3A_147 : i32
        %mul3A_149 = arith.constant 80 : i32
        %mul3A_150 = arith.muli %add3A_148, %mul3A_149 : i32
        %add3A_151 = arith.addi %mul3A_0, %mul3A_150 : i32
        "tpu.region"() ({
          %run_scoped3A = tpu.sem_alloc : memref<!tpu.dma_semaphore, #tpu.memory_space<semaphore_mem>>
          %dma_start3A_152 = arith.constant 0 : i32
          %dma_start3A_153 = arith.constant 0 : i32
          %dma_start3A_154 = tpu.memref_slice %arg8[%dma_start3A_152, %dma_start3A_153] : memref<64x128xf32, #tpu.memory_space<vmem>> -> memref<80x128xf32, #tpu.memory_space<vmem>>
          %dma_start3A_155 = arith.constant 0 : i32
          %dma_start3A_156 = tpu.memref_slice %arg7[%add3A_151, %dma_start3A_155] : memref<10000x128xf32, #tpu.memory_space<vmem_shared>> -> memref<80x128xf32, #tpu.memory_space<vmem_shared>>
          %dma_start3A_157 = arith.constant 0 : i32
          %dma_start3A_158 = tpu.memref_slice %arg7[%add3A_151, %dma_start3A_157] : memref<10000x128xf32, #tpu.memory_space<vmem_shared>> -> memref<80x128xf32, #tpu.memory_space<vmem_shared>>
          %dma_start3A_159 = arith.constant 0 : i32
          %dma_start3A_160 = arith.constant 0 : i32
          %dma_start3A_161 = tpu.memref_slice %arg8[%dma_start3A_159, %dma_start3A_160] : memref<64x128xf32, #tpu.memory_space<vmem>> -> memref<80x128xf32, #tpu.memory_space<vmem>>
          tpu.enqueue_dma source(%dma_start3A_161 : memref<80x128xf32, #tpu.memory_space<vmem>>) target(%dma_start3A_158 : memref<80x128xf32, #tpu.memory_space<vmem_shared>>) target_semaphore(%run_scoped3A : memref<!tpu.dma_semaphore, #tpu.memory_space<semaphore_mem>>)
          %dma_wait3A_162 = arith.constant 0 : i32
          %dma_wait3A_163 = arith.constant 0 : i32
          %dma_wait3A_164 = tpu.memref_slice %arg8[%dma_wait3A_162, %dma_wait3A_163] : memref<64x128xf32, #tpu.memory_space<vmem>> -> memref<80x128xf32, #tpu.memory_space<vmem>>
          %dma_wait3A_165 = arith.constant 0 : i32
          %dma_wait3A_166 = tpu.memref_slice %arg7[%add3A_151, %dma_wait3A_165] : memref<10000x128xf32, #tpu.memory_space<vmem_shared>> -> memref<80x128xf32, #tpu.memory_space<vmem_shared>>
          %dma_wait3A_167 = arith.constant 0 : i32
          %dma_wait3A_168 = tpu.memref_slice %arg7[%add3A_151, %dma_wait3A_167] : memref<10000x128xf32, #tpu.memory_space<vmem_shared>> -> memref<80x128xf32, #tpu.memory_space<vmem_shared>>
          %dma_wait3A_169 = arith.constant 0 : i32
          %dma_wait3A_170 = arith.constant 0 : i32
          %dma_wait3A_171 = tpu.memref_slice %arg8[%dma_wait3A_169, %dma_wait3A_170] : memref<64x128xf32, #tpu.memory_space<vmem>> -> memref<80x128xf32, #tpu.memory_space<vmem>>
          tpu.wait_dma2 semaphore(%run_scoped3A : memref<!tpu.dma_semaphore, #tpu.memory_space<semaphore_mem>>) src(%dma_wait3A_171 : memref<80x128xf32, #tpu.memory_space<vmem>>) dst(%dma_wait3A_168 : memref<80x128xf32, #tpu.memory_space<vmem_shared>>)
          tpu.yield
        }) : () -> ()
      }
      %while3A_145 = arith.constant 1 : i32
      scf.for %while3A_146 = %while3A_143 to %while3A_139 step %while3A_145  : i32 {
        %mul3A_147 = arith.muli %while3A_146, %while3A_135 : i32
        %add3A_148 = arith.addi %while3A_136, %mul3A_147 : i32
        %mul3A_149 = arith.constant 80 : i32
        %mul3A_150 = arith.muli %add3A_148, %mul3A_149 : i32
        %add3A_151 = arith.addi %mul3A_0, %mul3A_150 : i32
        "tpu.region"() ({
          %run_scoped3A = tpu.sem_alloc : memref<!tpu.dma_semaphore, #tpu.memory_space<semaphore_mem>>
          %dma_start3A_152 = arith.constant 0 : i32
          %dma_start3A_153 = arith.constant 0 : i32
          %dma_start3A_154 = tpu.memref_slice %arg8[%dma_start3A_152, %dma_start3A_153] : memref<64x128xf32, #tpu.memory_space<vmem>> -> memref<80x128xf32, #tpu.memory_space<vmem>>
          %dma_start3A_155 = arith.constant 0 : i32
          %dma_start3A_156 = tpu.memref_slice %arg7[%add3A_151, %dma_start3A_155] : memref<10000x128xf32, #tpu.memory_space<vmem_shared>> -> memref<80x128xf32, #tpu.memory_space<vmem_shared>>
          %dma_start3A_157 = arith.constant 0 : i32
          %dma_start3A_158 = tpu.memref_slice %arg7[%add3A_151, %dma_start3A_157] : memref<10000x128xf32, #tpu.memory_space<vmem_shared>> -> memref<80x128xf32, #tpu.memory_space<vmem_shared>>
          %dma_start3A_159 = arith.constant 0 : i32
          %dma_start3A_160 = arith.constant 0 : i32
          %dma_start3A_161 = tpu.memref_slice %arg8[%dma_start3A_159, %dma_start3A_160] : memref<64x128xf32, #tpu.memory_space<vmem>> -> memref<80x128xf32, #tpu.memory_space<vmem>>
          tpu.enqueue_dma source(%dma_start3A_161 : memref<80x128xf32, #tpu.memory_space<vmem>>) target(%dma_start3A_158 : memref<80x128xf32, #tpu.memory_space<vmem_shared>>) target_semaphore(%run_scoped3A : memref<!tpu.dma_semaphore, #tpu.memory_space<semaphore_mem>>)
          %dma_wait3A_162 = arith.constant 0 : i32
          %dma_wait3A_163 = arith.constant 0 : i32
          %dma_wait3A_164 = tpu.memref_slice %arg8[%dma_wait3A_162, %dma_wait3A_163] : memref<64x128xf32, #tpu.memory_space<vmem>> -> memref<80x128xf32, #tpu.memory_space<vmem>>
          %dma_wait3A_165 = arith.constant 0 : i32
          %dma_wait3A_166 = tpu.memref_slice %arg7[%add3A_151, %dma_wait3A_165] : memref<10000x128xf32, #tpu.memory_space<vmem_shared>> -> memref<80x128xf32, #tpu.memory_space<vmem_shared>>
          %dma_wait3A_167 = arith.constant 0 : i32
          %dma_wait3A_168 = tpu.memref_slice %arg7[%add3A_151, %dma_wait3A_167] : memref<10000x128xf32, #tpu.memory_space<vmem_shared>> -> memref<80x128xf32, #tpu.memory_space<vmem_shared>>
          %dma_wait3A_169 = arith.constant 0 : i32
          %dma_wait3A_170 = arith.constant 0 : i32
          %dma_wait3A_171 = tpu.memref_slice %arg8[%dma_wait3A_169, %dma_wait3A_170] : memref<64x128xf32, #tpu.memory_space<vmem>> -> memref<80x128xf32, #tpu.memory_space<vmem>>
          tpu.wait_dma2 semaphore(%run_scoped3A : memref<!tpu.dma_semaphore, #tpu.memory_space<semaphore_mem>>) src(%dma_wait3A_171 : memref<80x128xf32, #tpu.memory_space<vmem>>) dst(%dma_wait3A_168 : memref<80x128xf32, #tpu.memory_space<vmem_shared>>)
          tpu.yield
        }) : () -> ()
      }
    } else {
    }
    %barrier3A = arith.constant 0 : index
    tpu.barrier barrier_id(%barrier3A)
    %mul3A_10 = arith.constant 16 : i32
    %mul3A_11 = arith.muli %arg0, %mul3A_10 : i32
    %add3A = arith.addi %mul3A_11, %arg1 : i32
    %mul3A_12 = arith.constant 10000 : i32
    %mul3A_13 = arith.muli %add3A, %mul3A_12 : i32
    "tpu.region"() ({
      %run_scoped3A = tpu.sem_alloc : memref<!tpu.dma_semaphore, #tpu.memory_space<semaphore_mem>>
      %dma_start3A_122 = arith.constant 0 : i32
      %dma_start3A_123 = tpu.memref_slice %arg14[%dma_start3A_122] : memref<64xi32, #tpu.memory_space<vmem>> -> memref<16xi32, #tpu.memory_space<vmem>>
      %dma_start3A_124 = tpu.memref_slice %arg3[%mul3A_13] : memref<320000xi32, #tpu.memory_space<hbm>> -> memref<16xi32, #tpu.memory_space<hbm>>
      %dma_start3A_125 = arith.constant 0 : i32
      %dma_start3A_126 = tpu.memref_slice %arg14[%dma_start3A_125] : memref<64xi32, #tpu.memory_space<vmem>> -> memref<16xi32, #tpu.memory_space<vmem>>
      %dma_start3A_127 = tpu.memref_slice %arg3[%mul3A_13] : memref<320000xi32, #tpu.memory_space<hbm>> -> memref<16xi32, #tpu.memory_space<hbm>>
      tpu.enqueue_dma source(%dma_start3A_127 : memref<16xi32, #tpu.memory_space<hbm>>) target(%dma_start3A_126 : memref<16xi32, #tpu.memory_space<vmem>>) target_semaphore(%run_scoped3A : memref<!tpu.dma_semaphore, #tpu.memory_space<semaphore_mem>>)
      %dma_wait3A_128 = arith.constant 0 : i32
      %dma_wait3A_129 = tpu.memref_slice %arg14[%dma_wait3A_128] : memref<64xi32, #tpu.memory_space<vmem>> -> memref<16xi32, #tpu.memory_space<vmem>>
      %dma_wait3A_130 = tpu.memref_slice %arg3[%mul3A_13] : memref<320000xi32, #tpu.memory_space<hbm>> -> memref<16xi32, #tpu.memory_space<hbm>>
      %dma_wait3A_131 = arith.constant 0 : i32
      %dma_wait3A_132 = tpu.memref_slice %arg14[%dma_wait3A_131] : memref<64xi32, #tpu.memory_space<vmem>> -> memref<16xi32, #tpu.memory_space<vmem>>
      %dma_wait3A_133 = tpu.memref_slice %arg3[%mul3A_13] : memref<320000xi32, #tpu.memory_space<hbm>> -> memref<16xi32, #tpu.memory_space<hbm>>
      tpu.wait_dma2 semaphore(%run_scoped3A : memref<!tpu.dma_semaphore, #tpu.memory_space<semaphore_mem>>) src(%dma_wait3A_133 : memref<16xi32, #tpu.memory_space<hbm>>) dst(%dma_wait3A_132 : memref<16xi32, #tpu.memory_space<vmem>>)
      tpu.yield
    }) : () -> ()
    "tpu.region"() ({
      %run_scoped3A = tpu.sem_alloc : memref<!tpu.dma_semaphore, #tpu.memory_space<semaphore_mem>>
      %dma_start3A_122 = arith.constant 0 : i32
      %dma_start3A_123 = tpu.memref_slice %arg16[%dma_start3A_122] : memref<64xi32, #tpu.memory_space<vmem>> -> memref<16xi32, #tpu.memory_space<vmem>>
      %dma_start3A_124 = tpu.memref_slice %arg4[%mul3A_13] : memref<320000xi32, #tpu.memory_space<hbm>> -> memref<16xi32, #tpu.memory_space<hbm>>
      %dma_start3A_125 = arith.constant 0 : i32
      %dma_start3A_126 = tpu.memref_slice %arg16[%dma_start3A_125] : memref<64xi32, #tpu.memory_space<vmem>> -> memref<16xi32, #tpu.memory_space<vmem>>
      %dma_start3A_127 = tpu.memref_slice %arg4[%mul3A_13] : memref<320000xi32, #tpu.memory_space<hbm>> -> memref<16xi32, #tpu.memory_space<hbm>>
      tpu.enqueue_dma source(%dma_start3A_127 : memref<16xi32, #tpu.memory_space<hbm>>) target(%dma_start3A_126 : memref<16xi32, #tpu.memory_space<vmem>>) target_semaphore(%run_scoped3A : memref<!tpu.dma_semaphore, #tpu.memory_space<semaphore_mem>>)
      %dma_wait3A_128 = arith.constant 0 : i32
      %dma_wait3A_129 = tpu.memref_slice %arg16[%dma_wait3A_128] : memref<64xi32, #tpu.memory_space<vmem>> -> memref<16xi32, #tpu.memory_space<vmem>>
      %dma_wait3A_130 = tpu.memref_slice %arg4[%mul3A_13] : memref<320000xi32, #tpu.memory_space<hbm>> -> memref<16xi32, #tpu.memory_space<hbm>>
      %dma_wait3A_131 = arith.constant 0 : i32
      %dma_wait3A_132 = tpu.memref_slice %arg16[%dma_wait3A_131] : memref<64xi32, #tpu.memory_space<vmem>> -> memref<16xi32, #tpu.memory_space<vmem>>
      %dma_wait3A_133 = tpu.memref_slice %arg4[%mul3A_13] : memref<320000xi32, #tpu.memory_space<hbm>> -> memref<16xi32, #tpu.memory_space<hbm>>
      tpu.wait_dma2 semaphore(%run_scoped3A : memref<!tpu.dma_semaphore, #tpu.memory_space<semaphore_mem>>) src(%dma_wait3A_133 : memref<16xi32, #tpu.memory_space<hbm>>) dst(%dma_wait3A_132 : memref<16xi32, #tpu.memory_space<vmem>>)
      tpu.yield
    }) : () -> ()
    "tpu.region"() ({
      %run_scoped3A = tpu.sem_alloc : memref<!tpu.dma_semaphore, #tpu.memory_space<semaphore_mem>>
      %dma_start3A_122 = arith.constant 0 : i32
      %dma_start3A_123 = arith.constant 0 : i32
      %dma_start3A_124 = tpu.memref_slice %arg12[%dma_start3A_122, %dma_start3A_123] : memref<64x128xf32, #tpu.memory_space<vmem>> -> memref<16x128xf32, #tpu.memory_space<vmem>>
      %dma_start3A_125 = arith.constant 0 : i32
      %dma_start3A_126 = tpu.memref_slice %arg5[%mul3A_13, %dma_start3A_125] : memref<320000x128xf32, #tpu.memory_space<hbm>> -> memref<16x128xf32, #tpu.memory_space<hbm>>
      %dma_start3A_127 = arith.constant 0 : i32
      %dma_start3A_128 = arith.constant 0 : i32
      %dma_start3A_129 = tpu.memref_slice %arg12[%dma_start3A_127, %dma_start3A_128] : memref<64x128xf32, #tpu.memory_space<vmem>> -> memref<16x128xf32, #tpu.memory_space<vmem>>
      %dma_start3A_130 = arith.constant 0 : i32
      %dma_start3A_131 = tpu.memref_slice %arg5[%mul3A_13, %dma_start3A_130] : memref<320000x128xf32, #tpu.memory_space<hbm>> -> memref<16x128xf32, #tpu.memory_space<hbm>>
      tpu.enqueue_dma source(%dma_start3A_131 : memref<16x128xf32, #tpu.memory_space<hbm>>) target(%dma_start3A_129 : memref<16x128xf32, #tpu.memory_space<vmem>>) target_semaphore(%run_scoped3A : memref<!tpu.dma_semaphore, #tpu.memory_space<semaphore_mem>>)
      %dma_wait3A_132 = arith.constant 0 : i32
      %dma_wait3A_133 = arith.constant 0 : i32
      %dma_wait3A_134 = tpu.memref_slice %arg12[%dma_wait3A_132, %dma_wait3A_133] : memref<64x128xf32, #tpu.memory_space<vmem>> -> memref<16x128xf32, #tpu.memory_space<vmem>>
      %dma_wait3A_135 = arith.constant 0 : i32
      %dma_wait3A_136 = tpu.memref_slice %arg5[%mul3A_13, %dma_wait3A_135] : memref<320000x128xf32, #tpu.memory_space<hbm>> -> memref<16x128xf32, #tpu.memory_space<hbm>>
      %dma_wait3A_137 = arith.constant 0 : i32
      %dma_wait3A_138 = arith.constant 0 : i32
      %dma_wait3A_139 = tpu.memref_slice %arg12[%dma_wait3A_137, %dma_wait3A_138] : memref<64x128xf32, #tpu.memory_space<vmem>> -> memref<16x128xf32, #tpu.memory_space<vmem>>
      %dma_wait3A_140 = arith.constant 0 : i32
      %dma_wait3A_141 = tpu.memref_slice %arg5[%mul3A_13, %dma_wait3A_140] : memref<320000x128xf32, #tpu.memory_space<hbm>> -> memref<16x128xf32, #tpu.memory_space<hbm>>
      tpu.wait_dma2 semaphore(%run_scoped3A : memref<!tpu.dma_semaphore, #tpu.memory_space<semaphore_mem>>) src(%dma_wait3A_141 : memref<16x128xf32, #tpu.memory_space<hbm>>) dst(%dma_wait3A_139 : memref<16x128xf32, #tpu.memory_space<vmem>>)
      tpu.yield
    }) : () -> ()
    %dma_start3A = arith.constant 0 : i32
    %dma_start3A_14 = arith.constant 0 : i32
    %dma_start3A_15 = tpu.memref_slice %arg8[%dma_start3A, %dma_start3A_14] : memref<64x128xf32, #tpu.memory_space<vmem>> -> memref<16x128xf32, #tpu.memory_space<vmem>>
    %dma_start3A_16 = arith.constant 0 : i32
    %dma_start3A_17 = tpu.memref_slice %arg14[%dma_start3A_16] : memref<64xi32, #tpu.memory_space<vmem>> -> memref<16xi32, #tpu.memory_space<vmem>>
    %dma_start3A_18 = arith.constant 0 : i32
    %dma_start3A_19 = arith.constant 0 : i32
    %dma_start3A_20 = tpu.memref_slice %arg2[%dma_start3A_18, %dma_start3A_19] : memref<10000x128xf32, #tpu.memory_space<hbm>> -> memref<10000x128xf32, #tpu.memory_space<hbm>>
    tpu.enqueue_indirect_dma source(%dma_start3A_20 : memref<10000x128xf32, #tpu.memory_space<hbm>>) target(%dma_start3A_15 : memref<16x128xf32, #tpu.memory_space<vmem>>) offsets(%dma_start3A_17 : memref<16xi32, #tpu.memory_space<vmem>>) semaphore(%arg20 : memref<!tpu.dma_semaphore, #tpu.memory_space<semaphore_mem>>)
    %dma_wait3A = arith.constant 0 : i32
    %dma_wait3A_21 = arith.constant 0 : i32
    %dma_wait3A_22 = tpu.memref_slice %arg8[%dma_wait3A, %dma_wait3A_21] : memref<64x128xf32, #tpu.memory_space<vmem>> -> memref<16x128xf32, #tpu.memory_space<vmem>>
    %dma_wait3A_23 = arith.constant 0 : i32
    %dma_wait3A_24 = tpu.memref_slice %arg14[%dma_wait3A_23] : memref<64xi32, #tpu.memory_space<vmem>> -> memref<16xi32, #tpu.memory_space<vmem>>
    %dma_wait3A_25 = arith.constant 0 : i32
    %dma_wait3A_26 = arith.constant 0 : i32
    %dma_wait3A_27 = tpu.memref_slice %arg2[%dma_wait3A_25, %dma_wait3A_26] : memref<10000x128xf32, #tpu.memory_space<hbm>> -> memref<10000x128xf32, #tpu.memory_space<hbm>>
    tpu.wait_indirect_dma semaphore(%arg20 : memref<!tpu.dma_semaphore, #tpu.memory_space<semaphore_mem>>) src(%dma_wait3A_27 : memref<10000x128xf32, #tpu.memory_space<hbm>>) dst(%dma_wait3A_22 : memref<16x128xf32, #tpu.memory_space<vmem>>)
    %scan3A = arith.constant 0 : i32
    %scan3A_28 = arith.constant 8 : i32
    %scan3A_29 = arith.addi %scan3A, %scan3A_28 : i32
    %scan3A_30 = arith.constant 1 : i32
    scf.for %scan3A_122 = %scan3A to %scan3A_29 step %scan3A_30  : i32 {
      %mul3A_123 = arith.constant 2 : i32
      %mul3A_124 = arith.muli %scan3A_122, %mul3A_123 : i32
      %add3A_125 = arith.constant 0 : i32
      %add3A_126 = arith.addi %add3A_125, %mul3A_124 : i32
      %add3A_127 = arith.constant 0 : i32
      %add3A_128 = arith.addi %add3A_126, %add3A_127 : i32
      %get3A = arith.index_cast %add3A_128 : i32 to index
      %get3A_129 = arith.constant 0 : index
      %get3A_130 = tpu.vector_load %arg8[%get3A, %get3A_129] {strides = array<i32>} : memref<64x128xf32, #tpu.memory_space<vmem>>, vector<1x16xf32>,
      %get3A_131 = vector.shape_cast %get3A_130 : vector<1x16xf32> to vector<1x16xf32>
      %get3A_132 = arith.index_cast %add3A_128 : i32 to index
      %get3A_133 = arith.constant 0 : index
      %get3A_134 = tpu.vector_load %arg12[%get3A_132, %get3A_133] {strides = array<i32>} : memref<64x128xf32, #tpu.memory_space<vmem>>, vector<1x16xf32>,
      %get3A_135 = vector.shape_cast %get3A_134 : vector<1x16xf32> to vector<1x16xf32>
      %add3A_136 = arith.addf %get3A_131, %get3A_135 : vector<1x16xf32>
      %max3A = arith.constant 0.000000e+00 : f32
      %max3A_137 = vector.broadcast %max3A : f32 to vector<1x16xf32>
      %max3A_138 = arith.maximumf %add3A_136, %max3A_137 : vector<1x16xf32>
      %swap3A = arith.index_cast %add3A_128 : i32 to index
      %swap3A_139 = arith.constant 0 : index
      %swap3A_140 = tpu.vector_load %arg8[%swap3A, %swap3A_139] {strides = array<i32>} : memref<64x128xf32, #tpu.memory_space<vmem>>, vector<1x16xf32>,
      %swap3A_141 = vector.shape_cast %swap3A_140 : vector<1x16xf32> to vector<1x16xf32>
      %swap3A_142 = vector.shape_cast %max3A_138 : vector<1x16xf32> to vector<1x16xf32>
      tpu.vector_store %arg8[%swap3A, %swap3A_139], %swap3A_142 {strides = array<i32>} : memref<64x128xf32, #tpu.memory_space<vmem>>, vector<1x16xf32>,
      %add3A_143 = arith.constant 0 : i32
      %add3A_144 = arith.addi %add3A_126, %add3A_143 : i32
      %get3A_145 = arith.index_cast %add3A_144 : i32 to index
      %get3A_146 = arith.constant 16 : index
      %get3A_147 = tpu.vector_load %arg8[%get3A_145, %get3A_146] {strides = array<i32>} : memref<64x128xf32, #tpu.memory_space<vmem>>, vector<1x16xf32>,
      %get3A_148 = vector.shape_cast %get3A_147 : vector<1x16xf32> to vector<1x16xf32>
      %get3A_149 = arith.index_cast %add3A_144 : i32 to index
      %get3A_150 = arith.constant 16 : index
      %get3A_151 = tpu.vector_load %arg12[%get3A_149, %get3A_150] {strides = array<i32>} : memref<64x128xf32, #tpu.memory_space<vmem>>, vector<1x16xf32>,
      %get3A_152 = vector.shape_cast %get3A_151 : vector<1x16xf32> to vector<1x16xf32>
      %add3A_153 = arith.addf %get3A_148, %get3A_152 : vector<1x16xf32>
      %max3A_154 = arith.constant 0.000000e+00 : f32
      %max3A_155 = vector.broadcast %max3A_154 : f32 to vector<1x16xf32>
      %max3A_156 = arith.maximumf %add3A_153, %max3A_155 : vector<1x16xf32>
      %swap3A_157 = arith.index_cast %add3A_144 : i32 to index
      %swap3A_158 = arith.constant 16 : index
      %swap3A_159 = tpu.vector_load %arg8[%swap3A_157, %swap3A_158] {strides = array<i32>} : memref<64x128xf32, #tpu.memory_space<vmem>>, vector<1x16xf32>,
      %swap3A_160 = vector.shape_cast %swap3A_159 : vector<1x16xf32> to vector<1x16xf32>
      %swap3A_161 = vector.shape_cast %max3A_156 : vector<1x16xf32> to vector<1x16xf32>
      tpu.vector_store %arg8[%swap3A_157, %swap3A_158], %swap3A_161 {strides = array<i32>} : memref<64x128xf32, #tpu.memory_space<vmem>>, vector<1x16xf32>,
      %add3A_162 = arith.constant 0 : i32
      %add3A_163 = arith.addi %add3A_126, %add3A_162 : i32
      %get3A_164 = arith.index_cast %add3A_163 : i32 to index
      %get3A_165 = arith.constant 32 : index
      %get3A_166 = tpu.vector_load %arg8[%get3A_164, %get3A_165] {strides = array<i32>} : memref<64x128xf32, #tpu.memory_space<vmem>>, vector<1x16xf32>,
      %get3A_167 = vector.shape_cast %get3A_166 : vector<1x16xf32> to vector<1x16xf32>
      %get3A_168 = arith.index_cast %add3A_163 : i32 to index
      %get3A_169 = arith.constant 32 : index
      %get3A_170 = tpu.vector_load %arg12[%get3A_168, %get3A_169] {strides = array<i32>} : memref<64x128xf32, #tpu.memory_space<vmem>>, vector<1x16xf32>,
      %get3A_171 = vector.shape_cast %get3A_170 : vector<1x16xf32> to vector<1x16xf32>
      %add3A_172 = arith.addf %get3A_167, %get3A_171 : vector<1x16xf32>
      %max3A_173 = arith.constant 0.000000e+00 : f32
      %max3A_174 = vector.broadcast %max3A_173 : f32 to vector<1x16xf32>
      %max3A_175 = arith.maximumf %add3A_172, %max3A_174 : vector<1x16xf32>
      %swap3A_176 = arith.index_cast %add3A_163 : i32 to index
      %swap3A_177 = arith.constant 32 : index
      %swap3A_178 = tpu.vector_load %arg8[%swap3A_176, %swap3A_177] {strides = array<i32>} : memref<64x128xf32, #tpu.memory_space<vmem>>, vector<1x16xf32>,
      %swap3A_179 = vector.shape_cast %swap3A_178 : vector<1x16xf32> to vector<1x16xf32>
      %swap3A_180 = vector.shape_cast %max3A_175 : vector<1x16xf32> to vector<1x16xf32>
      tpu.vector_store %arg8[%swap3A_176, %swap3A_177], %swap3A_180 {strides = array<i32>} : memref<64x128xf32, #tpu.memory_space<vmem>>, vector<1x16xf32>,
      %add3A_181 = arith.constant 0 : i32
      %add3A_182 = arith.addi %add3A_126, %add3A_181 : i32
      %get3A_183 = arith.index_cast %add3A_182 : i32 to index
      %get3A_184 = arith.constant 48 : index
      %get3A_185 = tpu.vector_load %arg8[%get3A_183, %get3A_184] {strides = array<i32>} : memref<64x128xf32, #tpu.memory_space<vmem>>, vector<1x16xf32>,
      %get3A_186 = vector.shape_cast %get3A_185 : vector<1x16xf32> to vector<1x16xf32>
      %get3A_187 = arith.index_cast %add3A_182 : i32 to index
      %get3A_188 = arith.constant 48 : index
      %get3A_189 = tpu.vector_load %arg12[%get3A_187, %get3A_188] {strides = array<i32>} : memref<64x128xf32, #tpu.memory_space<vmem>>, vector<1x16xf32>,
      %get3A_190 = vector.shape_cast %get3A_189 : vector<1x16xf32> to vector<1x16xf32>
      %add3A_191 = arith.addf %get3A_186, %get3A_190 : vector<1x16xf32>
      %max3A_192 = arith.constant 0.000000e+00 : f32
      %max3A_193 = vector.broadcast %max3A_192 : f32 to vector<1x16xf32>
      %max3A_194 = arith.maximumf %add3A_191, %max3A_193 : vector<1x16xf32>
      %swap3A_195 = arith.index_cast %add3A_182 : i32 to index
      %swap3A_196 = arith.constant 48 : index
      %swap3A_197 = tpu.vector_load %arg8[%swap3A_195, %swap3A_196] {strides = array<i32>} : memref<64x128xf32, #tpu.memory_space<vmem>>, vector<1x16xf32>,
      %swap3A_198 = vector.shape_cast %swap3A_197 : vector<1x16xf32> to vector<1x16xf32>
      %swap3A_199 = vector.shape_cast %max3A_194 : vector<1x16xf32> to vector<1x16xf32>
      tpu.vector_store %arg8[%swap3A_195, %swap3A_196], %swap3A_199 {strides = array<i32>} : memref<64x128xf32, #tpu.memory_space<vmem>>, vector<1x16xf32>,
      %add3A_200 = arith.constant 0 : i32
      %add3A_201 = arith.addi %add3A_126, %add3A_200 : i32
      %get3A_202 = arith.index_cast %add3A_201 : i32 to index
      %get3A_203 = arith.constant 64 : index
      %get3A_204 = tpu.vector_load %arg8[%get3A_202, %get3A_203] {strides = array<i32>} : memref<64x128xf32, #tpu.memory_space<vmem>>, vector<1x16xf32>,
      %get3A_205 = vector.shape_cast %get3A_204 : vector<1x16xf32> to vector<1x16xf32>
      %get3A_206 = arith.index_cast %add3A_201 : i32 to index
      %get3A_207 = arith.constant 64 : index
      %get3A_208 = tpu.vector_load %arg12[%get3A_206, %get3A_207] {strides = array<i32>} : memref<64x128xf32, #tpu.memory_space<vmem>>, vector<1x16xf32>,
      %get3A_209 = vector.shape_cast %get3A_208 : vector<1x16xf32> to vector<1x16xf32>
      %add3A_210 = arith.addf %get3A_205, %get3A_209 : vector<1x16xf32>
      %max3A_211 = arith.constant 0.000000e+00 : f32
      %max3A_212 = vector.broadcast %max3A_211 : f32 to vector<1x16xf32>
      %max3A_213 = arith.maximumf %add3A_210, %max3A_212 : vector<1x16xf32>
      %swap3A_214 = arith.index_cast %add3A_201 : i32 to index
      %swap3A_215 = arith.constant 64 : index
      %swap3A_216 = tpu.vector_load %arg8[%swap3A_214, %swap3A_215] {strides = array<i32>} : memref<64x128xf32, #tpu.memory_space<vmem>>, vector<1x16xf32>,
      %swap3A_217 = vector.shape_cast %swap3A_216 : vector<1x16xf32> to vector<1x16xf32>
      %swap3A_218 = vector.shape_cast %max3A_213 : vector<1x16xf32> to vector<1x16xf32>
      tpu.vector_store %arg8[%swap3A_214, %swap3A_215], %swap3A_218 {strides = array<i32>} : memref<64x128xf32, #tpu.memory_space<vmem>>, vector<1x16xf32>,
      %add3A_219 = arith.constant 0 : i32
      %add3A_220 = arith.addi %add3A_126, %add3A_219 : i32
      %get3A_221 = arith.index_cast %add3A_220 : i32 to index
      %get3A_222 = arith.constant 80 : index
      %get3A_223 = tpu.vector_load %arg8[%get3A_221, %get3A_222] {strides = array<i32>} : memref<64x128xf32, #tpu.memory_space<vmem>>, vector<1x16xf32>,
      %get3A_224 = vector.shape_cast %get3A_223 : vector<1x16xf32> to vector<1x16xf32>
      %get3A_225 = arith.index_cast %add3A_220 : i32 to index
      %get3A_226 = arith.constant 80 : index
      %get3A_227 = tpu.vector_load %arg12[%get3A_225, %get3A_226] {strides = array<i32>} : memref<64x128xf32, #tpu.memory_space<vmem>>, vector<1x16xf32>,
      %get3A_228 = vector.shape_cast %get3A_227 : vector<1x16xf32> to vector<1x16xf32>
      %add3A_229 = arith.addf %get3A_224, %get3A_228 : vector<1x16xf32>
      %max3A_230 = arith.constant 0.000000e+00 : f32
      %max3A_231 = vector.broadcast %max3A_230 : f32 to vector<1x16xf32>
      %max3A_232 = arith.maximumf %add3A_229, %max3A_231 : vector<1x16xf32>
      %swap3A_233 = arith.index_cast %add3A_220 : i32 to index
      %swap3A_234 = arith.constant 80 : index
      %swap3A_235 = tpu.vector_load %arg8[%swap3A_233, %swap3A_234] {strides = array<i32>} : memref<64x128xf32, #tpu.memory_space<vmem>>, vector<1x16xf32>,
      %swap3A_236 = vector.shape_cast %swap3A_235 : vector<1x16xf32> to vector<1x16xf32>
      %swap3A_237 = vector.shape_cast %max3A_232 : vector<1x16xf32> to vector<1x16xf32>
      tpu.vector_store %arg8[%swap3A_233, %swap3A_234], %swap3A_237 {strides = array<i32>} : memref<64x128xf32, #tpu.memory_space<vmem>>, vector<1x16xf32>,
      %add3A_238 = arith.constant 0 : i32
      %add3A_239 = arith.addi %add3A_126, %add3A_238 : i32
      %get3A_240 = arith.index_cast %add3A_239 : i32 to index
      %get3A_241 = arith.constant 96 : index
      %get3A_242 = tpu.vector_load %arg8[%get3A_240, %get3A_241] {strides = array<i32>} : memref<64x128xf32, #tpu.memory_space<vmem>>, vector<1x16xf32>,
      %get3A_243 = vector.shape_cast %get3A_242 : vector<1x16xf32> to vector<1x16xf32>
      %get3A_244 = arith.index_cast %add3A_239 : i32 to index
      %get3A_245 = arith.constant 96 : index
      %get3A_246 = tpu.vector_load %arg12[%get3A_244, %get3A_245] {strides = array<i32>} : memref<64x128xf32, #tpu.memory_space<vmem>>, vector<1x16xf32>,
      %get3A_247 = vector.shape_cast %get3A_246 : vector<1x16xf32> to vector<1x16xf32>
      %add3A_248 = arith.addf %get3A_243, %get3A_247 : vector<1x16xf32>
      %max3A_249 = arith.constant 0.000000e+00 : f32
      %max3A_250 = vector.broadcast %max3A_249 : f32 to vector<1x16xf32>
      %max3A_251 = arith.maximumf %add3A_248, %max3A_250 : vector<1x16xf32>
      %swap3A_252 = arith.index_cast %add3A_239 : i32 to index
      %swap3A_253 = arith.constant 96 : index
      %swap3A_254 = tpu.vector_load %arg8[%swap3A_252, %swap3A_253] {strides = array<i32>} : memref<64x128xf32, #tpu.memory_space<vmem>>, vector<1x16xf32>,
      %swap3A_255 = vector.shape_cast %swap3A_254 : vector<1x16xf32> to vector<1x16xf32>
      %swap3A_256 = vector.shape_cast %max3A_251 : vector<1x16xf32> to vector<1x16xf32>
      tpu.vector_store %arg8[%swap3A_252, %swap3A_253], %swap3A_256 {strides = array<i32>} : memref<64x128xf32, #tpu.memory_space<vmem>>, vector<1x16xf32>,
      %add3A_257 = arith.constant 0 : i32
      %add3A_258 = arith.addi %add3A_126, %add3A_257 : i32
      %get3A_259 = arith.index_cast %add3A_258 : i32 to index
      %get3A_260 = arith.constant 112 : index
      %get3A_261 = tpu.vector_load %arg8[%get3A_259, %get3A_260] {strides = array<i32>} : memref<64x128xf32, #tpu.memory_space<vmem>>, vector<1x16xf32>,
      %get3A_262 = vector.shape_cast %get3A_261 : vector<1x16xf32> to vector<1x16xf32>
      %get3A_263 = arith.index_cast %add3A_258 : i32 to index
      %get3A_264 = arith.constant 112 : index
      %get3A_265 = tpu.vector_load %arg12[%get3A_263, %get3A_264] {strides = array<i32>} : memref<64x128xf32, #tpu.memory_space<vmem>>, vector<1x16xf32>,
      %get3A_266 = vector.shape_cast %get3A_265 : vector<1x16xf32> to vector<1x16xf32>
      %add3A_267 = arith.addf %get3A_262, %get3A_266 : vector<1x16xf32>
      %max3A_268 = arith.constant 0.000000e+00 : f32
      %max3A_269 = vector.broadcast %max3A_268 : f32 to vector<1x16xf32>
      %max3A_270 = arith.maximumf %add3A_267, %max3A_269 : vector<1x16xf32>
      %swap3A_271 = arith.index_cast %add3A_258 : i32 to index
      %swap3A_272 = arith.constant 112 : index
      %swap3A_273 = tpu.vector_load %arg8[%swap3A_271, %swap3A_272] {strides = array<i32>} : memref<64x128xf32, #tpu.memory_space<vmem>>, vector<1x16xf32>,
      %swap3A_274 = vector.shape_cast %swap3A_273 : vector<1x16xf32> to vector<1x16xf32>
      %swap3A_275 = vector.shape_cast %max3A_270 : vector<1x16xf32> to vector<1x16xf32>
      tpu.vector_store %arg8[%swap3A_271, %swap3A_272], %swap3A_275 {strides = array<i32>} : memref<64x128xf32, #tpu.memory_space<vmem>>, vector<1x16xf32>,
      %add3A_276 = arith.constant 1 : i32
      %add3A_277 = arith.addi %add3A_126, %add3A_276 : i32
      %get3A_278 = arith.index_cast %add3A_277 : i32 to index
      %get3A_279 = arith.constant 0 : index
      %get3A_280 = tpu.vector_load %arg8[%get3A_278, %get3A_279] {strides = array<i32>} : memref<64x128xf32, #tpu.memory_space<vmem>>, vector<1x16xf32>,
      %get3A_281 = vector.shape_cast %get3A_280 : vector<1x16xf32> to vector<1x16xf32>
      %get3A_282 = arith.index_cast %add3A_277 : i32 to index
      %get3A_283 = arith.constant 0 : index
      %get3A_284 = tpu.vector_load %arg12[%get3A_282, %get3A_283] {strides = array<i32>} : memref<64x128xf32, #tpu.memory_space<vmem>>, vector<1x16xf32>,
      %get3A_285 = vector.shape_cast %get3A_284 : vector<1x16xf32> to vector<1x16xf32>
      %add3A_286 = arith.addf %get3A_281, %get3A_285 : vector<1x16xf32>
      %max3A_287 = arith.constant 0.000000e+00 : f32
      %max3A_288 = vector.broadcast %max3A_287 : f32 to vector<1x16xf32>
      %max3A_289 = arith.maximumf %add3A_286, %max3A_288 : vector<1x16xf32>
      %swap3A_290 = arith.index_cast %add3A_277 : i32 to index
      %swap3A_291 = arith.constant 0 : index
      %swap3A_292 = tpu.vector_load %arg8[%swap3A_290, %swap3A_291] {strides = array<i32>} : memref<64x128xf32, #tpu.memory_space<vmem>>, vector<1x16xf32>,
      %swap3A_293 = vector.shape_cast %swap3A_292 : vector<1x16xf32> to vector<1x16xf32>
      %swap3A_294 = vector.shape_cast %max3A_289 : vector<1x16xf32> to vector<1x16xf32>
      tpu.vector_store %arg8[%swap3A_290, %swap3A_291], %swap3A_294 {strides = array<i32>} : memref<64x128xf32, #tpu.memory_space<vmem>>, vector<1x16xf32>,
      %add3A_295 = arith.constant 1 : i32
      %add3A_296 = arith.addi %add3A_126, %add3A_295 : i32
      %get3A_297 = arith.index_cast %add3A_296 : i32 to index
      %get3A_298 = arith.constant 16 : index
      %get3A_299 = tpu.vector_load %arg8[%get3A_297, %get3A_298] {strides = array<i32>} : memref<64x128xf32, #tpu.memory_space<vmem>>, vector<1x16xf32>,
      %get3A_300 = vector.shape_cast %get3A_299 : vector<1x16xf32> to vector<1x16xf32>
      %get3A_301 = arith.index_cast %add3A_296 : i32 to index
      %get3A_302 = arith.constant 16 : index
      %get3A_303 = tpu.vector_load %arg12[%get3A_301, %get3A_302] {strides = array<i32>} : memref<64x128xf32, #tpu.memory_space<vmem>>, vector<1x16xf32>,
      %get3A_304 = vector.shape_cast %get3A_303 : vector<1x16xf32> to vector<1x16xf32>
      %add3A_305 = arith.addf %get3A_300, %get3A_304 : vector<1x16xf32>
      %max3A_306 = arith.constant 0.000000e+00 : f32
      %max3A_307 = vector.broadcast %max3A_306 : f32 to vector<1x16xf32>
      %max3A_308 = arith.maximumf %add3A_305, %max3A_307 : vector<1x16xf32>
      %swap3A_309 = arith.index_cast %add3A_296 : i32 to index
      %swap3A_310 = arith.constant 16 : index
      %swap3A_311 = tpu.vector_load %arg8[%swap3A_309, %swap3A_310] {strides = array<i32>} : memref<64x128xf32, #tpu.memory_space<vmem>>, vector<1x16xf32>,
      %swap3A_312 = vector.shape_cast %swap3A_311 : vector<1x16xf32> to vector<1x16xf32>
      %swap3A_313 = vector.shape_cast %max3A_308 : vector<1x16xf32> to vector<1x16xf32>
      tpu.vector_store %arg8[%swap3A_309, %swap3A_310], %swap3A_313 {strides = array<i32>} : memref<64x128xf32, #tpu.memory_space<vmem>>, vector<1x16xf32>,
      %add3A_314 = arith.constant 1 : i32
      %add3A_315 = arith.addi %add3A_126, %add3A_314 : i32
      %get3A_316 = arith.index_cast %add3A_315 : i32 to index
      %get3A_317 = arith.constant 32 : index
      %get3A_318 = tpu.vector_load %arg8[%get3A_316, %get3A_317] {strides = array<i32>} : memref<64x128xf32, #tpu.memory_space<vmem>>, vector<1x16xf32>,
      %get3A_319 = vector.shape_cast %get3A_318 : vector<1x16xf32> to vector<1x16xf32>
      %get3A_320 = arith.index_cast %add3A_315 : i32 to index
      %get3A_321 = arith.constant 32 : index
      %get3A_322 = tpu.vector_load %arg12[%get3A_320, %get3A_321] {strides = array<i32>} : memref<64x128xf32, #tpu.memory_space<vmem>>, vector<1x16xf32>,
      %get3A_323 = vector.shape_cast %get3A_322 : vector<1x16xf32> to vector<1x16xf32>
      %add3A_324 = arith.addf %get3A_319, %get3A_323 : vector<1x16xf32>
      %max3A_325 = arith.constant 0.000000e+00 : f32
      %max3A_326 = vector.broadcast %max3A_325 : f32 to vector<1x16xf32>
      %max3A_327 = arith.maximumf %add3A_324, %max3A_326 : vector<1x16xf32>
      %swap3A_328 = arith.index_cast %add3A_315 : i32 to index
      %swap3A_329 = arith.constant 32 : index
      %swap3A_330 = tpu.vector_load %arg8[%swap3A_328, %swap3A_329] {strides = array<i32>} : memref<64x128xf32, #tpu.memory_space<vmem>>, vector<1x16xf32>,
      %swap3A_331 = vector.shape_cast %swap3A_330 : vector<1x16xf32> to vector<1x16xf32>
      %swap3A_332 = vector.shape_cast %max3A_327 : vector<1x16xf32> to vector<1x16xf32>
      tpu.vector_store %arg8[%swap3A_328, %swap3A_329], %swap3A_332 {strides = array<i32>} : memref<64x128xf32, #tpu.memory_space<vmem>>, vector<1x16xf32>,
      %add3A_333 = arith.constant 1 : i32
      %add3A_334 = arith.addi %add3A_126, %add3A_333 : i32
      %get3A_335 = arith.index_cast %add3A_334 : i32 to index
      %get3A_336 = arith.constant 48 : index
      %get3A_337 = tpu.vector_load %arg8[%get3A_335, %get3A_336] {strides = array<i32>} : memref<64x128xf32, #tpu.memory_space<vmem>>, vector<1x16xf32>,
      %get3A_338 = vector.shape_cast %get3A_337 : vector<1x16xf32> to vector<1x16xf32>
      %get3A_339 = arith.index_cast %add3A_334 : i32 to index
      %get3A_340 = arith.constant 48 : index
      %get3A_341 = tpu.vector_load %arg12[%get3A_339, %get3A_340] {strides = array<i32>} : memref<64x128xf32, #tpu.memory_space<vmem>>, vector<1x16xf32>,
      %get3A_342 = vector.shape_cast %get3A_341 : vector<1x16xf32> to vector<1x16xf32>
      %add3A_343 = arith.addf %get3A_338, %get3A_342 : vector<1x16xf32>
      %max3A_344 = arith.constant 0.000000e+00 : f32
      %max3A_345 = vector.broadcast %max3A_344 : f32 to vector<1x16xf32>
      %max3A_346 = arith.maximumf %add3A_343, %max3A_345 : vector<1x16xf32>
      %swap3A_347 = arith.index_cast %add3A_334 : i32 to index
      %swap3A_348 = arith.constant 48 : index
      %swap3A_349 = tpu.vector_load %arg8[%swap3A_347, %swap3A_348] {strides = array<i32>} : memref<64x128xf32, #tpu.memory_space<vmem>>, vector<1x16xf32>,
      %swap3A_350 = vector.shape_cast %swap3A_349 : vector<1x16xf32> to vector<1x16xf32>
      %swap3A_351 = vector.shape_cast %max3A_346 : vector<1x16xf32> to vector<1x16xf32>
      tpu.vector_store %arg8[%swap3A_347, %swap3A_348], %swap3A_351 {strides = array<i32>} : memref<64x128xf32, #tpu.memory_space<vmem>>, vector<1x16xf32>,
      %add3A_352 = arith.constant 1 : i32
      %add3A_353 = arith.addi %add3A_126, %add3A_352 : i32
      %get3A_354 = arith.index_cast %add3A_353 : i32 to index
      %get3A_355 = arith.constant 64 : index
      %get3A_356 = tpu.vector_load %arg8[%get3A_354, %get3A_355] {strides = array<i32>} : memref<64x128xf32, #tpu.memory_space<vmem>>, vector<1x16xf32>,
      %get3A_357 = vector.shape_cast %get3A_356 : vector<1x16xf32> to vector<1x16xf32>
      %get3A_358 = arith.index_cast %add3A_353 : i32 to index
      %get3A_359 = arith.constant 64 : index
      %get3A_360 = tpu.vector_load %arg12[%get3A_358, %get3A_359] {strides = array<i32>} : memref<64x128xf32, #tpu.memory_space<vmem>>, vector<1x16xf32>,
      %get3A_361 = vector.shape_cast %get3A_360 : vector<1x16xf32> to vector<1x16xf32>
      %add3A_362 = arith.addf %get3A_357, %get3A_361 : vector<1x16xf32>
      %max3A_363 = arith.constant 0.000000e+00 : f32
      %max3A_364 = vector.broadcast %max3A_363 : f32 to vector<1x16xf32>
      %max3A_365 = arith.maximumf %add3A_362, %max3A_364 : vector<1x16xf32>
      %swap3A_366 = arith.index_cast %add3A_353 : i32 to index
      %swap3A_367 = arith.constant 64 : index
      %swap3A_368 = tpu.vector_load %arg8[%swap3A_366, %swap3A_367] {strides = array<i32>} : memref<64x128xf32, #tpu.memory_space<vmem>>, vector<1x16xf32>,
      %swap3A_369 = vector.shape_cast %swap3A_368 : vector<1x16xf32> to vector<1x16xf32>
      %swap3A_370 = vector.shape_cast %max3A_365 : vector<1x16xf32> to vector<1x16xf32>
      tpu.vector_store %arg8[%swap3A_366, %swap3A_367], %swap3A_370 {strides = array<i32>} : memref<64x128xf32, #tpu.memory_space<vmem>>, vector<1x16xf32>,
      %add3A_371 = arith.constant 1 : i32
      %add3A_372 = arith.addi %add3A_126, %add3A_371 : i32
      %get3A_373 = arith.index_cast %add3A_372 : i32 to index
      %get3A_374 = arith.constant 80 : index
      %get3A_375 = tpu.vector_load %arg8[%get3A_373, %get3A_374] {strides = array<i32>} : memref<64x128xf32, #tpu.memory_space<vmem>>, vector<1x16xf32>,
      %get3A_376 = vector.shape_cast %get3A_375 : vector<1x16xf32> to vector<1x16xf32>
      %get3A_377 = arith.index_cast %add3A_372 : i32 to index
      %get3A_378 = arith.constant 80 : index
      %get3A_379 = tpu.vector_load %arg12[%get3A_377, %get3A_378] {strides = array<i32>} : memref<64x128xf32, #tpu.memory_space<vmem>>, vector<1x16xf32>,
      %get3A_380 = vector.shape_cast %get3A_379 : vector<1x16xf32> to vector<1x16xf32>
      %add3A_381 = arith.addf %get3A_376, %get3A_380 : vector<1x16xf32>
      %max3A_382 = arith.constant 0.000000e+00 : f32
      %max3A_383 = vector.broadcast %max3A_382 : f32 to vector<1x16xf32>
      %max3A_384 = arith.maximumf %add3A_381, %max3A_383 : vector<1x16xf32>
      %swap3A_385 = arith.index_cast %add3A_372 : i32 to index
      %swap3A_386 = arith.constant 80 : index
      %swap3A_387 = tpu.vector_load %arg8[%swap3A_385, %swap3A_386] {strides = array<i32>} : memref<64x128xf32, #tpu.memory_space<vmem>>, vector<1x16xf32>,
      %swap3A_388 = vector.shape_cast %swap3A_387 : vector<1x16xf32> to vector<1x16xf32>
      %swap3A_389 = vector.shape_cast %max3A_384 : vector<1x16xf32> to vector<1x16xf32>
      tpu.vector_store %arg8[%swap3A_385, %swap3A_386], %swap3A_389 {strides = array<i32>} : memref<64x128xf32, #tpu.memory_space<vmem>>, vector<1x16xf32>,
      %add3A_390 = arith.constant 1 : i32
      %add3A_391 = arith.addi %add3A_126, %add3A_390 : i32
      %get3A_392 = arith.index_cast %add3A_391 : i32 to index
      %get3A_393 = arith.constant 96 : index
      %get3A_394 = tpu.vector_load %arg8[%get3A_392, %get3A_393] {strides = array<i32>} : memref<64x128xf32, #tpu.memory_space<vmem>>, vector<1x16xf32>,
      %get3A_395 = vector.shape_cast %get3A_394 : vector<1x16xf32> to vector<1x16xf32>
      %get3A_396 = arith.index_cast %add3A_391 : i32 to index
      %get3A_397 = arith.constant 96 : index
      %get3A_398 = tpu.vector_load %arg12[%get3A_396, %get3A_397] {strides = array<i32>} : memref<64x128xf32, #tpu.memory_space<vmem>>, vector<1x16xf32>,
      %get3A_399 = vector.shape_cast %get3A_398 : vector<1x16xf32> to vector<1x16xf32>
      %add3A_400 = arith.addf %get3A_395, %get3A_399 : vector<1x16xf32>
      %max3A_401 = arith.constant 0.000000e+00 : f32
      %max3A_402 = vector.broadcast %max3A_401 : f32 to vector<1x16xf32>
      %max3A_403 = arith.maximumf %add3A_400, %max3A_402 : vector<1x16xf32>
      %swap3A_404 = arith.index_cast %add3A_391 : i32 to index
      %swap3A_405 = arith.constant 96 : index
      %swap3A_406 = tpu.vector_load %arg8[%swap3A_404, %swap3A_405] {strides = array<i32>} : memref<64x128xf32, #tpu.memory_space<vmem>>, vector<1x16xf32>,
      %swap3A_407 = vector.shape_cast %swap3A_406 : vector<1x16xf32> to vector<1x16xf32>
      %swap3A_408 = vector.shape_cast %max3A_403 : vector<1x16xf32> to vector<1x16xf32>
      tpu.vector_store %arg8[%swap3A_404, %swap3A_405], %swap3A_408 {strides = array<i32>} : memref<64x128xf32, #tpu.memory_space<vmem>>, vector<1x16xf32>,
      %add3A_409 = arith.constant 1 : i32
      %add3A_410 = arith.addi %add3A_126, %add3A_409 : i32
      %get3A_411 = arith.index_cast %add3A_410 : i32 to index
      %get3A_412 = arith.constant 112 : index
      %get3A_413 = tpu.vector_load %arg8[%get3A_411, %get3A_412] {strides = array<i32>} : memref<64x128xf32, #tpu.memory_space<vmem>>, vector<1x16xf32>,
      %get3A_414 = vector.shape_cast %get3A_413 : vector<1x16xf32> to vector<1x16xf32>
      %get3A_415 = arith.index_cast %add3A_410 : i32 to index
      %get3A_416 = arith.constant 112 : index
      %get3A_417 = tpu.vector_load %arg12[%get3A_415, %get3A_416] {strides = array<i32>} : memref<64x128xf32, #tpu.memory_space<vmem>>, vector<1x16xf32>,
      %get3A_418 = vector.shape_cast %get3A_417 : vector<1x16xf32> to vector<1x16xf32>
      %add3A_419 = arith.addf %get3A_414, %get3A_418 : vector<1x16xf32>
      %max3A_420 = arith.constant 0.000000e+00 : f32
      %max3A_421 = vector.broadcast %max3A_420 : f32 to vector<1x16xf32>
      %max3A_422 = arith.maximumf %add3A_419, %max3A_421 : vector<1x16xf32>
      %swap3A_423 = arith.index_cast %add3A_410 : i32 to index
      %swap3A_424 = arith.constant 112 : index
      %swap3A_425 = tpu.vector_load %arg8[%swap3A_423, %swap3A_424] {strides = array<i32>} : memref<64x128xf32, #tpu.memory_space<vmem>>, vector<1x16xf32>,
      %swap3A_426 = vector.shape_cast %swap3A_425 : vector<1x16xf32> to vector<1x16xf32>
      %swap3A_427 = vector.shape_cast %max3A_422 : vector<1x16xf32> to vector<1x16xf32>
      tpu.vector_store %arg8[%swap3A_423, %swap3A_424], %swap3A_427 {strides = array<i32>} : memref<64x128xf32, #tpu.memory_space<vmem>>, vector<1x16xf32>,
    }
    %scan3A_31 = arith.constant 8 : i32
    "tpu.region"() ({
      %run_scoped3A = tpu.sem_alloc : memref<!tpu.dma_semaphore, #tpu.memory_space<semaphore_mem>>
      %dma_start3A_122 = arith.constant 0 : i32
      %dma_start3A_123 = arith.constant 0 : i32
      %dma_start3A_124 = tpu.memref_slice %arg8[%dma_start3A_122, %dma_start3A_123] : memref<64x128xf32, #tpu.memory_space<vmem>> -> memref<16x128xf32, #tpu.memory_space<vmem>>
      %dma_start3A_125 = arith.constant 0 : i32
      %dma_start3A_126 = tpu.memref_slice %arg16[%dma_start3A_125] : memref<64xi32, #tpu.memory_space<vmem>> -> memref<16xi32, #tpu.memory_space<vmem>>
      %dma_start3A_127 = arith.constant 0 : i32
      %dma_start3A_128 = arith.constant 0 : i32
      %dma_start3A_129 = tpu.memref_slice %arg7[%dma_start3A_127, %dma_start3A_128] : memref<10000x128xf32, #tpu.memory_space<vmem_shared>> -> memref<10000x128xf32, #tpu.memory_space<vmem_shared>>
      tpu.enqueue_indirect_dma source(%dma_start3A_124 : memref<16x128xf32, #tpu.memory_space<vmem>>) target(%dma_start3A_129 : memref<10000x128xf32, #tpu.memory_space<vmem_shared>>) offsets(%dma_start3A_126 : memref<16xi32, #tpu.memory_space<vmem>>) semaphore(%run_scoped3A : memref<!tpu.dma_semaphore, #tpu.memory_space<semaphore_mem>>) {add = true}
      %dma_wait3A_130 = arith.constant 0 : i32
      %dma_wait3A_131 = arith.constant 0 : i32
      %dma_wait3A_132 = tpu.memref_slice %arg8[%dma_wait3A_130, %dma_wait3A_131] : memref<64x128xf32, #tpu.memory_space<vmem>> -> memref<16x128xf32, #tpu.memory_space<vmem>>
      %dma_wait3A_133 = arith.constant 0 : i32
      %dma_wait3A_134 = tpu.memref_slice %arg16[%dma_wait3A_133] : memref<64xi32, #tpu.memory_space<vmem>> -> memref<16xi32, #tpu.memory_space<vmem>>
      %dma_wait3A_135 = arith.constant 0 : i32
      %dma_wait3A_136 = arith.constant 0 : i32
      %dma_wait3A_137 = tpu.memref_slice %arg7[%dma_wait3A_135, %dma_wait3A_136] : memref<10000x128xf32, #tpu.memory_space<vmem_shared>> -> memref<10000x128xf32, #tpu.memory_space<vmem_shared>>
      tpu.wait_indirect_dma semaphore(%run_scoped3A : memref<!tpu.dma_semaphore, #tpu.memory_space<semaphore_mem>>) src(%dma_wait3A_132 : memref<16x128xf32, #tpu.memory_space<vmem>>) dst(%dma_wait3A_137 : memref<10000x128xf32, #tpu.memory_space<vmem_shared>>)
      tpu.yield
    }) : () -> ()
    %add3A_32 = arith.constant 16 : i32
    %add3A_33 = arith.addi %mul3A_13, %add3A_32 : i32
    %add3A_34 = arith.constant 0 : i32
    %add3A_35 = arith.addi %add3A_33, %add3A_34 : i32
    %dma_start3A_36 = tpu.memref_slice %arg3[%add3A_35] : memref<320000xi32, #tpu.memory_space<hbm>> -> memref<64xi32, #tpu.memory_space<hbm>>
    %dma_start3A_37 = tpu.memref_slice %arg3[%add3A_35] : memref<320000xi32, #tpu.memory_space<hbm>> -> memref<64xi32, #tpu.memory_space<hbm>>
    tpu.enqueue_dma source(%dma_start3A_37 : memref<64xi32, #tpu.memory_space<hbm>>) target(%arg14 : memref<64xi32, #tpu.memory_space<vmem>>) target_semaphore(%arg26 : memref<!tpu.dma_semaphore, #tpu.memory_space<semaphore_mem>>)
    %add3A_38 = arith.constant 16 : i32
    %add3A_39 = arith.addi %mul3A_13, %add3A_38 : i32
    %add3A_40 = arith.constant 0 : i32
    %add3A_41 = arith.addi %add3A_39, %add3A_40 : i32
    %dma_start3A_42 = tpu.memref_slice %arg4[%add3A_41] : memref<320000xi32, #tpu.memory_space<hbm>> -> memref<64xi32, #tpu.memory_space<hbm>>
    %dma_start3A_43 = tpu.memref_slice %arg4[%add3A_41] : memref<320000xi32, #tpu.memory_space<hbm>> -> memref<64xi32, #tpu.memory_space<hbm>>
    tpu.enqueue_dma source(%dma_start3A_43 : memref<64xi32, #tpu.memory_space<hbm>>) target(%arg16 : memref<64xi32, #tpu.memory_space<vmem>>) target_semaphore(%arg26 : memref<!tpu.dma_semaphore, #tpu.memory_space<semaphore_mem>>)
    %dma_wait3A_44 = tpu.memref_slice %arg3[%add3A_35] : memref<320000xi32, #tpu.memory_space<hbm>> -> memref<64xi32, #tpu.memory_space<hbm>>
    %dma_wait3A_45 = tpu.memref_slice %arg3[%add3A_35] : memref<320000xi32, #tpu.memory_space<hbm>> -> memref<64xi32, #tpu.memory_space<hbm>>
    tpu.wait_dma2 semaphore(%arg26 : memref<!tpu.dma_semaphore, #tpu.memory_space<semaphore_mem>>) src(%dma_wait3A_45 : memref<64xi32, #tpu.memory_space<hbm>>) dst(%arg14 : memref<64xi32, #tpu.memory_space<vmem>>)
    %dma_wait3A_46 = tpu.memref_slice %arg4[%add3A_41] : memref<320000xi32, #tpu.memory_space<hbm>> -> memref<64xi32, #tpu.memory_space<hbm>>
    %dma_wait3A_47 = tpu.memref_slice %arg4[%add3A_41] : memref<320000xi32, #tpu.memory_space<hbm>> -> memref<64xi32, #tpu.memory_space<hbm>>
    tpu.wait_dma2 semaphore(%arg26 : memref<!tpu.dma_semaphore, #tpu.memory_space<semaphore_mem>>) src(%dma_wait3A_47 : memref<64xi32, #tpu.memory_space<hbm>>) dst(%arg16 : memref<64xi32, #tpu.memory_space<vmem>>)
    %dma_start3A_48 = arith.constant 0 : i32
    %dma_start3A_49 = arith.constant 0 : i32
    %dma_start3A_50 = tpu.memref_slice %arg2[%dma_start3A_48, %dma_start3A_49] : memref<10000x128xf32, #tpu.memory_space<hbm>> -> memref<10000x128xf32, #tpu.memory_space<hbm>>
    tpu.enqueue_indirect_dma source(%dma_start3A_50 : memref<10000x128xf32, #tpu.memory_space<hbm>>) target(%arg8 : memref<64x128xf32, #tpu.memory_space<vmem>>) offsets(%arg14 : memref<64xi32, #tpu.memory_space<vmem>>) semaphore(%arg20 : memref<!tpu.dma_semaphore, #tpu.memory_space<semaphore_mem>>)
    %add3A_51 = arith.constant 16 : i32
    %add3A_52 = arith.addi %mul3A_13, %add3A_51 : i32
    %add3A_53 = arith.constant 0 : i32
    %add3A_54 = arith.addi %add3A_52, %add3A_53 : i32
    %dma_start3A_55 = arith.constant 0 : i32
    %dma_start3A_56 = tpu.memref_slice %arg5[%add3A_54, %dma_start3A_55] : memref<320000x128xf32, #tpu.memory_space<hbm>> -> memref<64x128xf32, #tpu.memory_space<hbm>>
    %dma_start3A_57 = arith.constant 0 : i32
    %dma_start3A_58 = tpu.memref_slice %arg5[%add3A_54, %dma_start3A_57] : memref<320000x128xf32, #tpu.memory_space<hbm>> -> memref<64x128xf32, #tpu.memory_space<hbm>>
    tpu.enqueue_dma source(%dma_start3A_58 : memref<64x128xf32, #tpu.memory_space<hbm>>) target(%arg12 : memref<64x128xf32, #tpu.memory_space<vmem>>) target_semaphore(%arg24 : memref<!tpu.dma_semaphore, #tpu.memory_space<semaphore_mem>>)
    %add3A_59 = arith.constant 16 : i32
    %add3A_60 = arith.addi %mul3A_13, %add3A_59 : i32
    %add3A_61 = arith.constant 64 : i32
    %add3A_62 = arith.addi %add3A_60, %add3A_61 : i32
    %dma_start3A_63 = tpu.memref_slice %arg3[%add3A_62] : memref<320000xi32, #tpu.memory_space<hbm>> -> memref<64xi32, #tpu.memory_space<hbm>>
    %dma_start3A_64 = tpu.memref_slice %arg3[%add3A_62] : memref<320000xi32, #tpu.memory_space<hbm>> -> memref<64xi32, #tpu.memory_space<hbm>>
    tpu.enqueue_dma source(%dma_start3A_64 : memref<64xi32, #tpu.memory_space<hbm>>) target(%arg15 : memref<64xi32, #tpu.memory_space<vmem>>) target_semaphore(%arg27 : memref<!tpu.dma_semaphore, #tpu.memory_space<semaphore_mem>>)
    %add3A_65 = arith.constant 16 : i32
    %add3A_66 = arith.addi %mul3A_13, %add3A_65 : i32
    %add3A_67 = arith.constant 64 : i32
    %add3A_68 = arith.addi %add3A_66, %add3A_67 : i32
    %dma_start3A_69 = tpu.memref_slice %arg4[%add3A_68] : memref<320000xi32, #tpu.memory_space<hbm>> -> memref<64xi32, #tpu.memory_space<hbm>>
    %dma_start3A_70 = tpu.memref_slice %arg4[%add3A_68] : memref<320000xi32, #tpu.memory_space<hbm>> -> memref<64xi32, #tpu.memory_space<hbm>>
    tpu.enqueue_dma source(%dma_start3A_70 : memref<64xi32, #tpu.memory_space<hbm>>) target(%arg17 : memref<64xi32, #tpu.memory_space<vmem>>) target_semaphore(%arg27 : memref<!tpu.dma_semaphore, #tpu.memory_space<semaphore_mem>>)
    %scan3A_71 = arith.constant 0 : i32
    %scan3A_72 = arith.constant 39 : i32
    %scan3A_73 = arith.addi %scan3A_71, %scan3A_72 : i32
    %scan3A_74 = arith.constant 1 : i32
    scf.for %scan3A_122 = %scan3A_71 to %scan3A_73 step %scan3A_74  : i32 {
      %mul3A_123 = arith.constant 1 : i32
      %mul3A_124 = arith.muli %scan3A_122, %mul3A_123 : i32
      %add3A_125 = arith.constant 0 : i32
      %add3A_126 = arith.addi %add3A_125, %mul3A_124 : i32
      %mul3A_127 = arith.constant 4 : i32
      %mul3A_128 = arith.muli %mul3A_127, %add3A_126 : i32
      %add3A_129 = arith.constant 0 : i32
      %add3A_130 = arith.addi %mul3A_128, %add3A_129 : i32
      %ge3A = arith.constant 2 : i32
      %ge3A_131 = arith.cmpi sge, %add3A_130, %ge3A : i32
      %convert_element_type3A_132 = arith.extui %ge3A_131 : i1 to i32
      %cond3A_133 = arith.constant 0 : i32
      %cond3A_134 = arith.cmpi ne, %convert_element_type3A_132, %cond3A_133 : i32
      scf.if %cond3A_134 {
        %dma_wait3A_421 = arith.constant 0 : i32
        %dma_wait3A_422 = arith.constant 0 : i32
        %dma_wait3A_423 = tpu.memref_slice %arg7[%dma_wait3A_421, %dma_wait3A_422] : memref<10000x128xf32, #tpu.memory_space<vmem_shared>> -> memref<10000x128xf32, #tpu.memory_space<vmem_shared>>
        tpu.wait_indirect_dma semaphore(%arg28 : memref<!tpu.dma_semaphore, #tpu.memory_space<semaphore_mem>>) src(%arg10 : memref<64x128xf32, #tpu.memory_space<vmem>>) dst(%dma_wait3A_423 : memref<10000x128xf32, #tpu.memory_space<vmem_shared>>)
      } else {
      }
      %add3A_135 = arith.constant 16 : i32
      %add3A_136 = arith.addi %mul3A_13, %add3A_135 : i32
      %add3A_137 = arith.constant 0 : i32
      %add3A_138 = arith.addi %add3A_136, %add3A_137 : i32
      %dma_wait3A_139 = tpu.memref_slice %arg3[%add3A_138] : memref<320000xi32, #tpu.memory_space<hbm>> -> memref<64xi32, #tpu.memory_space<hbm>>
      %dma_wait3A_140 = tpu.memref_slice %arg3[%add3A_138] : memref<320000xi32, #tpu.memory_space<hbm>> -> memref<64xi32, #tpu.memory_space<hbm>>
      tpu.wait_dma2 semaphore(%arg27 : memref<!tpu.dma_semaphore, #tpu.memory_space<semaphore_mem>>) src(%dma_wait3A_140 : memref<64xi32, #tpu.memory_space<hbm>>) dst(%arg15 : memref<64xi32, #tpu.memory_space<vmem>>)
      %add3A_141 = arith.constant 16 : i32
      %add3A_142 = arith.addi %mul3A_13, %add3A_141 : i32
      %add3A_143 = arith.constant 0 : i32
      %add3A_144 = arith.addi %add3A_142, %add3A_143 : i32
      %dma_wait3A_145 = tpu.memref_slice %arg4[%add3A_144] : memref<320000xi32, #tpu.memory_space<hbm>> -> memref<64xi32, #tpu.memory_space<hbm>>
      %dma_wait3A_146 = tpu.memref_slice %arg4[%add3A_144] : memref<320000xi32, #tpu.memory_space<hbm>> -> memref<64xi32, #tpu.memory_space<hbm>>
      tpu.wait_dma2 semaphore(%arg27 : memref<!tpu.dma_semaphore, #tpu.memory_space<semaphore_mem>>) src(%dma_wait3A_146 : memref<64xi32, #tpu.memory_space<hbm>>) dst(%arg17 : memref<64xi32, #tpu.memory_space<vmem>>)
      %add3A_147 = arith.constant 1 : i32
      %add3A_148 = arith.addi %add3A_130, %add3A_147 : i32
      %min3A = arith.constant 155 : i32
      %min3A_149 = arith.minsi %add3A_148, %min3A : i32
      %dma_start3A_150 = arith.constant 0 : i32
      %dma_start3A_151 = arith.constant 0 : i32
      %dma_start3A_152 = tpu.memref_slice %arg2[%dma_start3A_150, %dma_start3A_151] : memref<10000x128xf32, #tpu.memory_space<hbm>> -> memref<10000x128xf32, #tpu.memory_space<hbm>>
      tpu.enqueue_indirect_dma source(%dma_start3A_152 : memref<10000x128xf32, #tpu.memory_space<hbm>>) target(%arg9 : memref<64x128xf32, #tpu.memory_space<vmem>>) offsets(%arg15 : memref<64xi32, #tpu.memory_space<vmem>>) semaphore(%arg21 : memref<!tpu.dma_semaphore, #tpu.memory_space<semaphore_mem>>)
      %add3A_153 = arith.constant 16 : i32
      %add3A_154 = arith.addi %mul3A_13, %add3A_153 : i32
      %mul3A_155 = arith.constant 64 : i32
      %mul3A_156 = arith.muli %min3A_149, %mul3A_155 : i32
      %add3A_157 = arith.addi %add3A_154, %mul3A_156 : i32
      %dma_start3A_158 = arith.constant 0 : i32
      %dma_start3A_159 = tpu.memref_slice %arg5[%add3A_157, %dma_start3A_158] : memref<320000x128xf32, #tpu.memory_space<hbm>> -> memref<64x128xf32, #tpu.memory_space<hbm>>
      %dma_start3A_160 = arith.constant 0 : i32
      %dma_start3A_161 = tpu.memref_slice %arg5[%add3A_157, %dma_start3A_160] : memref<320000x128xf32, #tpu.memory_space<hbm>> -> memref<64x128xf32, #tpu.memory_space<hbm>>
      tpu.enqueue_dma source(%dma_start3A_161 : memref<64x128xf32, #tpu.memory_space<hbm>>) target(%arg13 : memref<64x128xf32, #tpu.memory_space<vmem>>) target_semaphore(%arg25 : memref<!tpu.dma_semaphore, #tpu.memory_space<semaphore_mem>>)
      %dma_wait3A_162 = arith.constant 0 : i32
      %dma_wait3A_163 = arith.constant 0 : i32
      %dma_wait3A_164 = tpu.memref_slice %arg2[%dma_wait3A_162, %dma_wait3A_163] : memref<10000x128xf32, #tpu.memory_space<hbm>> -> memref<10000x128xf32, #tpu.memory_space<hbm>>
      tpu.wait_indirect_dma semaphore(%arg20 : memref<!tpu.dma_semaphore, #tpu.memory_space<semaphore_mem>>) src(%dma_wait3A_164 : memref<10000x128xf32, #tpu.memory_space<hbm>>) dst(%arg8 : memref<64x128xf32, #tpu.memory_space<vmem>>)
      %add3A_165 = arith.constant 16 : i32
      %add3A_166 = arith.addi %mul3A_13, %add3A_165 : i32
      %add3A_167 = arith.constant 0 : i32
      %add3A_168 = arith.addi %add3A_166, %add3A_167 : i32
      %dma_wait3A_169 = arith.constant 0 : i32
      %dma_wait3A_170 = tpu.memref_slice %arg5[%add3A_168, %dma_wait3A_169] : memref<320000x128xf32, #tpu.memory_space<hbm>> -> memref<64x128xf32, #tpu.memory_space<hbm>>
      %dma_wait3A_171 = arith.constant 0 : i32
      %dma_wait3A_172 = tpu.memref_slice %arg5[%add3A_168, %dma_wait3A_171] : memref<320000x128xf32, #tpu.memory_space<hbm>> -> memref<64x128xf32, #tpu.memory_space<hbm>>
      tpu.wait_dma2 semaphore(%arg24 : memref<!tpu.dma_semaphore, #tpu.memory_space<semaphore_mem>>) src(%dma_wait3A_172 : memref<64x128xf32, #tpu.memory_space<hbm>>) dst(%arg12 : memref<64x128xf32, #tpu.memory_space<vmem>>)
      %add3A_173 = arith.constant 2 : i32
      %add3A_174 = arith.addi %add3A_130, %add3A_173 : i32
      %min3A_175 = arith.constant 155 : i32
      %min3A_176 = arith.minsi %add3A_174, %min3A_175 : i32
      %add3A_177 = arith.constant 16 : i32
      %add3A_178 = arith.addi %mul3A_13, %add3A_177 : i32
      %mul3A_179 = arith.constant 64 : i32
      %mul3A_180 = arith.muli %min3A_176, %mul3A_179 : i32
      %add3A_181 = arith.addi %add3A_178, %mul3A_180 : i32
      %dma_start3A_182 = tpu.memref_slice %arg3[%add3A_181] : memref<320000xi32, #tpu.memory_space<hbm>> -> memref<64xi32, #tpu.memory_space<hbm>>
      %dma_start3A_183 = tpu.memref_slice %arg3[%add3A_181] : memref<320000xi32, #tpu.memory_space<hbm>> -> memref<64xi32, #tpu.memory_space<hbm>>
      tpu.enqueue_dma source(%dma_start3A_183 : memref<64xi32, #tpu.memory_space<hbm>>) target(%arg14 : memref<64xi32, #tpu.memory_space<vmem>>) target_semaphore(%arg26 : memref<!tpu.dma_semaphore, #tpu.memory_space<semaphore_mem>>)
      %add3A_184 = arith.constant 16 : i32
      %add3A_185 = arith.addi %mul3A_13, %add3A_184 : i32
      %mul3A_186 = arith.constant 64 : i32
      %mul3A_187 = arith.muli %min3A_176, %mul3A_186 : i32
      %add3A_188 = arith.addi %add3A_185, %mul3A_187 : i32
      %dma_start3A_189 = tpu.memref_slice %arg4[%add3A_188] : memref<320000xi32, #tpu.memory_space<hbm>> -> memref<64xi32, #tpu.memory_space<hbm>>
      %dma_start3A_190 = tpu.memref_slice %arg4[%add3A_188] : memref<320000xi32, #tpu.memory_space<hbm>> -> memref<64xi32, #tpu.memory_space<hbm>>
      tpu.enqueue_dma source(%dma_start3A_190 : memref<64xi32, #tpu.memory_space<hbm>>) target(%arg18 : memref<64xi32, #tpu.memory_space<vmem>>) target_semaphore(%arg26 : memref<!tpu.dma_semaphore, #tpu.memory_space<semaphore_mem>>)
      %scan3A_191 = arith.constant 0 : i32
      %scan3A_192 = arith.constant 32 : i32
      %scan3A_193 = arith.addi %scan3A_191, %scan3A_192 : i32
      %scan3A_194 = arith.constant 1 : i32
      scf.for %scan3A_421 = %scan3A_191 to %scan3A_193 step %scan3A_194  : i32 {
        %mul3A_422 = arith.constant 2 : i32
        %mul3A_423 = arith.muli %scan3A_421, %mul3A_422 : i32
        %add3A_424 = arith.constant 0 : i32
        %add3A_425 = arith.addi %add3A_424, %mul3A_423 : i32
        %add3A_426 = arith.constant 0 : i32
        %add3A_427 = arith.addi %add3A_425, %add3A_426 : i32
        %get3A = arith.index_cast %add3A_427 : i32 to index
        %get3A_428 = arith.constant 0 : index
        %get3A_429 = tpu.vector_load %arg8[%get3A, %get3A_428] {strides = array<i32>} : memref<64x128xf32, #tpu.memory_space<vmem>>, vector<1x16xf32>,
        %get3A_430 = vector.shape_cast %get3A_429 : vector<1x16xf32> to vector<1x16xf32>
        %get3A_431 = arith.index_cast %add3A_427 : i32 to index
        %get3A_432 = arith.constant 0 : index
        %get3A_433 = tpu.vector_load %arg12[%get3A_431, %get3A_432] {strides = array<i32>} : memref<64x128xf32, #tpu.memory_space<vmem>>, vector<1x16xf32>,
        %get3A_434 = vector.shape_cast %get3A_433 : vector<1x16xf32> to vector<1x16xf32>
        %add3A_435 = arith.addf %get3A_430, %get3A_434 : vector<1x16xf32>
        %max3A = arith.constant 0.000000e+00 : f32
        %max3A_436 = vector.broadcast %max3A : f32 to vector<1x16xf32>
        %max3A_437 = arith.maximumf %add3A_435, %max3A_436 : vector<1x16xf32>
        %swap3A = arith.index_cast %add3A_427 : i32 to index
        %swap3A_438 = arith.constant 0 : index
        %swap3A_439 = tpu.vector_load %arg8[%swap3A, %swap3A_438] {strides = array<i32>} : memref<64x128xf32, #tpu.memory_space<vmem>>, vector<1x16xf32>,
        %swap3A_440 = vector.shape_cast %swap3A_439 : vector<1x16xf32> to vector<1x16xf32>
        %swap3A_441 = vector.shape_cast %max3A_437 : vector<1x16xf32> to vector<1x16xf32>
        tpu.vector_store %arg8[%swap3A, %swap3A_438], %swap3A_441 {strides = array<i32>} : memref<64x128xf32, #tpu.memory_space<vmem>>, vector<1x16xf32>,
        %add3A_442 = arith.constant 0 : i32
        %add3A_443 = arith.addi %add3A_425, %add3A_442 : i32
        %get3A_444 = arith.index_cast %add3A_443 : i32 to index
        %get3A_445 = arith.constant 16 : index
        %get3A_446 = tpu.vector_load %arg8[%get3A_444, %get3A_445] {strides = array<i32>} : memref<64x128xf32, #tpu.memory_space<vmem>>, vector<1x16xf32>,
        %get3A_447 = vector.shape_cast %get3A_446 : vector<1x16xf32> to vector<1x16xf32>
        %get3A_448 = arith.index_cast %add3A_443 : i32 to index
        %get3A_449 = arith.constant 16 : index
        %get3A_450 = tpu.vector_load %arg12[%get3A_448, %get3A_449] {strides = array<i32>} : memref<64x128xf32, #tpu.memory_space<vmem>>, vector<1x16xf32>,
        %get3A_451 = vector.shape_cast %get3A_450 : vector<1x16xf32> to vector<1x16xf32>
        %add3A_452 = arith.addf %get3A_447, %get3A_451 : vector<1x16xf32>
        %max3A_453 = arith.constant 0.000000e+00 : f32
        %max3A_454 = vector.broadcast %max3A_453 : f32 to vector<1x16xf32>
        %max3A_455 = arith.maximumf %add3A_452, %max3A_454 : vector<1x16xf32>
        %swap3A_456 = arith.index_cast %add3A_443 : i32 to index
        %swap3A_457 = arith.constant 16 : index
        %swap3A_458 = tpu.vector_load %arg8[%swap3A_456, %swap3A_457] {strides = array<i32>} : memref<64x128xf32, #tpu.memory_space<vmem>>, vector<1x16xf32>,
        %swap3A_459 = vector.shape_cast %swap3A_458 : vector<1x16xf32> to vector<1x16xf32>
        %swap3A_460 = vector.shape_cast %max3A_455 : vector<1x16xf32> to vector<1x16xf32>
        tpu.vector_store %arg8[%swap3A_456, %swap3A_457], %swap3A_460 {strides = array<i32>} : memref<64x128xf32, #tpu.memory_space<vmem>>, vector<1x16xf32>,
        %add3A_461 = arith.constant 0 : i32
        %add3A_462 = arith.addi %add3A_425, %add3A_461 : i32
        %get3A_463 = arith.index_cast %add3A_462 : i32 to index
        %get3A_464 = arith.constant 32 : index
        %get3A_465 = tpu.vector_load %arg8[%get3A_463, %get3A_464] {strides = array<i32>} : memref<64x128xf32, #tpu.memory_space<vmem>>, vector<1x16xf32>,
        %get3A_466 = vector.shape_cast %get3A_465 : vector<1x16xf32> to vector<1x16xf32>
        %get3A_467 = arith.index_cast %add3A_462 : i32 to index
        %get3A_468 = arith.constant 32 : index
        %get3A_469 = tpu.vector_load %arg12[%get3A_467, %get3A_468] {strides = array<i32>} : memref<64x128xf32, #tpu.memory_space<vmem>>, vector<1x16xf32>,
        %get3A_470 = vector.shape_cast %get3A_469 : vector<1x16xf32> to vector<1x16xf32>
        %add3A_471 = arith.addf %get3A_466, %get3A_470 : vector<1x16xf32>
        %max3A_472 = arith.constant 0.000000e+00 : f32
        %max3A_473 = vector.broadcast %max3A_472 : f32 to vector<1x16xf32>
        %max3A_474 = arith.maximumf %add3A_471, %max3A_473 : vector<1x16xf32>
        %swap3A_475 = arith.index_cast %add3A_462 : i32 to index
        %swap3A_476 = arith.constant 32 : index
        %swap3A_477 = tpu.vector_load %arg8[%swap3A_475, %swap3A_476] {strides = array<i32>} : memref<64x128xf32, #tpu.memory_space<vmem>>, vector<1x16xf32>,
        %swap3A_478 = vector.shape_cast %swap3A_477 : vector<1x16xf32> to vector<1x16xf32>
        %swap3A_479 = vector.shape_cast %max3A_474 : vector<1x16xf32> to vector<1x16xf32>
        tpu.vector_store %arg8[%swap3A_475, %swap3A_476], %swap3A_479 {strides = array<i32>} : memref<64x128xf32, #tpu.memory_space<vmem>>, vector<1x16xf32>,
        %add3A_480 = arith.constant 0 : i32
        %add3A_481 = arith.addi %add3A_425, %add3A_480 : i32
        %get3A_482 = arith.index_cast %add3A_481 : i32 to index
        %get3A_483 = arith.constant 48 : index
        %get3A_484 = tpu.vector_load %arg8[%get3A_482, %get3A_483] {strides = array<i32>} : memref<64x128xf32, #tpu.memory_space<vmem>>, vector<1x16xf32>,
        %get3A_485 = vector.shape_cast %get3A_484 : vector<1x16xf32> to vector<1x16xf32>
        %get3A_486 = arith.index_cast %add3A_481 : i32 to index
        %get3A_487 = arith.constant 48 : index
        %get3A_488 = tpu.vector_load %arg12[%get3A_486, %get3A_487] {strides = array<i32>} : memref<64x128xf32, #tpu.memory_space<vmem>>, vector<1x16xf32>,
        %get3A_489 = vector.shape_cast %get3A_488 : vector<1x16xf32> to vector<1x16xf32>
        %add3A_490 = arith.addf %get3A_485, %get3A_489 : vector<1x16xf32>
        %max3A_491 = arith.constant 0.000000e+00 : f32
        %max3A_492 = vector.broadcast %max3A_491 : f32 to vector<1x16xf32>
        %max3A_493 = arith.maximumf %add3A_490, %max3A_492 : vector<1x16xf32>
        %swap3A_494 = arith.index_cast %add3A_481 : i32 to index
        %swap3A_495 = arith.constant 48 : index
        %swap3A_496 = tpu.vector_load %arg8[%swap3A_494, %swap3A_495] {strides = array<i32>} : memref<64x128xf32, #tpu.memory_space<vmem>>, vector<1x16xf32>,
        %swap3A_497 = vector.shape_cast %swap3A_496 : vector<1x16xf32> to vector<1x16xf32>
        %swap3A_498 = vector.shape_cast %max3A_493 : vector<1x16xf32> to vector<1x16xf32>
        tpu.vector_store %arg8[%swap3A_494, %swap3A_495], %swap3A_498 {strides = array<i32>} : memref<64x128xf32, #tpu.memory_space<vmem>>, vector<1x16xf32>,
        %add3A_499 = arith.constant 0 : i32
        %add3A_500 = arith.addi %add3A_425, %add3A_499 : i32
        %get3A_501 = arith.index_cast %add3A_500 : i32 to index
        %get3A_502 = arith.constant 64 : index
        %get3A_503 = tpu.vector_load %arg8[%get3A_501, %get3A_502] {strides = array<i32>} : memref<64x128xf32, #tpu.memory_space<vmem>>, vector<1x16xf32>,
        %get3A_504 = vector.shape_cast %get3A_503 : vector<1x16xf32> to vector<1x16xf32>
        %get3A_505 = arith.index_cast %add3A_500 : i32 to index
        %get3A_506 = arith.constant 64 : index
        %get3A_507 = tpu.vector_load %arg12[%get3A_505, %get3A_506] {strides = array<i32>} : memref<64x128xf32, #tpu.memory_space<vmem>>, vector<1x16xf32>,
        %get3A_508 = vector.shape_cast %get3A_507 : vector<1x16xf32> to vector<1x16xf32>
        %add3A_509 = arith.addf %get3A_504, %get3A_508 : vector<1x16xf32>
        %max3A_510 = arith.constant 0.000000e+00 : f32
        %max3A_511 = vector.broadcast %max3A_510 : f32 to vector<1x16xf32>
        %max3A_512 = arith.maximumf %add3A_509, %max3A_511 : vector<1x16xf32>
        %swap3A_513 = arith.index_cast %add3A_500 : i32 to index
        %swap3A_514 = arith.constant 64 : index
        %swap3A_515 = tpu.vector_load %arg8[%swap3A_513, %swap3A_514] {strides = array<i32>} : memref<64x128xf32, #tpu.memory_space<vmem>>, vector<1x16xf32>,
        %swap3A_516 = vector.shape_cast %swap3A_515 : vector<1x16xf32> to vector<1x16xf32>
        %swap3A_517 = vector.shape_cast %max3A_512 : vector<1x16xf32> to vector<1x16xf32>
        tpu.vector_store %arg8[%swap3A_513, %swap3A_514], %swap3A_517 {strides = array<i32>} : memref<64x128xf32, #tpu.memory_space<vmem>>, vector<1x16xf32>,
        %add3A_518 = arith.constant 0 : i32
        %add3A_519 = arith.addi %add3A_425, %add3A_518 : i32
        %get3A_520 = arith.index_cast %add3A_519 : i32 to index
        %get3A_521 = arith.constant 80 : index
        %get3A_522 = tpu.vector_load %arg8[%get3A_520, %get3A_521] {strides = array<i32>} : memref<64x128xf32, #tpu.memory_space<vmem>>, vector<1x16xf32>,
        %get3A_523 = vector.shape_cast %get3A_522 : vector<1x16xf32> to vector<1x16xf32>
        %get3A_524 = arith.index_cast %add3A_519 : i32 to index
        %get3A_525 = arith.constant 80 : index
        %get3A_526 = tpu.vector_load %arg12[%get3A_524, %get3A_525] {strides = array<i32>} : memref<64x128xf32, #tpu.memory_space<vmem>>, vector<1x16xf32>,
        %get3A_527 = vector.shape_cast %get3A_526 : vector<1x16xf32> to vector<1x16xf32>
        %add3A_528 = arith.addf %get3A_523, %get3A_527 : vector<1x16xf32>
        %max3A_529 = arith.constant 0.000000e+00 : f32
        %max3A_530 = vector.broadcast %max3A_529 : f32 to vector<1x16xf32>
        %max3A_531 = arith.maximumf %add3A_528, %max3A_530 : vector<1x16xf32>
        %swap3A_532 = arith.index_cast %add3A_519 : i32 to index
        %swap3A_533 = arith.constant 80 : index
        %swap3A_534 = tpu.vector_load %arg8[%swap3A_532, %swap3A_533] {strides = array<i32>} : memref<64x128xf32, #tpu.memory_space<vmem>>, vector<1x16xf32>,
        %swap3A_535 = vector.shape_cast %swap3A_534 : vector<1x16xf32> to vector<1x16xf32>
        %swap3A_536 = vector.shape_cast %max3A_531 : vector<1x16xf32> to vector<1x16xf32>
        tpu.vector_store %arg8[%swap3A_532, %swap3A_533], %swap3A_536 {strides = array<i32>} : memref<64x128xf32, #tpu.memory_space<vmem>>, vector<1x16xf32>,
        %add3A_537 = arith.constant 0 : i32
        %add3A_538 = arith.addi %add3A_425, %add3A_537 : i32
        %get3A_539 = arith.index_cast %add3A_538 : i32 to index
        %get3A_540 = arith.constant 96 : index
        %get3A_541 = tpu.vector_load %arg8[%get3A_539, %get3A_540] {strides = array<i32>} : memref<64x128xf32, #tpu.memory_space<vmem>>, vector<1x16xf32>,
        %get3A_542 = vector.shape_cast %get3A_541 : vector<1x16xf32> to vector<1x16xf32>
        %get3A_543 = arith.index_cast %add3A_538 : i32 to index
        %get3A_544 = arith.constant 96 : index
        %get3A_545 = tpu.vector_load %arg12[%get3A_543, %get3A_544] {strides = array<i32>} : memref<64x128xf32, #tpu.memory_space<vmem>>, vector<1x16xf32>,
        %get3A_546 = vector.shape_cast %get3A_545 : vector<1x16xf32> to vector<1x16xf32>
        %add3A_547 = arith.addf %get3A_542, %get3A_546 : vector<1x16xf32>
        %max3A_548 = arith.constant 0.000000e+00 : f32
        %max3A_549 = vector.broadcast %max3A_548 : f32 to vector<1x16xf32>
        %max3A_550 = arith.maximumf %add3A_547, %max3A_549 : vector<1x16xf32>
        %swap3A_551 = arith.index_cast %add3A_538 : i32 to index
        %swap3A_552 = arith.constant 96 : index
        %swap3A_553 = tpu.vector_load %arg8[%swap3A_551, %swap3A_552] {strides = array<i32>} : memref<64x128xf32, #tpu.memory_space<vmem>>, vector<1x16xf32>,
        %swap3A_554 = vector.shape_cast %swap3A_553 : vector<1x16xf32> to vector<1x16xf32>
        %swap3A_555 = vector.shape_cast %max3A_550 : vector<1x16xf32> to vector<1x16xf32>
        tpu.vector_store %arg8[%swap3A_551, %swap3A_552], %swap3A_555 {strides = array<i32>} : memref<64x128xf32, #tpu.memory_space<vmem>>, vector<1x16xf32>,
        %add3A_556 = arith.constant 0 : i32
        %add3A_557 = arith.addi %add3A_425, %add3A_556 : i32
        %get3A_558 = arith.index_cast %add3A_557 : i32 to index
        %get3A_559 = arith.constant 112 : index
        %get3A_560 = tpu.vector_load %arg8[%get3A_558, %get3A_559] {strides = array<i32>} : memref<64x128xf32, #tpu.memory_space<vmem>>, vector<1x16xf32>,
        %get3A_561 = vector.shape_cast %get3A_560 : vector<1x16xf32> to vector<1x16xf32>
        %get3A_562 = arith.index_cast %add3A_557 : i32 to index
        %get3A_563 = arith.constant 112 : index
        %get3A_564 = tpu.vector_load %arg12[%get3A_562, %get3A_563] {strides = array<i32>} : memref<64x128xf32, #tpu.memory_space<vmem>>, vector<1x16xf32>,
        %get3A_565 = vector.shape_cast %get3A_564 : vector<1x16xf32> to vector<1x16xf32>
        %add3A_566 = arith.addf %get3A_561, %get3A_565 : vector<1x16xf32>
        %max3A_567 = arith.constant 0.000000e+00 : f32
        %max3A_568 = vector.broadcast %max3A_567 : f32 to vector<1x16xf32>
        %max3A_569 = arith.maximumf %add3A_566, %max3A_568 : vector<1x16xf32>
        %swap3A_570 = arith.index_cast %add3A_557 : i32 to index
        %swap3A_571 = arith.constant 112 : index
        %swap3A_572 = tpu.vector_load %arg8[%swap3A_570, %swap3A_571] {strides = array<i32>} : memref<64x128xf32, #tpu.memory_space<vmem>>, vector<1x16xf32>,
        %swap3A_573 = vector.shape_cast %swap3A_572 : vector<1x16xf32> to vector<1x16xf32>
        %swap3A_574 = vector.shape_cast %max3A_569 : vector<1x16xf32> to vector<1x16xf32>
        tpu.vector_store %arg8[%swap3A_570, %swap3A_571], %swap3A_574 {strides = array<i32>} : memref<64x128xf32, #tpu.memory_space<vmem>>, vector<1x16xf32>,
        %add3A_575 = arith.constant 1 : i32
        %add3A_576 = arith.addi %add3A_425, %add3A_575 : i32
        %get3A_577 = arith.index_cast %add3A_576 : i32 to index
        %get3A_578 = arith.constant 0 : index
        %get3A_579 = tpu.vector_load %arg8[%get3A_577, %get3A_578] {strides = array<i32>} : memref<64x128xf32, #tpu.memory_space<vmem>>, vector<1x16xf32>,
        %get3A_580 = vector.shape_cast %get3A_579 : vector<1x16xf32> to vector<1x16xf32>
        %get3A_581 = arith.index_cast %add3A_576 : i32 to index
        %get3A_582 = arith.constant 0 : index
        %get3A_583 = tpu.vector_load %arg12[%get3A_581, %get3A_582] {strides = array<i32>} : memref<64x128xf32, #tpu.memory_space<vmem>>, vector<1x16xf32>,
        %get3A_584 = vector.shape_cast %get3A_583 : vector<1x16xf32> to vector<1x16xf32>
        %add3A_585 = arith.addf %get3A_580, %get3A_584 : vector<1x16xf32>
        %max3A_586 = arith.constant 0.000000e+00 : f32
        %max3A_587 = vector.broadcast %max3A_586 : f32 to vector<1x16xf32>
        %max3A_588 = arith.maximumf %add3A_585, %max3A_587 : vector<1x16xf32>
        %swap3A_589 = arith.index_cast %add3A_576 : i32 to index
        %swap3A_590 = arith.constant 0 : index
        %swap3A_591 = tpu.vector_load %arg8[%swap3A_589, %swap3A_590] {strides = array<i32>} : memref<64x128xf32, #tpu.memory_space<vmem>>, vector<1x16xf32>,
        %swap3A_592 = vector.shape_cast %swap3A_591 : vector<1x16xf32> to vector<1x16xf32>
        %swap3A_593 = vector.shape_cast %max3A_588 : vector<1x16xf32> to vector<1x16xf32>
        tpu.vector_store %arg8[%swap3A_589, %swap3A_590], %swap3A_593 {strides = array<i32>} : memref<64x128xf32, #tpu.memory_space<vmem>>, vector<1x16xf32>,
        %add3A_594 = arith.constant 1 : i32
        %add3A_595 = arith.addi %add3A_425, %add3A_594 : i32
        %get3A_596 = arith.index_cast %add3A_595 : i32 to index
        %get3A_597 = arith.constant 16 : index
        %get3A_598 = tpu.vector_load %arg8[%get3A_596, %get3A_597] {strides = array<i32>} : memref<64x128xf32, #tpu.memory_space<vmem>>, vector<1x16xf32>,
        %get3A_599 = vector.shape_cast %get3A_598 : vector<1x16xf32> to vector<1x16xf32>
        %get3A_600 = arith.index_cast %add3A_595 : i32 to index
        %get3A_601 = arith.constant 16 : index
        %get3A_602 = tpu.vector_load %arg12[%get3A_600, %get3A_601] {strides = array<i32>} : memref<64x128xf32, #tpu.memory_space<vmem>>, vector<1x16xf32>,
        %get3A_603 = vector.shape_cast %get3A_602 : vector<1x16xf32> to vector<1x16xf32>
        %add3A_604 = arith.addf %get3A_599, %get3A_603 : vector<1x16xf32>
        %max3A_605 = arith.constant 0.000000e+00 : f32
        %max3A_606 = vector.broadcast %max3A_605 : f32 to vector<1x16xf32>
        %max3A_607 = arith.maximumf %add3A_604, %max3A_606 : vector<1x16xf32>
        %swap3A_608 = arith.index_cast %add3A_595 : i32 to index
        %swap3A_609 = arith.constant 16 : index
        %swap3A_610 = tpu.vector_load %arg8[%swap3A_608, %swap3A_609] {strides = array<i32>} : memref<64x128xf32, #tpu.memory_space<vmem>>, vector<1x16xf32>,
        %swap3A_611 = vector.shape_cast %swap3A_610 : vector<1x16xf32> to vector<1x16xf32>
        %swap3A_612 = vector.shape_cast %max3A_607 : vector<1x16xf32> to vector<1x16xf32>
        tpu.vector_store %arg8[%swap3A_608, %swap3A_609], %swap3A_612 {strides = array<i32>} : memref<64x128xf32, #tpu.memory_space<vmem>>, vector<1x16xf32>,
        %add3A_613 = arith.constant 1 : i32
        %add3A_614 = arith.addi %add3A_425, %add3A_613 : i32
        %get3A_615 = arith.index_cast %add3A_614 : i32 to index
        %get3A_616 = arith.constant 32 : index
        %get3A_617 = tpu.vector_load %arg8[%get3A_615, %get3A_616] {strides = array<i32>} : memref<64x128xf32, #tpu.memory_space<vmem>>, vector<1x16xf32>,
        %get3A_618 = vector.shape_cast %get3A_617 : vector<1x16xf32> to vector<1x16xf32>
        %get3A_619 = arith.index_cast %add3A_614 : i32 to index
        %get3A_620 = arith.constant 32 : index
        %get3A_621 = tpu.vector_load %arg12[%get3A_619, %get3A_620] {strides = array<i32>} : memref<64x128xf32, #tpu.memory_space<vmem>>, vector<1x16xf32>,
        %get3A_622 = vector.shape_cast %get3A_621 : vector<1x16xf32> to vector<1x16xf32>
        %add3A_623 = arith.addf %get3A_618, %get3A_622 : vector<1x16xf32>
        %max3A_624 = arith.constant 0.000000e+00 : f32
        %max3A_625 = vector.broadcast %max3A_624 : f32 to vector<1x16xf32>
        %max3A_626 = arith.maximumf %add3A_623, %max3A_625 : vector<1x16xf32>
        %swap3A_627 = arith.index_cast %add3A_614 : i32 to index
        %swap3A_628 = arith.constant 32 : index
        %swap3A_629 = tpu.vector_load %arg8[%swap3A_627, %swap3A_628] {strides = array<i32>} : memref<64x128xf32, #tpu.memory_space<vmem>>, vector<1x16xf32>,
        %swap3A_630 = vector.shape_cast %swap3A_629 : vector<1x16xf32> to vector<1x16xf32>
        %swap3A_631 = vector.shape_cast %max3A_626 : vector<1x16xf32> to vector<1x16xf32>
        tpu.vector_store %arg8[%swap3A_627, %swap3A_628], %swap3A_631 {strides = array<i32>} : memref<64x128xf32, #tpu.memory_space<vmem>>, vector<1x16xf32>,
        %add3A_632 = arith.constant 1 : i32
        %add3A_633 = arith.addi %add3A_425, %add3A_632 : i32
        %get3A_634 = arith.index_cast %add3A_633 : i32 to index
        %get3A_635 = arith.constant 48 : index
        %get3A_636 = tpu.vector_load %arg8[%get3A_634, %get3A_635] {strides = array<i32>} : memref<64x128xf32, #tpu.memory_space<vmem>>, vector<1x16xf32>,
        %get3A_637 = vector.shape_cast %get3A_636 : vector<1x16xf32> to vector<1x16xf32>
        %get3A_638 = arith.index_cast %add3A_633 : i32 to index
        %get3A_639 = arith.constant 48 : index
        %get3A_640 = tpu.vector_load %arg12[%get3A_638, %get3A_639] {strides = array<i32>} : memref<64x128xf32, #tpu.memory_space<vmem>>, vector<1x16xf32>,
        %get3A_641 = vector.shape_cast %get3A_640 : vector<1x16xf32> to vector<1x16xf32>
        %add3A_642 = arith.addf %get3A_637, %get3A_641 : vector<1x16xf32>
        %max3A_643 = arith.constant 0.000000e+00 : f32
        %max3A_644 = vector.broadcast %max3A_643 : f32 to vector<1x16xf32>
        %max3A_645 = arith.maximumf %add3A_642, %max3A_644 : vector<1x16xf32>
        %swap3A_646 = arith.index_cast %add3A_633 : i32 to index
        %swap3A_647 = arith.constant 48 : index
        %swap3A_648 = tpu.vector_load %arg8[%swap3A_646, %swap3A_647] {strides = array<i32>} : memref<64x128xf32, #tpu.memory_space<vmem>>, vector<1x16xf32>,
        %swap3A_649 = vector.shape_cast %swap3A_648 : vector<1x16xf32> to vector<1x16xf32>
        %swap3A_650 = vector.shape_cast %max3A_645 : vector<1x16xf32> to vector<1x16xf32>
        tpu.vector_store %arg8[%swap3A_646, %swap3A_647], %swap3A_650 {strides = array<i32>} : memref<64x128xf32, #tpu.memory_space<vmem>>, vector<1x16xf32>,
        %add3A_651 = arith.constant 1 : i32
        %add3A_652 = arith.addi %add3A_425, %add3A_651 : i32
        %get3A_653 = arith.index_cast %add3A_652 : i32 to index
        %get3A_654 = arith.constant 64 : index
        %get3A_655 = tpu.vector_load %arg8[%get3A_653, %get3A_654] {strides = array<i32>} : memref<64x128xf32, #tpu.memory_space<vmem>>, vector<1x16xf32>,
        %get3A_656 = vector.shape_cast %get3A_655 : vector<1x16xf32> to vector<1x16xf32>
        %get3A_657 = arith.index_cast %add3A_652 : i32 to index
        %get3A_658 = arith.constant 64 : index
        %get3A_659 = tpu.vector_load %arg12[%get3A_657, %get3A_658] {strides = array<i32>} : memref<64x128xf32, #tpu.memory_space<vmem>>, vector<1x16xf32>,
        %get3A_660 = vector.shape_cast %get3A_659 : vector<1x16xf32> to vector<1x16xf32>
        %add3A_661 = arith.addf %get3A_656, %get3A_660 : vector<1x16xf32>
        %max3A_662 = arith.constant 0.000000e+00 : f32
        %max3A_663 = vector.broadcast %max3A_662 : f32 to vector<1x16xf32>
        %max3A_664 = arith.maximumf %add3A_661, %max3A_663 : vector<1x16xf32>
        %swap3A_665 = arith.index_cast %add3A_652 : i32 to index
        %swap3A_666 = arith.constant 64 : index
        %swap3A_667 = tpu.vector_load %arg8[%swap3A_665, %swap3A_666] {strides = array<i32>} : memref<64x128xf32, #tpu.memory_space<vmem>>, vector<1x16xf32>,
        %swap3A_668 = vector.shape_cast %swap3A_667 : vector<1x16xf32> to vector<1x16xf32>
        %swap3A_669 = vector.shape_cast %max3A_664 : vector<1x16xf32> to vector<1x16xf32>
        tpu.vector_store %arg8[%swap3A_665, %swap3A_666], %swap3A_669 {strides = array<i32>} : memref<64x128xf32, #tpu.memory_space<vmem>>, vector<1x16xf32>,
        %add3A_670 = arith.constant 1 : i32
        %add3A_671 = arith.addi %add3A_425, %add3A_670 : i32
        %get3A_672 = arith.index_cast %add3A_671 : i32 to index
        %get3A_673 = arith.constant 80 : index
        %get3A_674 = tpu.vector_load %arg8[%get3A_672, %get3A_673] {strides = array<i32>} : memref<64x128xf32, #tpu.memory_space<vmem>>, vector<1x16xf32>,
        %get3A_675 = vector.shape_cast %get3A_674 : vector<1x16xf32> to vector<1x16xf32>
        %get3A_676 = arith.index_cast %add3A_671 : i32 to index
        %get3A_677 = arith.constant 80 : index
        %get3A_678 = tpu.vector_load %arg12[%get3A_676, %get3A_677] {strides = array<i32>} : memref<64x128xf32, #tpu.memory_space<vmem>>, vector<1x16xf32>,
        %get3A_679 = vector.shape_cast %get3A_678 : vector<1x16xf32> to vector<1x16xf32>
        %add3A_680 = arith.addf %get3A_675, %get3A_679 : vector<1x16xf32>
        %max3A_681 = arith.constant 0.000000e+00 : f32
        %max3A_682 = vector.broadcast %max3A_681 : f32 to vector<1x16xf32>
        %max3A_683 = arith.maximumf %add3A_680, %max3A_682 : vector<1x16xf32>
        %swap3A_684 = arith.index_cast %add3A_671 : i32 to index
        %swap3A_685 = arith.constant 80 : index
        %swap3A_686 = tpu.vector_load %arg8[%swap3A_684, %swap3A_685] {strides = array<i32>} : memref<64x128xf32, #tpu.memory_space<vmem>>, vector<1x16xf32>,
        %swap3A_687 = vector.shape_cast %swap3A_686 : vector<1x16xf32> to vector<1x16xf32>
        %swap3A_688 = vector.shape_cast %max3A_683 : vector<1x16xf32> to vector<1x16xf32>
        tpu.vector_store %arg8[%swap3A_684, %swap3A_685], %swap3A_688 {strides = array<i32>} : memref<64x128xf32, #tpu.memory_space<vmem>>, vector<1x16xf32>,
        %add3A_689 = arith.constant 1 : i32
        %add3A_690 = arith.addi %add3A_425, %add3A_689 : i32
        %get3A_691 = arith.index_cast %add3A_690 : i32 to index
        %get3A_692 = arith.constant 96 : index
        %get3A_693 = tpu.vector_load %arg8[%get3A_691, %get3A_692] {strides = array<i32>} : memref<64x128xf32, #tpu.memory_space<vmem>>, vector<1x16xf32>,
        %get3A_694 = vector.shape_cast %get3A_693 : vector<1x16xf32> to vector<1x16xf32>
        %get3A_695 = arith.index_cast %add3A_690 : i32 to index
        %get3A_696 = arith.constant 96 : index
        %get3A_697 = tpu.vector_load %arg12[%get3A_695, %get3A_696] {strides = array<i32>} : memref<64x128xf32, #tpu.memory_space<vmem>>, vector<1x16xf32>,
        %get3A_698 = vector.shape_cast %get3A_697 : vector<1x16xf32> to vector<1x16xf32>
        %add3A_699 = arith.addf %get3A_694, %get3A_698 : vector<1x16xf32>
        %max3A_700 = arith.constant 0.000000e+00 : f32
        %max3A_701 = vector.broadcast %max3A_700 : f32 to vector<1x16xf32>
        %max3A_702 = arith.maximumf %add3A_699, %max3A_701 : vector<1x16xf32>
        %swap3A_703 = arith.index_cast %add3A_690 : i32 to index
        %swap3A_704 = arith.constant 96 : index
        %swap3A_705 = tpu.vector_load %arg8[%swap3A_703, %swap3A_704] {strides = array<i32>} : memref<64x128xf32, #tpu.memory_space<vmem>>, vector<1x16xf32>,
        %swap3A_706 = vector.shape_cast %swap3A_705 : vector<1x16xf32> to vector<1x16xf32>
        %swap3A_707 = vector.shape_cast %max3A_702 : vector<1x16xf32> to vector<1x16xf32>
        tpu.vector_store %arg8[%swap3A_703, %swap3A_704], %swap3A_707 {strides = array<i32>} : memref<64x128xf32, #tpu.memory_space<vmem>>, vector<1x16xf32>,
        %add3A_708 = arith.constant 1 : i32
        %add3A_709 = arith.addi %add3A_425, %add3A_708 : i32
        %get3A_710 = arith.index_cast %add3A_709 : i32 to index
        %get3A_711 = arith.constant 112 : index
        %get3A_712 = tpu.vector_load %arg8[%get3A_710, %get3A_711] {strides = array<i32>} : memref<64x128xf32, #tpu.memory_space<vmem>>, vector<1x16xf32>,
        %get3A_713 = vector.shape_cast %get3A_712 : vector<1x16xf32> to vector<1x16xf32>
        %get3A_714 = arith.index_cast %add3A_709 : i32 to index
        %get3A_715 = arith.constant 112 : index
        %get3A_716 = tpu.vector_load %arg12[%get3A_714, %get3A_715] {strides = array<i32>} : memref<64x128xf32, #tpu.memory_space<vmem>>, vector<1x16xf32>,
        %get3A_717 = vector.shape_cast %get3A_716 : vector<1x16xf32> to vector<1x16xf32>
        %add3A_718 = arith.addf %get3A_713, %get3A_717 : vector<1x16xf32>
        %max3A_719 = arith.constant 0.000000e+00 : f32
        %max3A_720 = vector.broadcast %max3A_719 : f32 to vector<1x16xf32>
        %max3A_721 = arith.maximumf %add3A_718, %max3A_720 : vector<1x16xf32>
        %swap3A_722 = arith.index_cast %add3A_709 : i32 to index
        %swap3A_723 = arith.constant 112 : index
        %swap3A_724 = tpu.vector_load %arg8[%swap3A_722, %swap3A_723] {strides = array<i32>} : memref<64x128xf32, #tpu.memory_space<vmem>>, vector<1x16xf32>,
        %swap3A_725 = vector.shape_cast %swap3A_724 : vector<1x16xf32> to vector<1x16xf32>
        %swap3A_726 = vector.shape_cast %max3A_721 : vector<1x16xf32> to vector<1x16xf32>
        tpu.vector_store %arg8[%swap3A_722, %swap3A_723], %swap3A_726 {strides = array<i32>} : memref<64x128xf32, #tpu.memory_space<vmem>>, vector<1x16xf32>,
      }
      %scan3A_195 = arith.constant 32 : i32
      %dma_start3A_196 = arith.constant 0 : i32
      %dma_start3A_197 = arith.constant 0 : i32
      %dma_start3A_198 = tpu.memref_slice %arg7[%dma_start3A_196, %dma_start3A_197] : memref<10000x128xf32, #tpu.memory_space<vmem_shared>> -> memref<10000x128xf32, #tpu.memory_space<vmem_shared>>
      tpu.enqueue_indirect_dma source(%arg8 : memref<64x128xf32, #tpu.memory_space<vmem>>) target(%dma_start3A_198 : memref<10000x128xf32, #tpu.memory_space<vmem_shared>>) offsets(%arg16 : memref<64xi32, #tpu.memory_space<vmem>>) semaphore(%arg28 : memref<!tpu.dma_semaphore, #tpu.memory_space<semaphore_mem>>) {add = true}
      %mul3A_199 = arith.constant 4 : i32
      %mul3A_200 = arith.muli %mul3A_199, %add3A_126 : i32
      %add3A_201 = arith.constant 1 : i32
      %add3A_202 = arith.addi %mul3A_200, %add3A_201 : i32
      %ge3A_203 = arith.constant 2 : i32
      %ge3A_204 = arith.cmpi sge, %add3A_202, %ge3A_203 : i32
      %convert_element_type3A_205 = arith.extui %ge3A_204 : i1 to i32
      %cond3A_206 = arith.constant 0 : i32
      %cond3A_207 = arith.cmpi ne, %convert_element_type3A_205, %cond3A_206 : i32
      scf.if %cond3A_207 {
        %dma_wait3A_421 = arith.constant 0 : i32
        %dma_wait3A_422 = arith.constant 0 : i32
        %dma_wait3A_423 = tpu.memref_slice %arg7[%dma_wait3A_421, %dma_wait3A_422] : memref<10000x128xf32, #tpu.memory_space<vmem_shared>> -> memref<10000x128xf32, #tpu.memory_space<vmem_shared>>
        tpu.wait_indirect_dma semaphore(%arg29 : memref<!tpu.dma_semaphore, #tpu.memory_space<semaphore_mem>>) src(%arg11 : memref<64x128xf32, #tpu.memory_space<vmem>>) dst(%dma_wait3A_423 : memref<10000x128xf32, #tpu.memory_space<vmem_shared>>)
      } else {
      }
      %add3A_208 = arith.constant 16 : i32
      %add3A_209 = arith.addi %mul3A_13, %add3A_208 : i32
      %add3A_210 = arith.constant 0 : i32
      %add3A_211 = arith.addi %add3A_209, %add3A_210 : i32
      %dma_wait3A_212 = tpu.memref_slice %arg3[%add3A_211] : memref<320000xi32, #tpu.memory_space<hbm>> -> memref<64xi32, #tpu.memory_space<hbm>>
      %dma_wait3A_213 = tpu.memref_slice %arg3[%add3A_211] : memref<320000xi32, #tpu.memory_space<hbm>> -> memref<64xi32, #tpu.memory_space<hbm>>
      tpu.wait_dma2 semaphore(%arg26 : memref<!tpu.dma_semaphore, #tpu.memory_space<semaphore_mem>>) src(%dma_wait3A_213 : memref<64xi32, #tpu.memory_space<hbm>>) dst(%arg14 : memref<64xi32, #tpu.memory_space<vmem>>)
      %add3A_214 = arith.constant 16 : i32
      %add3A_215 = arith.addi %mul3A_13, %add3A_214 : i32
      %add3A_216 = arith.constant 0 : i32
      %add3A_217 = arith.addi %add3A_215, %add3A_216 : i32
      %dma_wait3A_218 = tpu.memref_slice %arg4[%add3A_217] : memref<320000xi32, #tpu.memory_space<hbm>> -> memref<64xi32, #tpu.memory_space<hbm>>
      %dma_wait3A_219 = tpu.memref_slice %arg4[%add3A_217] : memref<320000xi32, #tpu.memory_space<hbm>> -> memref<64xi32, #tpu.memory_space<hbm>>
      tpu.wait_dma2 semaphore(%arg26 : memref<!tpu.dma_semaphore, #tpu.memory_space<semaphore_mem>>) src(%dma_wait3A_219 : memref<64xi32, #tpu.memory_space<hbm>>) dst(%arg18 : memref<64xi32, #tpu.memory_space<vmem>>)
      %add3A_220 = arith.constant 1 : i32
      %add3A_221 = arith.addi %add3A_202, %add3A_220 : i32
      %min3A_222 = arith.constant 155 : i32
      %min3A_223 = arith.minsi %add3A_221, %min3A_222 : i32
      %dma_start3A_224 = arith.constant 0 : i32
      %dma_start3A_225 = arith.constant 0 : i32
      %dma_start3A_226 = tpu.memref_slice %arg2[%dma_start3A_224, %dma_start3A_225] : memref<10000x128xf32, #tpu.memory_space<hbm>> -> memref<10000x128xf32, #tpu.memory_space<hbm>>
      tpu.enqueue_indirect_dma source(%dma_start3A_226 : memref<10000x128xf32, #tpu.memory_space<hbm>>) target(%arg10 : memref<64x128xf32, #tpu.memory_space<vmem>>) offsets(%arg14 : memref<64xi32, #tpu.memory_space<vmem>>) semaphore(%arg22 : memref<!tpu.dma_semaphore, #tpu.memory_space<semaphore_mem>>)
      %add3A_227 = arith.constant 16 : i32
      %add3A_228 = arith.addi %mul3A_13, %add3A_227 : i32
      %mul3A_229 = arith.constant 64 : i32
      %mul3A_230 = arith.muli %min3A_223, %mul3A_229 : i32
      %add3A_231 = arith.addi %add3A_228, %mul3A_230 : i32
      %dma_start3A_232 = arith.constant 0 : i32
      %dma_start3A_233 = tpu.memref_slice %arg5[%add3A_231, %dma_start3A_232] : memref<320000x128xf32, #tpu.memory_space<hbm>> -> memref<64x128xf32, #tpu.memory_space<hbm>>
      %dma_start3A_234 = arith.constant 0 : i32
      %dma_start3A_235 = tpu.memref_slice %arg5[%add3A_231, %dma_start3A_234] : memref<320000x128xf32, #tpu.memory_space<hbm>> -> memref<64x128xf32, #tpu.memory_space<hbm>>
      tpu.enqueue_dma source(%dma_start3A_235 : memref<64x128xf32, #tpu.memory_space<hbm>>) target(%arg12 : memref<64x128xf32, #tpu.memory_space<vmem>>) target_semaphore(%arg24 : memref<!tpu.dma_semaphore, #tpu.memory_space<semaphore_mem>>)
      %dma_wait3A_236 = arith.constant 0 : i32
      %dma_wait3A_237 = arith.constant 0 : i32
      %dma_wait3A_238 = tpu.memref_slice %arg2[%dma_wait3A_236, %dma_wait3A_237] : memref<10000x128xf32, #tpu.memory_space<hbm>> -> memref<10000x128xf32, #tpu.memory_space<hbm>>
      tpu.wait_indirect_dma semaphore(%arg21 : memref<!tpu.dma_semaphore, #tpu.memory_space<semaphore_mem>>) src(%dma_wait3A_238 : memref<10000x128xf32, #tpu.memory_space<hbm>>) dst(%arg9 : memref<64x128xf32, #tpu.memory_space<vmem>>)
      %add3A_239 = arith.constant 16 : i32
      %add3A_240 = arith.addi %mul3A_13, %add3A_239 : i32
      %add3A_241 = arith.constant 0 : i32
      %add3A_242 = arith.addi %add3A_240, %add3A_241 : i32
      %dma_wait3A_243 = arith.constant 0 : i32
      %dma_wait3A_244 = tpu.memref_slice %arg5[%add3A_242, %dma_wait3A_243] : memref<320000x128xf32, #tpu.memory_space<hbm>> -> memref<64x128xf32, #tpu.memory_space<hbm>>
      %dma_wait3A_245 = arith.constant 0 : i32
      %dma_wait3A_246 = tpu.memref_slice %arg5[%add3A_242, %dma_wait3A_245] : memref<320000x128xf32, #tpu.memory_space<hbm>> -> memref<64x128xf32, #tpu.memory_space<hbm>>
      tpu.wait_dma2 semaphore(%arg25 : memref<!tpu.dma_semaphore, #tpu.memory_space<semaphore_mem>>) src(%dma_wait3A_246 : memref<64x128xf32, #tpu.memory_space<hbm>>) dst(%arg13 : memref<64x128xf32, #tpu.memory_space<vmem>>)
      %add3A_247 = arith.constant 2 : i32
      %add3A_248 = arith.addi %add3A_202, %add3A_247 : i32
      %min3A_249 = arith.constant 155 : i32
      %min3A_250 = arith.minsi %add3A_248, %min3A_249 : i32
      %add3A_251 = arith.constant 16 : i32
      %add3A_252 = arith.addi %mul3A_13, %add3A_251 : i32
      %mul3A_253 = arith.constant 64 : i32
      %mul3A_254 = arith.muli %min3A_250, %mul3A_253 : i32
      %add3A_255 = arith.addi %add3A_252, %mul3A_254 : i32
      %dma_start3A_256 = tpu.memref_slice %arg3[%add3A_255] : memref<320000xi32, #tpu.memory_space<hbm>> -> memref<64xi32, #tpu.memory_space<hbm>>
      %dma_start3A_257 = tpu.memref_slice %arg3[%add3A_255] : memref<320000xi32, #tpu.memory_space<hbm>> -> memref<64xi32, #tpu.memory_space<hbm>>
      tpu.enqueue_dma source(%dma_start3A_257 : memref<64xi32, #tpu.memory_space<hbm>>) target(%arg15 : memref<64xi32, #tpu.memory_space<vmem>>) target_semaphore(%arg27 : memref<!tpu.dma_semaphore, #tpu.memory_space<semaphore_mem>>)
      %add3A_258 = arith.constant 16 : i32
      %add3A_259 = arith.addi %mul3A_13, %add3A_258 : i32
      %mul3A_260 = arith.constant 64 : i32
      %mul3A_261 = arith.muli %min3A_250, %mul3A_260 : i32
      %add3A_262 = arith.addi %add3A_259, %mul3A_261 : i32
      %dma_start3A_263 = tpu.memref_slice %arg4[%add3A_262] : memref<320000xi32, #tpu.memory_space<hbm>> -> memref<64xi32, #tpu.memory_space<hbm>>
      %dma_start3A_264 = tpu.memref_slice %arg4[%add3A_262] : memref<320000xi32, #tpu.memory_space<hbm>> -> memref<64xi32, #tpu.memory_space<hbm>>
      tpu.enqueue_dma source(%dma_start3A_264 : memref<64xi32, #tpu.memory_space<hbm>>) target(%arg19 : memref<64xi32, #tpu.memory_space<vmem>>) target_semaphore(%arg27 : memref<!tpu.dma_semaphore, #tpu.memory_space<semaphore_mem>>)
      %scan3A_265 = arith.constant 0 : i32
      %scan3A_266 = arith.constant 32 : i32
      %scan3A_267 = arith.addi %scan3A_265, %scan3A_266 : i32
      %scan3A_268 = arith.constant 1 : i32
      scf.for %scan3A_421 = %scan3A_265 to %scan3A_267 step %scan3A_268  : i32 {
        %mul3A_422 = arith.constant 2 : i32
        %mul3A_423 = arith.muli %scan3A_421, %mul3A_422 : i32
        %add3A_424 = arith.constant 0 : i32
        %add3A_425 = arith.addi %add3A_424, %mul3A_423 : i32
        %add3A_426 = arith.constant 0 : i32
        %add3A_427 = arith.addi %add3A_425, %add3A_426 : i32
        %get3A = arith.index_cast %add3A_427 : i32 to index
        %get3A_428 = arith.constant 0 : index
        %get3A_429 = tpu.vector_load %arg9[%get3A, %get3A_428] {strides = array<i32>} : memref<64x128xf32, #tpu.memory_space<vmem>>, vector<1x16xf32>,
        %get3A_430 = vector.shape_cast %get3A_429 : vector<1x16xf32> to vector<1x16xf32>
        %get3A_431 = arith.index_cast %add3A_427 : i32 to index
        %get3A_432 = arith.constant 0 : index
        %get3A_433 = tpu.vector_load %arg13[%get3A_431, %get3A_432] {strides = array<i32>} : memref<64x128xf32, #tpu.memory_space<vmem>>, vector<1x16xf32>,
        %get3A_434 = vector.shape_cast %get3A_433 : vector<1x16xf32> to vector<1x16xf32>
        %add3A_435 = arith.addf %get3A_430, %get3A_434 : vector<1x16xf32>
        %max3A = arith.constant 0.000000e+00 : f32
        %max3A_436 = vector.broadcast %max3A : f32 to vector<1x16xf32>
        %max3A_437 = arith.maximumf %add3A_435, %max3A_436 : vector<1x16xf32>
        %swap3A = arith.index_cast %add3A_427 : i32 to index
        %swap3A_438 = arith.constant 0 : index
        %swap3A_439 = tpu.vector_load %arg9[%swap3A, %swap3A_438] {strides = array<i32>} : memref<64x128xf32, #tpu.memory_space<vmem>>, vector<1x16xf32>,
        %swap3A_440 = vector.shape_cast %swap3A_439 : vector<1x16xf32> to vector<1x16xf32>
        %swap3A_441 = vector.shape_cast %max3A_437 : vector<1x16xf32> to vector<1x16xf32>
        tpu.vector_store %arg9[%swap3A, %swap3A_438], %swap3A_441 {strides = array<i32>} : memref<64x128xf32, #tpu.memory_space<vmem>>, vector<1x16xf32>,
        %add3A_442 = arith.constant 0 : i32
        %add3A_443 = arith.addi %add3A_425, %add3A_442 : i32
        %get3A_444 = arith.index_cast %add3A_443 : i32 to index
        %get3A_445 = arith.constant 16 : index
        %get3A_446 = tpu.vector_load %arg9[%get3A_444, %get3A_445] {strides = array<i32>} : memref<64x128xf32, #tpu.memory_space<vmem>>, vector<1x16xf32>,
        %get3A_447 = vector.shape_cast %get3A_446 : vector<1x16xf32> to vector<1x16xf32>
        %get3A_448 = arith.index_cast %add3A_443 : i32 to index
        %get3A_449 = arith.constant 16 : index
        %get3A_450 = tpu.vector_load %arg13[%get3A_448, %get3A_449] {strides = array<i32>} : memref<64x128xf32, #tpu.memory_space<vmem>>, vector<1x16xf32>,
        %get3A_451 = vector.shape_cast %get3A_450 : vector<1x16xf32> to vector<1x16xf32>
        %add3A_452 = arith.addf %get3A_447, %get3A_451 : vector<1x16xf32>
        %max3A_453 = arith.constant 0.000000e+00 : f32
        %max3A_454 = vector.broadcast %max3A_453 : f32 to vector<1x16xf32>
        %max3A_455 = arith.maximumf %add3A_452, %max3A_454 : vector<1x16xf32>
        %swap3A_456 = arith.index_cast %add3A_443 : i32 to index
        %swap3A_457 = arith.constant 16 : index
        %swap3A_458 = tpu.vector_load %arg9[%swap3A_456, %swap3A_457] {strides = array<i32>} : memref<64x128xf32, #tpu.memory_space<vmem>>, vector<1x16xf32>,
        %swap3A_459 = vector.shape_cast %swap3A_458 : vector<1x16xf32> to vector<1x16xf32>
        %swap3A_460 = vector.shape_cast %max3A_455 : vector<1x16xf32> to vector<1x16xf32>
        tpu.vector_store %arg9[%swap3A_456, %swap3A_457], %swap3A_460 {strides = array<i32>} : memref<64x128xf32, #tpu.memory_space<vmem>>, vector<1x16xf32>,
        %add3A_461 = arith.constant 0 : i32
        %add3A_462 = arith.addi %add3A_425, %add3A_461 : i32
        %get3A_463 = arith.index_cast %add3A_462 : i32 to index
        %get3A_464 = arith.constant 32 : index
        %get3A_465 = tpu.vector_load %arg9[%get3A_463, %get3A_464] {strides = array<i32>} : memref<64x128xf32, #tpu.memory_space<vmem>>, vector<1x16xf32>,
        %get3A_466 = vector.shape_cast %get3A_465 : vector<1x16xf32> to vector<1x16xf32>
        %get3A_467 = arith.index_cast %add3A_462 : i32 to index
        %get3A_468 = arith.constant 32 : index
        %get3A_469 = tpu.vector_load %arg13[%get3A_467, %get3A_468] {strides = array<i32>} : memref<64x128xf32, #tpu.memory_space<vmem>>, vector<1x16xf32>,
        %get3A_470 = vector.shape_cast %get3A_469 : vector<1x16xf32> to vector<1x16xf32>
        %add3A_471 = arith.addf %get3A_466, %get3A_470 : vector<1x16xf32>
        %max3A_472 = arith.constant 0.000000e+00 : f32
        %max3A_473 = vector.broadcast %max3A_472 : f32 to vector<1x16xf32>
        %max3A_474 = arith.maximumf %add3A_471, %max3A_473 : vector<1x16xf32>
        %swap3A_475 = arith.index_cast %add3A_462 : i32 to index
        %swap3A_476 = arith.constant 32 : index
        %swap3A_477 = tpu.vector_load %arg9[%swap3A_475, %swap3A_476] {strides = array<i32>} : memref<64x128xf32, #tpu.memory_space<vmem>>, vector<1x16xf32>,
        %swap3A_478 = vector.shape_cast %swap3A_477 : vector<1x16xf32> to vector<1x16xf32>
        %swap3A_479 = vector.shape_cast %max3A_474 : vector<1x16xf32> to vector<1x16xf32>
        tpu.vector_store %arg9[%swap3A_475, %swap3A_476], %swap3A_479 {strides = array<i32>} : memref<64x128xf32, #tpu.memory_space<vmem>>, vector<1x16xf32>,
        %add3A_480 = arith.constant 0 : i32
        %add3A_481 = arith.addi %add3A_425, %add3A_480 : i32
        %get3A_482 = arith.index_cast %add3A_481 : i32 to index
        %get3A_483 = arith.constant 48 : index
        %get3A_484 = tpu.vector_load %arg9[%get3A_482, %get3A_483] {strides = array<i32>} : memref<64x128xf32, #tpu.memory_space<vmem>>, vector<1x16xf32>,
        %get3A_485 = vector.shape_cast %get3A_484 : vector<1x16xf32> to vector<1x16xf32>
        %get3A_486 = arith.index_cast %add3A_481 : i32 to index
        %get3A_487 = arith.constant 48 : index
        %get3A_488 = tpu.vector_load %arg13[%get3A_486, %get3A_487] {strides = array<i32>} : memref<64x128xf32, #tpu.memory_space<vmem>>, vector<1x16xf32>,
        %get3A_489 = vector.shape_cast %get3A_488 : vector<1x16xf32> to vector<1x16xf32>
        %add3A_490 = arith.addf %get3A_485, %get3A_489 : vector<1x16xf32>
        %max3A_491 = arith.constant 0.000000e+00 : f32
        %max3A_492 = vector.broadcast %max3A_491 : f32 to vector<1x16xf32>
        %max3A_493 = arith.maximumf %add3A_490, %max3A_492 : vector<1x16xf32>
        %swap3A_494 = arith.index_cast %add3A_481 : i32 to index
        %swap3A_495 = arith.constant 48 : index
        %swap3A_496 = tpu.vector_load %arg9[%swap3A_494, %swap3A_495] {strides = array<i32>} : memref<64x128xf32, #tpu.memory_space<vmem>>, vector<1x16xf32>,
        %swap3A_497 = vector.shape_cast %swap3A_496 : vector<1x16xf32> to vector<1x16xf32>
        %swap3A_498 = vector.shape_cast %max3A_493 : vector<1x16xf32> to vector<1x16xf32>
        tpu.vector_store %arg9[%swap3A_494, %swap3A_495], %swap3A_498 {strides = array<i32>} : memref<64x128xf32, #tpu.memory_space<vmem>>, vector<1x16xf32>,
        %add3A_499 = arith.constant 0 : i32
        %add3A_500 = arith.addi %add3A_425, %add3A_499 : i32
        %get3A_501 = arith.index_cast %add3A_500 : i32 to index
        %get3A_502 = arith.constant 64 : index
        %get3A_503 = tpu.vector_load %arg9[%get3A_501, %get3A_502] {strides = array<i32>} : memref<64x128xf32, #tpu.memory_space<vmem>>, vector<1x16xf32>,
        %get3A_504 = vector.shape_cast %get3A_503 : vector<1x16xf32> to vector<1x16xf32>
        %get3A_505 = arith.index_cast %add3A_500 : i32 to index
        %get3A_506 = arith.constant 64 : index
        %get3A_507 = tpu.vector_load %arg13[%get3A_505, %get3A_506] {strides = array<i32>} : memref<64x128xf32, #tpu.memory_space<vmem>>, vector<1x16xf32>,
        %get3A_508 = vector.shape_cast %get3A_507 : vector<1x16xf32> to vector<1x16xf32>
        %add3A_509 = arith.addf %get3A_504, %get3A_508 : vector<1x16xf32>
        %max3A_510 = arith.constant 0.000000e+00 : f32
        %max3A_511 = vector.broadcast %max3A_510 : f32 to vector<1x16xf32>
        %max3A_512 = arith.maximumf %add3A_509, %max3A_511 : vector<1x16xf32>
        %swap3A_513 = arith.index_cast %add3A_500 : i32 to index
        %swap3A_514 = arith.constant 64 : index
        %swap3A_515 = tpu.vector_load %arg9[%swap3A_513, %swap3A_514] {strides = array<i32>} : memref<64x128xf32, #tpu.memory_space<vmem>>, vector<1x16xf32>,
        %swap3A_516 = vector.shape_cast %swap3A_515 : vector<1x16xf32> to vector<1x16xf32>
        %swap3A_517 = vector.shape_cast %max3A_512 : vector<1x16xf32> to vector<1x16xf32>
        tpu.vector_store %arg9[%swap3A_513, %swap3A_514], %swap3A_517 {strides = array<i32>} : memref<64x128xf32, #tpu.memory_space<vmem>>, vector<1x16xf32>,
        %add3A_518 = arith.constant 0 : i32
        %add3A_519 = arith.addi %add3A_425, %add3A_518 : i32
        %get3A_520 = arith.index_cast %add3A_519 : i32 to index
        %get3A_521 = arith.constant 80 : index
        %get3A_522 = tpu.vector_load %arg9[%get3A_520, %get3A_521] {strides = array<i32>} : memref<64x128xf32, #tpu.memory_space<vmem>>, vector<1x16xf32>,
        %get3A_523 = vector.shape_cast %get3A_522 : vector<1x16xf32> to vector<1x16xf32>
        %get3A_524 = arith.index_cast %add3A_519 : i32 to index
        %get3A_525 = arith.constant 80 : index
        %get3A_526 = tpu.vector_load %arg13[%get3A_524, %get3A_525] {strides = array<i32>} : memref<64x128xf32, #tpu.memory_space<vmem>>, vector<1x16xf32>,
        %get3A_527 = vector.shape_cast %get3A_526 : vector<1x16xf32> to vector<1x16xf32>
        %add3A_528 = arith.addf %get3A_523, %get3A_527 : vector<1x16xf32>
        %max3A_529 = arith.constant 0.000000e+00 : f32
        %max3A_530 = vector.broadcast %max3A_529 : f32 to vector<1x16xf32>
        %max3A_531 = arith.maximumf %add3A_528, %max3A_530 : vector<1x16xf32>
        %swap3A_532 = arith.index_cast %add3A_519 : i32 to index
        %swap3A_533 = arith.constant 80 : index
        %swap3A_534 = tpu.vector_load %arg9[%swap3A_532, %swap3A_533] {strides = array<i32>} : memref<64x128xf32, #tpu.memory_space<vmem>>, vector<1x16xf32>,
        %swap3A_535 = vector.shape_cast %swap3A_534 : vector<1x16xf32> to vector<1x16xf32>
        %swap3A_536 = vector.shape_cast %max3A_531 : vector<1x16xf32> to vector<1x16xf32>
        tpu.vector_store %arg9[%swap3A_532, %swap3A_533], %swap3A_536 {strides = array<i32>} : memref<64x128xf32, #tpu.memory_space<vmem>>, vector<1x16xf32>,
        %add3A_537 = arith.constant 0 : i32
        %add3A_538 = arith.addi %add3A_425, %add3A_537 : i32
        %get3A_539 = arith.index_cast %add3A_538 : i32 to index
        %get3A_540 = arith.constant 96 : index
        %get3A_541 = tpu.vector_load %arg9[%get3A_539, %get3A_540] {strides = array<i32>} : memref<64x128xf32, #tpu.memory_space<vmem>>, vector<1x16xf32>,
        %get3A_542 = vector.shape_cast %get3A_541 : vector<1x16xf32> to vector<1x16xf32>
        %get3A_543 = arith.index_cast %add3A_538 : i32 to index
        %get3A_544 = arith.constant 96 : index
        %get3A_545 = tpu.vector_load %arg13[%get3A_543, %get3A_544] {strides = array<i32>} : memref<64x128xf32, #tpu.memory_space<vmem>>, vector<1x16xf32>,
        %get3A_546 = vector.shape_cast %get3A_545 : vector<1x16xf32> to vector<1x16xf32>
        %add3A_547 = arith.addf %get3A_542, %get3A_546 : vector<1x16xf32>
        %max3A_548 = arith.constant 0.000000e+00 : f32
        %max3A_549 = vector.broadcast %max3A_548 : f32 to vector<1x16xf32>
        %max3A_550 = arith.maximumf %add3A_547, %max3A_549 : vector<1x16xf32>
        %swap3A_551 = arith.index_cast %add3A_538 : i32 to index
        %swap3A_552 = arith.constant 96 : index
        %swap3A_553 = tpu.vector_load %arg9[%swap3A_551, %swap3A_552] {strides = array<i32>} : memref<64x128xf32, #tpu.memory_space<vmem>>, vector<1x16xf32>,
        %swap3A_554 = vector.shape_cast %swap3A_553 : vector<1x16xf32> to vector<1x16xf32>
        %swap3A_555 = vector.shape_cast %max3A_550 : vector<1x16xf32> to vector<1x16xf32>
        tpu.vector_store %arg9[%swap3A_551, %swap3A_552], %swap3A_555 {strides = array<i32>} : memref<64x128xf32, #tpu.memory_space<vmem>>, vector<1x16xf32>,
        %add3A_556 = arith.constant 0 : i32
        %add3A_557 = arith.addi %add3A_425, %add3A_556 : i32
        %get3A_558 = arith.index_cast %add3A_557 : i32 to index
        %get3A_559 = arith.constant 112 : index
        %get3A_560 = tpu.vector_load %arg9[%get3A_558, %get3A_559] {strides = array<i32>} : memref<64x128xf32, #tpu.memory_space<vmem>>, vector<1x16xf32>,
        %get3A_561 = vector.shape_cast %get3A_560 : vector<1x16xf32> to vector<1x16xf32>
        %get3A_562 = arith.index_cast %add3A_557 : i32 to index
        %get3A_563 = arith.constant 112 : index
        %get3A_564 = tpu.vector_load %arg13[%get3A_562, %get3A_563] {strides = array<i32>} : memref<64x128xf32, #tpu.memory_space<vmem>>, vector<1x16xf32>,
        %get3A_565 = vector.shape_cast %get3A_564 : vector<1x16xf32> to vector<1x16xf32>
        %add3A_566 = arith.addf %get3A_561, %get3A_565 : vector<1x16xf32>
        %max3A_567 = arith.constant 0.000000e+00 : f32
        %max3A_568 = vector.broadcast %max3A_567 : f32 to vector<1x16xf32>
        %max3A_569 = arith.maximumf %add3A_566, %max3A_568 : vector<1x16xf32>
        %swap3A_570 = arith.index_cast %add3A_557 : i32 to index
        %swap3A_571 = arith.constant 112 : index
        %swap3A_572 = tpu.vector_load %arg9[%swap3A_570, %swap3A_571] {strides = array<i32>} : memref<64x128xf32, #tpu.memory_space<vmem>>, vector<1x16xf32>,
        %swap3A_573 = vector.shape_cast %swap3A_572 : vector<1x16xf32> to vector<1x16xf32>
        %swap3A_574 = vector.shape_cast %max3A_569 : vector<1x16xf32> to vector<1x16xf32>
        tpu.vector_store %arg9[%swap3A_570, %swap3A_571], %swap3A_574 {strides = array<i32>} : memref<64x128xf32, #tpu.memory_space<vmem>>, vector<1x16xf32>,
        %add3A_575 = arith.constant 1 : i32
        %add3A_576 = arith.addi %add3A_425, %add3A_575 : i32
        %get3A_577 = arith.index_cast %add3A_576 : i32 to index
        %get3A_578 = arith.constant 0 : index
        %get3A_579 = tpu.vector_load %arg9[%get3A_577, %get3A_578] {strides = array<i32>} : memref<64x128xf32, #tpu.memory_space<vmem>>, vector<1x16xf32>,
        %get3A_580 = vector.shape_cast %get3A_579 : vector<1x16xf32> to vector<1x16xf32>
        %get3A_581 = arith.index_cast %add3A_576 : i32 to index
        %get3A_582 = arith.constant 0 : index
        %get3A_583 = tpu.vector_load %arg13[%get3A_581, %get3A_582] {strides = array<i32>} : memref<64x128xf32, #tpu.memory_space<vmem>>, vector<1x16xf32>,
        %get3A_584 = vector.shape_cast %get3A_583 : vector<1x16xf32> to vector<1x16xf32>
        %add3A_585 = arith.addf %get3A_580, %get3A_584 : vector<1x16xf32>
        %max3A_586 = arith.constant 0.000000e+00 : f32
        %max3A_587 = vector.broadcast %max3A_586 : f32 to vector<1x16xf32>
        %max3A_588 = arith.maximumf %add3A_585, %max3A_587 : vector<1x16xf32>
        %swap3A_589 = arith.index_cast %add3A_576 : i32 to index
        %swap3A_590 = arith.constant 0 : index
        %swap3A_591 = tpu.vector_load %arg9[%swap3A_589, %swap3A_590] {strides = array<i32>} : memref<64x128xf32, #tpu.memory_space<vmem>>, vector<1x16xf32>,
        %swap3A_592 = vector.shape_cast %swap3A_591 : vector<1x16xf32> to vector<1x16xf32>
        %swap3A_593 = vector.shape_cast %max3A_588 : vector<1x16xf32> to vector<1x16xf32>
        tpu.vector_store %arg9[%swap3A_589, %swap3A_590], %swap3A_593 {strides = array<i32>} : memref<64x128xf32, #tpu.memory_space<vmem>>, vector<1x16xf32>,
        %add3A_594 = arith.constant 1 : i32
        %add3A_595 = arith.addi %add3A_425, %add3A_594 : i32
        %get3A_596 = arith.index_cast %add3A_595 : i32 to index
        %get3A_597 = arith.constant 16 : index
        %get3A_598 = tpu.vector_load %arg9[%get3A_596, %get3A_597] {strides = array<i32>} : memref<64x128xf32, #tpu.memory_space<vmem>>, vector<1x16xf32>,
        %get3A_599 = vector.shape_cast %get3A_598 : vector<1x16xf32> to vector<1x16xf32>
        %get3A_600 = arith.index_cast %add3A_595 : i32 to index
        %get3A_601 = arith.constant 16 : index
        %get3A_602 = tpu.vector_load %arg13[%get3A_600, %get3A_601] {strides = array<i32>} : memref<64x128xf32, #tpu.memory_space<vmem>>, vector<1x16xf32>,
        %get3A_603 = vector.shape_cast %get3A_602 : vector<1x16xf32> to vector<1x16xf32>
        %add3A_604 = arith.addf %get3A_599, %get3A_603 : vector<1x16xf32>
        %max3A_605 = arith.constant 0.000000e+00 : f32
        %max3A_606 = vector.broadcast %max3A_605 : f32 to vector<1x16xf32>
        %max3A_607 = arith.maximumf %add3A_604, %max3A_606 : vector<1x16xf32>
        %swap3A_608 = arith.index_cast %add3A_595 : i32 to index
        %swap3A_609 = arith.constant 16 : index
        %swap3A_610 = tpu.vector_load %arg9[%swap3A_608, %swap3A_609] {strides = array<i32>} : memref<64x128xf32, #tpu.memory_space<vmem>>, vector<1x16xf32>,
        %swap3A_611 = vector.shape_cast %swap3A_610 : vector<1x16xf32> to vector<1x16xf32>
        %swap3A_612 = vector.shape_cast %max3A_607 : vector<1x16xf32> to vector<1x16xf32>
        tpu.vector_store %arg9[%swap3A_608, %swap3A_609], %swap3A_612 {strides = array<i32>} : memref<64x128xf32, #tpu.memory_space<vmem>>, vector<1x16xf32>,
        %add3A_613 = arith.constant 1 : i32
        %add3A_614 = arith.addi %add3A_425, %add3A_613 : i32
        %get3A_615 = arith.index_cast %add3A_614 : i32 to index
        %get3A_616 = arith.constant 32 : index
        %get3A_617 = tpu.vector_load %arg9[%get3A_615, %get3A_616] {strides = array<i32>} : memref<64x128xf32, #tpu.memory_space<vmem>>, vector<1x16xf32>,
        %get3A_618 = vector.shape_cast %get3A_617 : vector<1x16xf32> to vector<1x16xf32>
        %get3A_619 = arith.index_cast %add3A_614 : i32 to index
        %get3A_620 = arith.constant 32 : index
        %get3A_621 = tpu.vector_load %arg13[%get3A_619, %get3A_620] {strides = array<i32>} : memref<64x128xf32, #tpu.memory_space<vmem>>, vector<1x16xf32>,
        %get3A_622 = vector.shape_cast %get3A_621 : vector<1x16xf32> to vector<1x16xf32>
        %add3A_623 = arith.addf %get3A_618, %get3A_622 : vector<1x16xf32>
        %max3A_624 = arith.constant 0.000000e+00 : f32
        %max3A_625 = vector.broadcast %max3A_624 : f32 to vector<1x16xf32>
        %max3A_626 = arith.maximumf %add3A_623, %max3A_625 : vector<1x16xf32>
        %swap3A_627 = arith.index_cast %add3A_614 : i32 to index
        %swap3A_628 = arith.constant 32 : index
        %swap3A_629 = tpu.vector_load %arg9[%swap3A_627, %swap3A_628] {strides = array<i32>} : memref<64x128xf32, #tpu.memory_space<vmem>>, vector<1x16xf32>,
        %swap3A_630 = vector.shape_cast %swap3A_629 : vector<1x16xf32> to vector<1x16xf32>
        %swap3A_631 = vector.shape_cast %max3A_626 : vector<1x16xf32> to vector<1x16xf32>
        tpu.vector_store %arg9[%swap3A_627, %swap3A_628], %swap3A_631 {strides = array<i32>} : memref<64x128xf32, #tpu.memory_space<vmem>>, vector<1x16xf32>,
        %add3A_632 = arith.constant 1 : i32
        %add3A_633 = arith.addi %add3A_425, %add3A_632 : i32
        %get3A_634 = arith.index_cast %add3A_633 : i32 to index
        %get3A_635 = arith.constant 48 : index
        %get3A_636 = tpu.vector_load %arg9[%get3A_634, %get3A_635] {strides = array<i32>} : memref<64x128xf32, #tpu.memory_space<vmem>>, vector<1x16xf32>,
        %get3A_637 = vector.shape_cast %get3A_636 : vector<1x16xf32> to vector<1x16xf32>
        %get3A_638 = arith.index_cast %add3A_633 : i32 to index
        %get3A_639 = arith.constant 48 : index
        %get3A_640 = tpu.vector_load %arg13[%get3A_638, %get3A_639] {strides = array<i32>} : memref<64x128xf32, #tpu.memory_space<vmem>>, vector<1x16xf32>,
        %get3A_641 = vector.shape_cast %get3A_640 : vector<1x16xf32> to vector<1x16xf32>
        %add3A_642 = arith.addf %get3A_637, %get3A_641 : vector<1x16xf32>
        %max3A_643 = arith.constant 0.000000e+00 : f32
        %max3A_644 = vector.broadcast %max3A_643 : f32 to vector<1x16xf32>
        %max3A_645 = arith.maximumf %add3A_642, %max3A_644 : vector<1x16xf32>
        %swap3A_646 = arith.index_cast %add3A_633 : i32 to index
        %swap3A_647 = arith.constant 48 : index
        %swap3A_648 = tpu.vector_load %arg9[%swap3A_646, %swap3A_647] {strides = array<i32>} : memref<64x128xf32, #tpu.memory_space<vmem>>, vector<1x16xf32>,
        %swap3A_649 = vector.shape_cast %swap3A_648 : vector<1x16xf32> to vector<1x16xf32>
        %swap3A_650 = vector.shape_cast %max3A_645 : vector<1x16xf32> to vector<1x16xf32>
        tpu.vector_store %arg9[%swap3A_646, %swap3A_647], %swap3A_650 {strides = array<i32>} : memref<64x128xf32, #tpu.memory_space<vmem>>, vector<1x16xf32>,
        %add3A_651 = arith.constant 1 : i32
        %add3A_652 = arith.addi %add3A_425, %add3A_651 : i32
        %get3A_653 = arith.index_cast %add3A_652 : i32 to index
        %get3A_654 = arith.constant 64 : index
        %get3A_655 = tpu.vector_load %arg9[%get3A_653, %get3A_654] {strides = array<i32>} : memref<64x128xf32, #tpu.memory_space<vmem>>, vector<1x16xf32>,
        %get3A_656 = vector.shape_cast %get3A_655 : vector<1x16xf32> to vector<1x16xf32>
        %get3A_657 = arith.index_cast %add3A_652 : i32 to index
        %get3A_658 = arith.constant 64 : index
        %get3A_659 = tpu.vector_load %arg13[%get3A_657, %get3A_658] {strides = array<i32>} : memref<64x128xf32, #tpu.memory_space<vmem>>, vector<1x16xf32>,
        %get3A_660 = vector.shape_cast %get3A_659 : vector<1x16xf32> to vector<1x16xf32>
        %add3A_661 = arith.addf %get3A_656, %get3A_660 : vector<1x16xf32>
        %max3A_662 = arith.constant 0.000000e+00 : f32
        %max3A_663 = vector.broadcast %max3A_662 : f32 to vector<1x16xf32>
        %max3A_664 = arith.maximumf %add3A_661, %max3A_663 : vector<1x16xf32>
        %swap3A_665 = arith.index_cast %add3A_652 : i32 to index
        %swap3A_666 = arith.constant 64 : index
        %swap3A_667 = tpu.vector_load %arg9[%swap3A_665, %swap3A_666] {strides = array<i32>} : memref<64x128xf32, #tpu.memory_space<vmem>>, vector<1x16xf32>,
        %swap3A_668 = vector.shape_cast %swap3A_667 : vector<1x16xf32> to vector<1x16xf32>
        %swap3A_669 = vector.shape_cast %max3A_664 : vector<1x16xf32> to vector<1x16xf32>
        tpu.vector_store %arg9[%swap3A_665, %swap3A_666], %swap3A_669 {strides = array<i32>} : memref<64x128xf32, #tpu.memory_space<vmem>>, vector<1x16xf32>,
        %add3A_670 = arith.constant 1 : i32
        %add3A_671 = arith.addi %add3A_425, %add3A_670 : i32
        %get3A_672 = arith.index_cast %add3A_671 : i32 to index
        %get3A_673 = arith.constant 80 : index
        %get3A_674 = tpu.vector_load %arg9[%get3A_672, %get3A_673] {strides = array<i32>} : memref<64x128xf32, #tpu.memory_space<vmem>>, vector<1x16xf32>,
        %get3A_675 = vector.shape_cast %get3A_674 : vector<1x16xf32> to vector<1x16xf32>
        %get3A_676 = arith.index_cast %add3A_671 : i32 to index
        %get3A_677 = arith.constant 80 : index
        %get3A_678 = tpu.vector_load %arg13[%get3A_676, %get3A_677] {strides = array<i32>} : memref<64x128xf32, #tpu.memory_space<vmem>>, vector<1x16xf32>,
        %get3A_679 = vector.shape_cast %get3A_678 : vector<1x16xf32> to vector<1x16xf32>
        %add3A_680 = arith.addf %get3A_675, %get3A_679 : vector<1x16xf32>
        %max3A_681 = arith.constant 0.000000e+00 : f32
        %max3A_682 = vector.broadcast %max3A_681 : f32 to vector<1x16xf32>
        %max3A_683 = arith.maximumf %add3A_680, %max3A_682 : vector<1x16xf32>
        %swap3A_684 = arith.index_cast %add3A_671 : i32 to index
        %swap3A_685 = arith.constant 80 : index
        %swap3A_686 = tpu.vector_load %arg9[%swap3A_684, %swap3A_685] {strides = array<i32>} : memref<64x128xf32, #tpu.memory_space<vmem>>, vector<1x16xf32>,
        %swap3A_687 = vector.shape_cast %swap3A_686 : vector<1x16xf32> to vector<1x16xf32>
        %swap3A_688 = vector.shape_cast %max3A_683 : vector<1x16xf32> to vector<1x16xf32>
        tpu.vector_store %arg9[%swap3A_684, %swap3A_685], %swap3A_688 {strides = array<i32>} : memref<64x128xf32, #tpu.memory_space<vmem>>, vector<1x16xf32>,
        %add3A_689 = arith.constant 1 : i32
        %add3A_690 = arith.addi %add3A_425, %add3A_689 : i32
        %get3A_691 = arith.index_cast %add3A_690 : i32 to index
        %get3A_692 = arith.constant 96 : index
        %get3A_693 = tpu.vector_load %arg9[%get3A_691, %get3A_692] {strides = array<i32>} : memref<64x128xf32, #tpu.memory_space<vmem>>, vector<1x16xf32>,
        %get3A_694 = vector.shape_cast %get3A_693 : vector<1x16xf32> to vector<1x16xf32>
        %get3A_695 = arith.index_cast %add3A_690 : i32 to index
        %get3A_696 = arith.constant 96 : index
        %get3A_697 = tpu.vector_load %arg13[%get3A_695, %get3A_696] {strides = array<i32>} : memref<64x128xf32, #tpu.memory_space<vmem>>, vector<1x16xf32>,
        %get3A_698 = vector.shape_cast %get3A_697 : vector<1x16xf32> to vector<1x16xf32>
        %add3A_699 = arith.addf %get3A_694, %get3A_698 : vector<1x16xf32>
        %max3A_700 = arith.constant 0.000000e+00 : f32
        %max3A_701 = vector.broadcast %max3A_700 : f32 to vector<1x16xf32>
        %max3A_702 = arith.maximumf %add3A_699, %max3A_701 : vector<1x16xf32>
        %swap3A_703 = arith.index_cast %add3A_690 : i32 to index
        %swap3A_704 = arith.constant 96 : index
        %swap3A_705 = tpu.vector_load %arg9[%swap3A_703, %swap3A_704] {strides = array<i32>} : memref<64x128xf32, #tpu.memory_space<vmem>>, vector<1x16xf32>,
        %swap3A_706 = vector.shape_cast %swap3A_705 : vector<1x16xf32> to vector<1x16xf32>
        %swap3A_707 = vector.shape_cast %max3A_702 : vector<1x16xf32> to vector<1x16xf32>
        tpu.vector_store %arg9[%swap3A_703, %swap3A_704], %swap3A_707 {strides = array<i32>} : memref<64x128xf32, #tpu.memory_space<vmem>>, vector<1x16xf32>,
        %add3A_708 = arith.constant 1 : i32
        %add3A_709 = arith.addi %add3A_425, %add3A_708 : i32
        %get3A_710 = arith.index_cast %add3A_709 : i32 to index
        %get3A_711 = arith.constant 112 : index
        %get3A_712 = tpu.vector_load %arg9[%get3A_710, %get3A_711] {strides = array<i32>} : memref<64x128xf32, #tpu.memory_space<vmem>>, vector<1x16xf32>,
        %get3A_713 = vector.shape_cast %get3A_712 : vector<1x16xf32> to vector<1x16xf32>
        %get3A_714 = arith.index_cast %add3A_709 : i32 to index
        %get3A_715 = arith.constant 112 : index
        %get3A_716 = tpu.vector_load %arg13[%get3A_714, %get3A_715] {strides = array<i32>} : memref<64x128xf32, #tpu.memory_space<vmem>>, vector<1x16xf32>,
        %get3A_717 = vector.shape_cast %get3A_716 : vector<1x16xf32> to vector<1x16xf32>
        %add3A_718 = arith.addf %get3A_713, %get3A_717 : vector<1x16xf32>
        %max3A_719 = arith.constant 0.000000e+00 : f32
        %max3A_720 = vector.broadcast %max3A_719 : f32 to vector<1x16xf32>
        %max3A_721 = arith.maximumf %add3A_718, %max3A_720 : vector<1x16xf32>
        %swap3A_722 = arith.index_cast %add3A_709 : i32 to index
        %swap3A_723 = arith.constant 112 : index
        %swap3A_724 = tpu.vector_load %arg9[%swap3A_722, %swap3A_723] {strides = array<i32>} : memref<64x128xf32, #tpu.memory_space<vmem>>, vector<1x16xf32>,
        %swap3A_725 = vector.shape_cast %swap3A_724 : vector<1x16xf32> to vector<1x16xf32>
        %swap3A_726 = vector.shape_cast %max3A_721 : vector<1x16xf32> to vector<1x16xf32>
        tpu.vector_store %arg9[%swap3A_722, %swap3A_723], %swap3A_726 {strides = array<i32>} : memref<64x128xf32, #tpu.memory_space<vmem>>, vector<1x16xf32>,
      }
      %scan3A_269 = arith.constant 32 : i32
      %dma_start3A_270 = arith.constant 0 : i32
      %dma_start3A_271 = arith.constant 0 : i32
      %dma_start3A_272 = tpu.memref_slice %arg7[%dma_start3A_270, %dma_start3A_271] : memref<10000x128xf32, #tpu.memory_space<vmem_shared>> -> memref<10000x128xf32, #tpu.memory_space<vmem_shared>>
      tpu.enqueue_indirect_dma source(%arg9 : memref<64x128xf32, #tpu.memory_space<vmem>>) target(%dma_start3A_272 : memref<10000x128xf32, #tpu.memory_space<vmem_shared>>) offsets(%arg17 : memref<64xi32, #tpu.memory_space<vmem>>) semaphore(%arg29 : memref<!tpu.dma_semaphore, #tpu.memory_space<semaphore_mem>>) {add = true}
      %mul3A_273 = arith.constant 4 : i32
      %mul3A_274 = arith.muli %mul3A_273, %add3A_126 : i32
      %add3A_275 = arith.constant 2 : i32
      %add3A_276 = arith.addi %mul3A_274, %add3A_275 : i32
      %ge3A_277 = arith.constant 2 : i32
      %ge3A_278 = arith.cmpi sge, %add3A_276, %ge3A_277 : i32
      %convert_element_type3A_279 = arith.extui %ge3A_278 : i1 to i32
      %cond3A_280 = arith.constant 0 : i32
      %cond3A_281 = arith.cmpi ne, %convert_element_type3A_279, %cond3A_280 : i32
      scf.if %cond3A_281 {
        %dma_wait3A_421 = arith.constant 0 : i32
        %dma_wait3A_422 = arith.constant 0 : i32
        %dma_wait3A_423 = tpu.memref_slice %arg7[%dma_wait3A_421, %dma_wait3A_422] : memref<10000x128xf32, #tpu.memory_space<vmem_shared>> -> memref<10000x128xf32, #tpu.memory_space<vmem_shared>>
        tpu.wait_indirect_dma semaphore(%arg28 : memref<!tpu.dma_semaphore, #tpu.memory_space<semaphore_mem>>) src(%arg8 : memref<64x128xf32, #tpu.memory_space<vmem>>) dst(%dma_wait3A_423 : memref<10000x128xf32, #tpu.memory_space<vmem_shared>>)
      } else {
      }
      %add3A_282 = arith.constant 16 : i32
      %add3A_283 = arith.addi %mul3A_13, %add3A_282 : i32
      %add3A_284 = arith.constant 0 : i32
      %add3A_285 = arith.addi %add3A_283, %add3A_284 : i32
      %dma_wait3A_286 = tpu.memref_slice %arg3[%add3A_285] : memref<320000xi32, #tpu.memory_space<hbm>> -> memref<64xi32, #tpu.memory_space<hbm>>
      %dma_wait3A_287 = tpu.memref_slice %arg3[%add3A_285] : memref<320000xi32, #tpu.memory_space<hbm>> -> memref<64xi32, #tpu.memory_space<hbm>>
      tpu.wait_dma2 semaphore(%arg27 : memref<!tpu.dma_semaphore, #tpu.memory_space<semaphore_mem>>) src(%dma_wait3A_287 : memref<64xi32, #tpu.memory_space<hbm>>) dst(%arg15 : memref<64xi32, #tpu.memory_space<vmem>>)
      %add3A_288 = arith.constant 16 : i32
      %add3A_289 = arith.addi %mul3A_13, %add3A_288 : i32
      %add3A_290 = arith.constant 0 : i32
      %add3A_291 = arith.addi %add3A_289, %add3A_290 : i32
      %dma_wait3A_292 = tpu.memref_slice %arg4[%add3A_291] : memref<320000xi32, #tpu.memory_space<hbm>> -> memref<64xi32, #tpu.memory_space<hbm>>
      %dma_wait3A_293 = tpu.memref_slice %arg4[%add3A_291] : memref<320000xi32, #tpu.memory_space<hbm>> -> memref<64xi32, #tpu.memory_space<hbm>>
      tpu.wait_dma2 semaphore(%arg27 : memref<!tpu.dma_semaphore, #tpu.memory_space<semaphore_mem>>) src(%dma_wait3A_293 : memref<64xi32, #tpu.memory_space<hbm>>) dst(%arg19 : memref<64xi32, #tpu.memory_space<vmem>>)
      %add3A_294 = arith.constant 1 : i32
      %add3A_295 = arith.addi %add3A_276, %add3A_294 : i32
      %min3A_296 = arith.constant 155 : i32
      %min3A_297 = arith.minsi %add3A_295, %min3A_296 : i32
      %dma_start3A_298 = arith.constant 0 : i32
      %dma_start3A_299 = arith.constant 0 : i32
      %dma_start3A_300 = tpu.memref_slice %arg2[%dma_start3A_298, %dma_start3A_299] : memref<10000x128xf32, #tpu.memory_space<hbm>> -> memref<10000x128xf32, #tpu.memory_space<hbm>>
      tpu.enqueue_indirect_dma source(%dma_start3A_300 : memref<10000x128xf32, #tpu.memory_space<hbm>>) target(%arg11 : memref<64x128xf32, #tpu.memory_space<vmem>>) offsets(%arg15 : memref<64xi32, #tpu.memory_space<vmem>>) semaphore(%arg23 : memref<!tpu.dma_semaphore, #tpu.memory_space<semaphore_mem>>)
      %add3A_301 = arith.constant 16 : i32
      %add3A_302 = arith.addi %mul3A_13, %add3A_301 : i32
      %mul3A_303 = arith.constant 64 : i32
      %mul3A_304 = arith.muli %min3A_297, %mul3A_303 : i32
      %add3A_305 = arith.addi %add3A_302, %mul3A_304 : i32
      %dma_start3A_306 = arith.constant 0 : i32
      %dma_start3A_307 = tpu.memref_slice %arg5[%add3A_305, %dma_start3A_306] : memref<320000x128xf32, #tpu.memory_space<hbm>> -> memref<64x128xf32, #tpu.memory_space<hbm>>
      %dma_start3A_308 = arith.constant 0 : i32
      %dma_start3A_309 = tpu.memref_slice %arg5[%add3A_305, %dma_start3A_308] : memref<320000x128xf32, #tpu.memory_space<hbm>> -> memref<64x128xf32, #tpu.memory_space<hbm>>
      tpu.enqueue_dma source(%dma_start3A_309 : memref<64x128xf32, #tpu.memory_space<hbm>>) target(%arg13 : memref<64x128xf32, #tpu.memory_space<vmem>>) target_semaphore(%arg25 : memref<!tpu.dma_semaphore, #tpu.memory_space<semaphore_mem>>)
      %dma_wait3A_310 = arith.constant 0 : i32
      %dma_wait3A_311 = arith.constant 0 : i32
      %dma_wait3A_312 = tpu.memref_slice %arg2[%dma_wait3A_310, %dma_wait3A_311] : memref<10000x128xf32, #tpu.memory_space<hbm>> -> memref<10000x128xf32, #tpu.memory_space<hbm>>
      tpu.wait_indirect_dma semaphore(%arg22 : memref<!tpu.dma_semaphore, #tpu.memory_space<semaphore_mem>>) src(%dma_wait3A_312 : memref<10000x128xf32, #tpu.memory_space<hbm>>) dst(%arg10 : memref<64x128xf32, #tpu.memory_space<vmem>>)
      %add3A_313 = arith.constant 16 : i32
      %add3A_314 = arith.addi %mul3A_13, %add3A_313 : i32
      %add3A_315 = arith.constant 0 : i32
      %add3A_316 = arith.addi %add3A_314, %add3A_315 : i32
      %dma_wait3A_317 = arith.constant 0 : i32
      %dma_wait3A_318 = tpu.memref_slice %arg5[%add3A_316, %dma_wait3A_317] : memref<320000x128xf32, #tpu.memory_space<hbm>> -> memref<64x128xf32, #tpu.memory_space<hbm>>
      %dma_wait3A_319 = arith.constant 0 : i32
      %dma_wait3A_320 = tpu.memref_slice %arg5[%add3A_316, %dma_wait3A_319] : memref<320000x128xf32, #tpu.memory_space<hbm>> -> memref<64x128xf32, #tpu.memory_space<hbm>>
      tpu.wait_dma2 semaphore(%arg24 : memref<!tpu.dma_semaphore, #tpu.memory_space<semaphore_mem>>) src(%dma_wait3A_320 : memref<64x128xf32, #tpu.memory_space<hbm>>) dst(%arg12 : memref<64x128xf32, #tpu.memory_space<vmem>>)
      %add3A_321 = arith.constant 2 : i32
      %add3A_322 = arith.addi %add3A_276, %add3A_321 : i32
      %min3A_323 = arith.constant 155 : i32
      %min3A_324 = arith.minsi %add3A_322, %min3A_323 : i32
      %add3A_325 = arith.constant 16 : i32
      %add3A_326 = arith.addi %mul3A_13, %add3A_325 : i32
      %mul3A_327 = arith.constant 64 : i32
      %mul3A_328 = arith.muli %min3A_324, %mul3A_327 : i32
      %add3A_329 = arith.addi %add3A_326, %mul3A_328 : i32
      %dma_start3A_330 = tpu.memref_slice %arg3[%add3A_329] : memref<320000xi32, #tpu.memory_space<hbm>> -> memref<64xi32, #tpu.memory_space<hbm>>
      %dma_start3A_331 = tpu.memref_slice %arg3[%add3A_329] : memref<320000xi32, #tpu.memory_space<hbm>> -> memref<64xi32, #tpu.memory_space<hbm>>
      tpu.enqueue_dma source(%dma_start3A_331 : memref<64xi32, #tpu.memory_space<hbm>>) target(%arg14 : memref<64xi32, #tpu.memory_space<vmem>>) target_semaphore(%arg26 : memref<!tpu.dma_semaphore, #tpu.memory_space<semaphore_mem>>)
      %add3A_332 = arith.constant 16 : i32
      %add3A_333 = arith.addi %mul3A_13, %add3A_332 : i32
      %mul3A_334 = arith.constant 64 : i32
      %mul3A_335 = arith.muli %min3A_324, %mul3A_334 : i32
      %add3A_336 = arith.addi %add3A_333, %mul3A_335 : i32
      %dma_start3A_337 = tpu.memref_slice %arg4[%add3A_336] : memref<320000xi32, #tpu.memory_space<hbm>> -> memref<64xi32, #tpu.memory_space<hbm>>
      %dma_start3A_338 = tpu.memref_slice %arg4[%add3A_336] : memref<320000xi32, #tpu.memory_space<hbm>> -> memref<64xi32, #tpu.memory_space<hbm>>
      tpu.enqueue_dma source(%dma_start3A_338 : memref<64xi32, #tpu.memory_space<hbm>>) target(%arg16 : memref<64xi32, #tpu.memory_space<vmem>>) target_semaphore(%arg26 : memref<!tpu.dma_semaphore, #tpu.memory_space<semaphore_mem>>)
      %scan3A_339 = arith.constant 0 : i32
      %scan3A_340 = arith.constant 32 : i32
      %scan3A_341 = arith.addi %scan3A_339, %scan3A_340 : i32
      %scan3A_342 = arith.constant 1 : i32
      scf.for %scan3A_421 = %scan3A_339 to %scan3A_341 step %scan3A_342  : i32 {
        %mul3A_422 = arith.constant 2 : i32
        %mul3A_423 = arith.muli %scan3A_421, %mul3A_422 : i32
        %add3A_424 = arith.constant 0 : i32
        %add3A_425 = arith.addi %add3A_424, %mul3A_423 : i32
        %add3A_426 = arith.constant 0 : i32
        %add3A_427 = arith.addi %add3A_425, %add3A_426 : i32
        %get3A = arith.index_cast %add3A_427 : i32 to index
        %get3A_428 = arith.constant 0 : index
        %get3A_429 = tpu.vector_load %arg10[%get3A, %get3A_428] {strides = array<i32>} : memref<64x128xf32, #tpu.memory_space<vmem>>, vector<1x16xf32>,
        %get3A_430 = vector.shape_cast %get3A_429 : vector<1x16xf32> to vector<1x16xf32>
        %get3A_431 = arith.index_cast %add3A_427 : i32 to index
        %get3A_432 = arith.constant 0 : index
        %get3A_433 = tpu.vector_load %arg12[%get3A_431, %get3A_432] {strides = array<i32>} : memref<64x128xf32, #tpu.memory_space<vmem>>, vector<1x16xf32>,
        %get3A_434 = vector.shape_cast %get3A_433 : vector<1x16xf32> to vector<1x16xf32>
        %add3A_435 = arith.addf %get3A_430, %get3A_434 : vector<1x16xf32>
        %max3A = arith.constant 0.000000e+00 : f32
        %max3A_436 = vector.broadcast %max3A : f32 to vector<1x16xf32>
        %max3A_437 = arith.maximumf %add3A_435, %max3A_436 : vector<1x16xf32>
        %swap3A = arith.index_cast %add3A_427 : i32 to index
        %swap3A_438 = arith.constant 0 : index
        %swap3A_439 = tpu.vector_load %arg10[%swap3A, %swap3A_438] {strides = array<i32>} : memref<64x128xf32, #tpu.memory_space<vmem>>, vector<1x16xf32>,
        %swap3A_440 = vector.shape_cast %swap3A_439 : vector<1x16xf32> to vector<1x16xf32>
        %swap3A_441 = vector.shape_cast %max3A_437 : vector<1x16xf32> to vector<1x16xf32>
        tpu.vector_store %arg10[%swap3A, %swap3A_438], %swap3A_441 {strides = array<i32>} : memref<64x128xf32, #tpu.memory_space<vmem>>, vector<1x16xf32>,
        %add3A_442 = arith.constant 0 : i32
        %add3A_443 = arith.addi %add3A_425, %add3A_442 : i32
        %get3A_444 = arith.index_cast %add3A_443 : i32 to index
        %get3A_445 = arith.constant 16 : index
        %get3A_446 = tpu.vector_load %arg10[%get3A_444, %get3A_445] {strides = array<i32>} : memref<64x128xf32, #tpu.memory_space<vmem>>, vector<1x16xf32>,
        %get3A_447 = vector.shape_cast %get3A_446 : vector<1x16xf32> to vector<1x16xf32>
        %get3A_448 = arith.index_cast %add3A_443 : i32 to index
        %get3A_449 = arith.constant 16 : index
        %get3A_450 = tpu.vector_load %arg12[%get3A_448, %get3A_449] {strides = array<i32>} : memref<64x128xf32, #tpu.memory_space<vmem>>, vector<1x16xf32>,
        %get3A_451 = vector.shape_cast %get3A_450 : vector<1x16xf32> to vector<1x16xf32>
        %add3A_452 = arith.addf %get3A_447, %get3A_451 : vector<1x16xf32>
        %max3A_453 = arith.constant 0.000000e+00 : f32
        %max3A_454 = vector.broadcast %max3A_453 : f32 to vector<1x16xf32>
        %max3A_455 = arith.maximumf %add3A_452, %max3A_454 : vector<1x16xf32>
        %swap3A_456 = arith.index_cast %add3A_443 : i32 to index
        %swap3A_457 = arith.constant 16 : index
        %swap3A_458 = tpu.vector_load %arg10[%swap3A_456, %swap3A_457] {strides = array<i32>} : memref<64x128xf32, #tpu.memory_space<vmem>>, vector<1x16xf32>,
        %swap3A_459 = vector.shape_cast %swap3A_458 : vector<1x16xf32> to vector<1x16xf32>
        %swap3A_460 = vector.shape_cast %max3A_455 : vector<1x16xf32> to vector<1x16xf32>
        tpu.vector_store %arg10[%swap3A_456, %swap3A_457], %swap3A_460 {strides = array<i32>} : memref<64x128xf32, #tpu.memory_space<vmem>>, vector<1x16xf32>,
        %add3A_461 = arith.constant 0 : i32
        %add3A_462 = arith.addi %add3A_425, %add3A_461 : i32
        %get3A_463 = arith.index_cast %add3A_462 : i32 to index
        %get3A_464 = arith.constant 32 : index
        %get3A_465 = tpu.vector_load %arg10[%get3A_463, %get3A_464] {strides = array<i32>} : memref<64x128xf32, #tpu.memory_space<vmem>>, vector<1x16xf32>,
        %get3A_466 = vector.shape_cast %get3A_465 : vector<1x16xf32> to vector<1x16xf32>
        %get3A_467 = arith.index_cast %add3A_462 : i32 to index
        %get3A_468 = arith.constant 32 : index
        %get3A_469 = tpu.vector_load %arg12[%get3A_467, %get3A_468] {strides = array<i32>} : memref<64x128xf32, #tpu.memory_space<vmem>>, vector<1x16xf32>,
        %get3A_470 = vector.shape_cast %get3A_469 : vector<1x16xf32> to vector<1x16xf32>
        %add3A_471 = arith.addf %get3A_466, %get3A_470 : vector<1x16xf32>
        %max3A_472 = arith.constant 0.000000e+00 : f32
        %max3A_473 = vector.broadcast %max3A_472 : f32 to vector<1x16xf32>
        %max3A_474 = arith.maximumf %add3A_471, %max3A_473 : vector<1x16xf32>
        %swap3A_475 = arith.index_cast %add3A_462 : i32 to index
        %swap3A_476 = arith.constant 32 : index
        %swap3A_477 = tpu.vector_load %arg10[%swap3A_475, %swap3A_476] {strides = array<i32>} : memref<64x128xf32, #tpu.memory_space<vmem>>, vector<1x16xf32>,
        %swap3A_478 = vector.shape_cast %swap3A_477 : vector<1x16xf32> to vector<1x16xf32>
        %swap3A_479 = vector.shape_cast %max3A_474 : vector<1x16xf32> to vector<1x16xf32>
        tpu.vector_store %arg10[%swap3A_475, %swap3A_476], %swap3A_479 {strides = array<i32>} : memref<64x128xf32, #tpu.memory_space<vmem>>, vector<1x16xf32>,
        %add3A_480 = arith.constant 0 : i32
        %add3A_481 = arith.addi %add3A_425, %add3A_480 : i32
        %get3A_482 = arith.index_cast %add3A_481 : i32 to index
        %get3A_483 = arith.constant 48 : index
        %get3A_484 = tpu.vector_load %arg10[%get3A_482, %get3A_483] {strides = array<i32>} : memref<64x128xf32, #tpu.memory_space<vmem>>, vector<1x16xf32>,
        %get3A_485 = vector.shape_cast %get3A_484 : vector<1x16xf32> to vector<1x16xf32>
        %get3A_486 = arith.index_cast %add3A_481 : i32 to index
        %get3A_487 = arith.constant 48 : index
        %get3A_488 = tpu.vector_load %arg12[%get3A_486, %get3A_487] {strides = array<i32>} : memref<64x128xf32, #tpu.memory_space<vmem>>, vector<1x16xf32>,
        %get3A_489 = vector.shape_cast %get3A_488 : vector<1x16xf32> to vector<1x16xf32>
        %add3A_490 = arith.addf %get3A_485, %get3A_489 : vector<1x16xf32>
        %max3A_491 = arith.constant 0.000000e+00 : f32
        %max3A_492 = vector.broadcast %max3A_491 : f32 to vector<1x16xf32>
        %max3A_493 = arith.maximumf %add3A_490, %max3A_492 : vector<1x16xf32>
        %swap3A_494 = arith.index_cast %add3A_481 : i32 to index
        %swap3A_495 = arith.constant 48 : index
        %swap3A_496 = tpu.vector_load %arg10[%swap3A_494, %swap3A_495] {strides = array<i32>} : memref<64x128xf32, #tpu.memory_space<vmem>>, vector<1x16xf32>,
        %swap3A_497 = vector.shape_cast %swap3A_496 : vector<1x16xf32> to vector<1x16xf32>
        %swap3A_498 = vector.shape_cast %max3A_493 : vector<1x16xf32> to vector<1x16xf32>
        tpu.vector_store %arg10[%swap3A_494, %swap3A_495], %swap3A_498 {strides = array<i32>} : memref<64x128xf32, #tpu.memory_space<vmem>>, vector<1x16xf32>,
        %add3A_499 = arith.constant 0 : i32
        %add3A_500 = arith.addi %add3A_425, %add3A_499 : i32
        %get3A_501 = arith.index_cast %add3A_500 : i32 to index
        %get3A_502 = arith.constant 64 : index
        %get3A_503 = tpu.vector_load %arg10[%get3A_501, %get3A_502] {strides = array<i32>} : memref<64x128xf32, #tpu.memory_space<vmem>>, vector<1x16xf32>,
        %get3A_504 = vector.shape_cast %get3A_503 : vector<1x16xf32> to vector<1x16xf32>
        %get3A_505 = arith.index_cast %add3A_500 : i32 to index
        %get3A_506 = arith.constant 64 : index
        %get3A_507 = tpu.vector_load %arg12[%get3A_505, %get3A_506] {strides = array<i32>} : memref<64x128xf32, #tpu.memory_space<vmem>>, vector<1x16xf32>,
        %get3A_508 = vector.shape_cast %get3A_507 : vector<1x16xf32> to vector<1x16xf32>
        %add3A_509 = arith.addf %get3A_504, %get3A_508 : vector<1x16xf32>
        %max3A_510 = arith.constant 0.000000e+00 : f32
        %max3A_511 = vector.broadcast %max3A_510 : f32 to vector<1x16xf32>
        %max3A_512 = arith.maximumf %add3A_509, %max3A_511 : vector<1x16xf32>
        %swap3A_513 = arith.index_cast %add3A_500 : i32 to index
        %swap3A_514 = arith.constant 64 : index
        %swap3A_515 = tpu.vector_load %arg10[%swap3A_513, %swap3A_514] {strides = array<i32>} : memref<64x128xf32, #tpu.memory_space<vmem>>, vector<1x16xf32>,
        %swap3A_516 = vector.shape_cast %swap3A_515 : vector<1x16xf32> to vector<1x16xf32>
        %swap3A_517 = vector.shape_cast %max3A_512 : vector<1x16xf32> to vector<1x16xf32>
        tpu.vector_store %arg10[%swap3A_513, %swap3A_514], %swap3A_517 {strides = array<i32>} : memref<64x128xf32, #tpu.memory_space<vmem>>, vector<1x16xf32>,
        %add3A_518 = arith.constant 0 : i32
        %add3A_519 = arith.addi %add3A_425, %add3A_518 : i32
        %get3A_520 = arith.index_cast %add3A_519 : i32 to index
        %get3A_521 = arith.constant 80 : index
        %get3A_522 = tpu.vector_load %arg10[%get3A_520, %get3A_521] {strides = array<i32>} : memref<64x128xf32, #tpu.memory_space<vmem>>, vector<1x16xf32>,
        %get3A_523 = vector.shape_cast %get3A_522 : vector<1x16xf32> to vector<1x16xf32>
        %get3A_524 = arith.index_cast %add3A_519 : i32 to index
        %get3A_525 = arith.constant 80 : index
        %get3A_526 = tpu.vector_load %arg12[%get3A_524, %get3A_525] {strides = array<i32>} : memref<64x128xf32, #tpu.memory_space<vmem>>, vector<1x16xf32>,
        %get3A_527 = vector.shape_cast %get3A_526 : vector<1x16xf32> to vector<1x16xf32>
        %add3A_528 = arith.addf %get3A_523, %get3A_527 : vector<1x16xf32>
        %max3A_529 = arith.constant 0.000000e+00 : f32
        %max3A_530 = vector.broadcast %max3A_529 : f32 to vector<1x16xf32>
        %max3A_531 = arith.maximumf %add3A_528, %max3A_530 : vector<1x16xf32>
        %swap3A_532 = arith.index_cast %add3A_519 : i32 to index
        %swap3A_533 = arith.constant 80 : index
        %swap3A_534 = tpu.vector_load %arg10[%swap3A_532, %swap3A_533] {strides = array<i32>} : memref<64x128xf32, #tpu.memory_space<vmem>>, vector<1x16xf32>,
        %swap3A_535 = vector.shape_cast %swap3A_534 : vector<1x16xf32> to vector<1x16xf32>
        %swap3A_536 = vector.shape_cast %max3A_531 : vector<1x16xf32> to vector<1x16xf32>
        tpu.vector_store %arg10[%swap3A_532, %swap3A_533], %swap3A_536 {strides = array<i32>} : memref<64x128xf32, #tpu.memory_space<vmem>>, vector<1x16xf32>,
        %add3A_537 = arith.constant 0 : i32
        %add3A_538 = arith.addi %add3A_425, %add3A_537 : i32
        %get3A_539 = arith.index_cast %add3A_538 : i32 to index
        %get3A_540 = arith.constant 96 : index
        %get3A_541 = tpu.vector_load %arg10[%get3A_539, %get3A_540] {strides = array<i32>} : memref<64x128xf32, #tpu.memory_space<vmem>>, vector<1x16xf32>,
        %get3A_542 = vector.shape_cast %get3A_541 : vector<1x16xf32> to vector<1x16xf32>
        %get3A_543 = arith.index_cast %add3A_538 : i32 to index
        %get3A_544 = arith.constant 96 : index
        %get3A_545 = tpu.vector_load %arg12[%get3A_543, %get3A_544] {strides = array<i32>} : memref<64x128xf32, #tpu.memory_space<vmem>>, vector<1x16xf32>,
        %get3A_546 = vector.shape_cast %get3A_545 : vector<1x16xf32> to vector<1x16xf32>
        %add3A_547 = arith.addf %get3A_542, %get3A_546 : vector<1x16xf32>
        %max3A_548 = arith.constant 0.000000e+00 : f32
        %max3A_549 = vector.broadcast %max3A_548 : f32 to vector<1x16xf32>
        %max3A_550 = arith.maximumf %add3A_547, %max3A_549 : vector<1x16xf32>
        %swap3A_551 = arith.index_cast %add3A_538 : i32 to index
        %swap3A_552 = arith.constant 96 : index
        %swap3A_553 = tpu.vector_load %arg10[%swap3A_551, %swap3A_552] {strides = array<i32>} : memref<64x128xf32, #tpu.memory_space<vmem>>, vector<1x16xf32>,
        %swap3A_554 = vector.shape_cast %swap3A_553 : vector<1x16xf32> to vector<1x16xf32>
        %swap3A_555 = vector.shape_cast %max3A_550 : vector<1x16xf32> to vector<1x16xf32>
        tpu.vector_store %arg10[%swap3A_551, %swap3A_552], %swap3A_555 {strides = array<i32>} : memref<64x128xf32, #tpu.memory_space<vmem>>, vector<1x16xf32>,
        %add3A_556 = arith.constant 0 : i32
        %add3A_557 = arith.addi %add3A_425, %add3A_556 : i32
        %get3A_558 = arith.index_cast %add3A_557 : i32 to index
        %get3A_559 = arith.constant 112 : index
        %get3A_560 = tpu.vector_load %arg10[%get3A_558, %get3A_559] {strides = array<i32>} : memref<64x128xf32, #tpu.memory_space<vmem>>, vector<1x16xf32>,
        %get3A_561 = vector.shape_cast %get3A_560 : vector<1x16xf32> to vector<1x16xf32>
        %get3A_562 = arith.index_cast %add3A_557 : i32 to index
        %get3A_563 = arith.constant 112 : index
        %get3A_564 = tpu.vector_load %arg12[%get3A_562, %get3A_563] {strides = array<i32>} : memref<64x128xf32, #tpu.memory_space<vmem>>, vector<1x16xf32>,
        %get3A_565 = vector.shape_cast %get3A_564 : vector<1x16xf32> to vector<1x16xf32>
        %add3A_566 = arith.addf %get3A_561, %get3A_565 : vector<1x16xf32>
        %max3A_567 = arith.constant 0.000000e+00 : f32
        %max3A_568 = vector.broadcast %max3A_567 : f32 to vector<1x16xf32>
        %max3A_569 = arith.maximumf %add3A_566, %max3A_568 : vector<1x16xf32>
        %swap3A_570 = arith.index_cast %add3A_557 : i32 to index
        %swap3A_571 = arith.constant 112 : index
        %swap3A_572 = tpu.vector_load %arg10[%swap3A_570, %swap3A_571] {strides = array<i32>} : memref<64x128xf32, #tpu.memory_space<vmem>>, vector<1x16xf32>,
        %swap3A_573 = vector.shape_cast %swap3A_572 : vector<1x16xf32> to vector<1x16xf32>
        %swap3A_574 = vector.shape_cast %max3A_569 : vector<1x16xf32> to vector<1x16xf32>
        tpu.vector_store %arg10[%swap3A_570, %swap3A_571], %swap3A_574 {strides = array<i32>} : memref<64x128xf32, #tpu.memory_space<vmem>>, vector<1x16xf32>,
        %add3A_575 = arith.constant 1 : i32
        %add3A_576 = arith.addi %add3A_425, %add3A_575 : i32
        %get3A_577 = arith.index_cast %add3A_576 : i32 to index
        %get3A_578 = arith.constant 0 : index
        %get3A_579 = tpu.vector_load %arg10[%get3A_577, %get3A_578] {strides = array<i32>} : memref<64x128xf32, #tpu.memory_space<vmem>>, vector<1x16xf32>,
        %get3A_580 = vector.shape_cast %get3A_579 : vector<1x16xf32> to vector<1x16xf32>
        %get3A_581 = arith.index_cast %add3A_576 : i32 to index
        %get3A_582 = arith.constant 0 : index
        %get3A_583 = tpu.vector_load %arg12[%get3A_581, %get3A_582] {strides = array<i32>} : memref<64x128xf32, #tpu.memory_space<vmem>>, vector<1x16xf32>,
        %get3A_584 = vector.shape_cast %get3A_583 : vector<1x16xf32> to vector<1x16xf32>
        %add3A_585 = arith.addf %get3A_580, %get3A_584 : vector<1x16xf32>
        %max3A_586 = arith.constant 0.000000e+00 : f32
        %max3A_587 = vector.broadcast %max3A_586 : f32 to vector<1x16xf32>
        %max3A_588 = arith.maximumf %add3A_585, %max3A_587 : vector<1x16xf32>
        %swap3A_589 = arith.index_cast %add3A_576 : i32 to index
        %swap3A_590 = arith.constant 0 : index
        %swap3A_591 = tpu.vector_load %arg10[%swap3A_589, %swap3A_590] {strides = array<i32>} : memref<64x128xf32, #tpu.memory_space<vmem>>, vector<1x16xf32>,
        %swap3A_592 = vector.shape_cast %swap3A_591 : vector<1x16xf32> to vector<1x16xf32>
        %swap3A_593 = vector.shape_cast %max3A_588 : vector<1x16xf32> to vector<1x16xf32>
        tpu.vector_store %arg10[%swap3A_589, %swap3A_590], %swap3A_593 {strides = array<i32>} : memref<64x128xf32, #tpu.memory_space<vmem>>, vector<1x16xf32>,
        %add3A_594 = arith.constant 1 : i32
        %add3A_595 = arith.addi %add3A_425, %add3A_594 : i32
        %get3A_596 = arith.index_cast %add3A_595 : i32 to index
        %get3A_597 = arith.constant 16 : index
        %get3A_598 = tpu.vector_load %arg10[%get3A_596, %get3A_597] {strides = array<i32>} : memref<64x128xf32, #tpu.memory_space<vmem>>, vector<1x16xf32>,
        %get3A_599 = vector.shape_cast %get3A_598 : vector<1x16xf32> to vector<1x16xf32>
        %get3A_600 = arith.index_cast %add3A_595 : i32 to index
        %get3A_601 = arith.constant 16 : index
        %get3A_602 = tpu.vector_load %arg12[%get3A_600, %get3A_601] {strides = array<i32>} : memref<64x128xf32, #tpu.memory_space<vmem>>, vector<1x16xf32>,
        %get3A_603 = vector.shape_cast %get3A_602 : vector<1x16xf32> to vector<1x16xf32>
        %add3A_604 = arith.addf %get3A_599, %get3A_603 : vector<1x16xf32>
        %max3A_605 = arith.constant 0.000000e+00 : f32
        %max3A_606 = vector.broadcast %max3A_605 : f32 to vector<1x16xf32>
        %max3A_607 = arith.maximumf %add3A_604, %max3A_606 : vector<1x16xf32>
        %swap3A_608 = arith.index_cast %add3A_595 : i32 to index
        %swap3A_609 = arith.constant 16 : index
        %swap3A_610 = tpu.vector_load %arg10[%swap3A_608, %swap3A_609] {strides = array<i32>} : memref<64x128xf32, #tpu.memory_space<vmem>>, vector<1x16xf32>,
        %swap3A_611 = vector.shape_cast %swap3A_610 : vector<1x16xf32> to vector<1x16xf32>
        %swap3A_612 = vector.shape_cast %max3A_607 : vector<1x16xf32> to vector<1x16xf32>
        tpu.vector_store %arg10[%swap3A_608, %swap3A_609], %swap3A_612 {strides = array<i32>} : memref<64x128xf32, #tpu.memory_space<vmem>>, vector<1x16xf32>,
        %add3A_613 = arith.constant 1 : i32
        %add3A_614 = arith.addi %add3A_425, %add3A_613 : i32
        %get3A_615 = arith.index_cast %add3A_614 : i32 to index
        %get3A_616 = arith.constant 32 : index
        %get3A_617 = tpu.vector_load %arg10[%get3A_615, %get3A_616] {strides = array<i32>} : memref<64x128xf32, #tpu.memory_space<vmem>>, vector<1x16xf32>,
        %get3A_618 = vector.shape_cast %get3A_617 : vector<1x16xf32> to vector<1x16xf32>
        %get3A_619 = arith.index_cast %add3A_614 : i32 to index
        %get3A_620 = arith.constant 32 : index
        %get3A_621 = tpu.vector_load %arg12[%get3A_619, %get3A_620] {strides = array<i32>} : memref<64x128xf32, #tpu.memory_space<vmem>>, vector<1x16xf32>,
        %get3A_622 = vector.shape_cast %get3A_621 : vector<1x16xf32> to vector<1x16xf32>
        %add3A_623 = arith.addf %get3A_618, %get3A_622 : vector<1x16xf32>
        %max3A_624 = arith.constant 0.000000e+00 : f32
        %max3A_625 = vector.broadcast %max3A_624 : f32 to vector<1x16xf32>
        %max3A_626 = arith.maximumf %add3A_623, %max3A_625 : vector<1x16xf32>
        %swap3A_627 = arith.index_cast %add3A_614 : i32 to index
        %swap3A_628 = arith.constant 32 : index
        %swap3A_629 = tpu.vector_load %arg10[%swap3A_627, %swap3A_628] {strides = array<i32>} : memref<64x128xf32, #tpu.memory_space<vmem>>, vector<1x16xf32>,
        %swap3A_630 = vector.shape_cast %swap3A_629 : vector<1x16xf32> to vector<1x16xf32>
        %swap3A_631 = vector.shape_cast %max3A_626 : vector<1x16xf32> to vector<1x16xf32>
        tpu.vector_store %arg10[%swap3A_627, %swap3A_628], %swap3A_631 {strides = array<i32>} : memref<64x128xf32, #tpu.memory_space<vmem>>, vector<1x16xf32>,
        %add3A_632 = arith.constant 1 : i32
        %add3A_633 = arith.addi %add3A_425, %add3A_632 : i32
        %get3A_634 = arith.index_cast %add3A_633 : i32 to index
        %get3A_635 = arith.constant 48 : index
        %get3A_636 = tpu.vector_load %arg10[%get3A_634, %get3A_635] {strides = array<i32>} : memref<64x128xf32, #tpu.memory_space<vmem>>, vector<1x16xf32>,
        %get3A_637 = vector.shape_cast %get3A_636 : vector<1x16xf32> to vector<1x16xf32>
        %get3A_638 = arith.index_cast %add3A_633 : i32 to index
        %get3A_639 = arith.constant 48 : index
        %get3A_640 = tpu.vector_load %arg12[%get3A_638, %get3A_639] {strides = array<i32>} : memref<64x128xf32, #tpu.memory_space<vmem>>, vector<1x16xf32>,
        %get3A_641 = vector.shape_cast %get3A_640 : vector<1x16xf32> to vector<1x16xf32>
        %add3A_642 = arith.addf %get3A_637, %get3A_641 : vector<1x16xf32>
        %max3A_643 = arith.constant 0.000000e+00 : f32
        %max3A_644 = vector.broadcast %max3A_643 : f32 to vector<1x16xf32>
        %max3A_645 = arith.maximumf %add3A_642, %max3A_644 : vector<1x16xf32>
        %swap3A_646 = arith.index_cast %add3A_633 : i32 to index
        %swap3A_647 = arith.constant 48 : index
        %swap3A_648 = tpu.vector_load %arg10[%swap3A_646, %swap3A_647] {strides = array<i32>} : memref<64x128xf32, #tpu.memory_space<vmem>>, vector<1x16xf32>,
        %swap3A_649 = vector.shape_cast %swap3A_648 : vector<1x16xf32> to vector<1x16xf32>
        %swap3A_650 = vector.shape_cast %max3A_645 : vector<1x16xf32> to vector<1x16xf32>
        tpu.vector_store %arg10[%swap3A_646, %swap3A_647], %swap3A_650 {strides = array<i32>} : memref<64x128xf32, #tpu.memory_space<vmem>>, vector<1x16xf32>,
        %add3A_651 = arith.constant 1 : i32
        %add3A_652 = arith.addi %add3A_425, %add3A_651 : i32
        %get3A_653 = arith.index_cast %add3A_652 : i32 to index
        %get3A_654 = arith.constant 64 : index
        %get3A_655 = tpu.vector_load %arg10[%get3A_653, %get3A_654] {strides = array<i32>} : memref<64x128xf32, #tpu.memory_space<vmem>>, vector<1x16xf32>,
        %get3A_656 = vector.shape_cast %get3A_655 : vector<1x16xf32> to vector<1x16xf32>
        %get3A_657 = arith.index_cast %add3A_652 : i32 to index
        %get3A_658 = arith.constant 64 : index
        %get3A_659 = tpu.vector_load %arg12[%get3A_657, %get3A_658] {strides = array<i32>} : memref<64x128xf32, #tpu.memory_space<vmem>>, vector<1x16xf32>,
        %get3A_660 = vector.shape_cast %get3A_659 : vector<1x16xf32> to vector<1x16xf32>
        %add3A_661 = arith.addf %get3A_656, %get3A_660 : vector<1x16xf32>
        %max3A_662 = arith.constant 0.000000e+00 : f32
        %max3A_663 = vector.broadcast %max3A_662 : f32 to vector<1x16xf32>
        %max3A_664 = arith.maximumf %add3A_661, %max3A_663 : vector<1x16xf32>
        %swap3A_665 = arith.index_cast %add3A_652 : i32 to index
        %swap3A_666 = arith.constant 64 : index
        %swap3A_667 = tpu.vector_load %arg10[%swap3A_665, %swap3A_666] {strides = array<i32>} : memref<64x128xf32, #tpu.memory_space<vmem>>, vector<1x16xf32>,
        %swap3A_668 = vector.shape_cast %swap3A_667 : vector<1x16xf32> to vector<1x16xf32>
        %swap3A_669 = vector.shape_cast %max3A_664 : vector<1x16xf32> to vector<1x16xf32>
        tpu.vector_store %arg10[%swap3A_665, %swap3A_666], %swap3A_669 {strides = array<i32>} : memref<64x128xf32, #tpu.memory_space<vmem>>, vector<1x16xf32>,
        %add3A_670 = arith.constant 1 : i32
        %add3A_671 = arith.addi %add3A_425, %add3A_670 : i32
        %get3A_672 = arith.index_cast %add3A_671 : i32 to index
        %get3A_673 = arith.constant 80 : index
        %get3A_674 = tpu.vector_load %arg10[%get3A_672, %get3A_673] {strides = array<i32>} : memref<64x128xf32, #tpu.memory_space<vmem>>, vector<1x16xf32>,
        %get3A_675 = vector.shape_cast %get3A_674 : vector<1x16xf32> to vector<1x16xf32>
        %get3A_676 = arith.index_cast %add3A_671 : i32 to index
        %get3A_677 = arith.constant 80 : index
        %get3A_678 = tpu.vector_load %arg12[%get3A_676, %get3A_677] {strides = array<i32>} : memref<64x128xf32, #tpu.memory_space<vmem>>, vector<1x16xf32>,
        %get3A_679 = vector.shape_cast %get3A_678 : vector<1x16xf32> to vector<1x16xf32>
        %add3A_680 = arith.addf %get3A_675, %get3A_679 : vector<1x16xf32>
        %max3A_681 = arith.constant 0.000000e+00 : f32
        %max3A_682 = vector.broadcast %max3A_681 : f32 to vector<1x16xf32>
        %max3A_683 = arith.maximumf %add3A_680, %max3A_682 : vector<1x16xf32>
        %swap3A_684 = arith.index_cast %add3A_671 : i32 to index
        %swap3A_685 = arith.constant 80 : index
        %swap3A_686 = tpu.vector_load %arg10[%swap3A_684, %swap3A_685] {strides = array<i32>} : memref<64x128xf32, #tpu.memory_space<vmem>>, vector<1x16xf32>,
        %swap3A_687 = vector.shape_cast %swap3A_686 : vector<1x16xf32> to vector<1x16xf32>
        %swap3A_688 = vector.shape_cast %max3A_683 : vector<1x16xf32> to vector<1x16xf32>
        tpu.vector_store %arg10[%swap3A_684, %swap3A_685], %swap3A_688 {strides = array<i32>} : memref<64x128xf32, #tpu.memory_space<vmem>>, vector<1x16xf32>,
        %add3A_689 = arith.constant 1 : i32
        %add3A_690 = arith.addi %add3A_425, %add3A_689 : i32
        %get3A_691 = arith.index_cast %add3A_690 : i32 to index
        %get3A_692 = arith.constant 96 : index
        %get3A_693 = tpu.vector_load %arg10[%get3A_691, %get3A_692] {strides = array<i32>} : memref<64x128xf32, #tpu.memory_space<vmem>>, vector<1x16xf32>,
        %get3A_694 = vector.shape_cast %get3A_693 : vector<1x16xf32> to vector<1x16xf32>
        %get3A_695 = arith.index_cast %add3A_690 : i32 to index
        %get3A_696 = arith.constant 96 : index
        %get3A_697 = tpu.vector_load %arg12[%get3A_695, %get3A_696] {strides = array<i32>} : memref<64x128xf32, #tpu.memory_space<vmem>>, vector<1x16xf32>,
        %get3A_698 = vector.shape_cast %get3A_697 : vector<1x16xf32> to vector<1x16xf32>
        %add3A_699 = arith.addf %get3A_694, %get3A_698 : vector<1x16xf32>
        %max3A_700 = arith.constant 0.000000e+00 : f32
        %max3A_701 = vector.broadcast %max3A_700 : f32 to vector<1x16xf32>
        %max3A_702 = arith.maximumf %add3A_699, %max3A_701 : vector<1x16xf32>
        %swap3A_703 = arith.index_cast %add3A_690 : i32 to index
        %swap3A_704 = arith.constant 96 : index
        %swap3A_705 = tpu.vector_load %arg10[%swap3A_703, %swap3A_704] {strides = array<i32>} : memref<64x128xf32, #tpu.memory_space<vmem>>, vector<1x16xf32>,
        %swap3A_706 = vector.shape_cast %swap3A_705 : vector<1x16xf32> to vector<1x16xf32>
        %swap3A_707 = vector.shape_cast %max3A_702 : vector<1x16xf32> to vector<1x16xf32>
        tpu.vector_store %arg10[%swap3A_703, %swap3A_704], %swap3A_707 {strides = array<i32>} : memref<64x128xf32, #tpu.memory_space<vmem>>, vector<1x16xf32>,
        %add3A_708 = arith.constant 1 : i32
        %add3A_709 = arith.addi %add3A_425, %add3A_708 : i32
        %get3A_710 = arith.index_cast %add3A_709 : i32 to index
        %get3A_711 = arith.constant 112 : index
        %get3A_712 = tpu.vector_load %arg10[%get3A_710, %get3A_711] {strides = array<i32>} : memref<64x128xf32, #tpu.memory_space<vmem>>, vector<1x16xf32>,
        %get3A_713 = vector.shape_cast %get3A_712 : vector<1x16xf32> to vector<1x16xf32>
        %get3A_714 = arith.index_cast %add3A_709 : i32 to index
        %get3A_715 = arith.constant 112 : index
        %get3A_716 = tpu.vector_load %arg12[%get3A_714, %get3A_715] {strides = array<i32>} : memref<64x128xf32, #tpu.memory_space<vmem>>, vector<1x16xf32>,
        %get3A_717 = vector.shape_cast %get3A_716 : vector<1x16xf32> to vector<1x16xf32>
        %add3A_718 = arith.addf %get3A_713, %get3A_717 : vector<1x16xf32>
        %max3A_719 = arith.constant 0.000000e+00 : f32
        %max3A_720 = vector.broadcast %max3A_719 : f32 to vector<1x16xf32>
        %max3A_721 = arith.maximumf %add3A_718, %max3A_720 : vector<1x16xf32>
        %swap3A_722 = arith.index_cast %add3A_709 : i32 to index
        %swap3A_723 = arith.constant 112 : index
        %swap3A_724 = tpu.vector_load %arg10[%swap3A_722, %swap3A_723] {strides = array<i32>} : memref<64x128xf32, #tpu.memory_space<vmem>>, vector<1x16xf32>,
        %swap3A_725 = vector.shape_cast %swap3A_724 : vector<1x16xf32> to vector<1x16xf32>
        %swap3A_726 = vector.shape_cast %max3A_721 : vector<1x16xf32> to vector<1x16xf32>
        tpu.vector_store %arg10[%swap3A_722, %swap3A_723], %swap3A_726 {strides = array<i32>} : memref<64x128xf32, #tpu.memory_space<vmem>>, vector<1x16xf32>,
      }
      %scan3A_343 = arith.constant 32 : i32
      %dma_start3A_344 = arith.constant 0 : i32
      %dma_start3A_345 = arith.constant 0 : i32
      %dma_start3A_346 = tpu.memref_slice %arg7[%dma_start3A_344, %dma_start3A_345] : memref<10000x128xf32, #tpu.memory_space<vmem_shared>> -> memref<10000x128xf32, #tpu.memory_space<vmem_shared>>
      tpu.enqueue_indirect_dma source(%arg10 : memref<64x128xf32, #tpu.memory_space<vmem>>) target(%dma_start3A_346 : memref<10000x128xf32, #tpu.memory_space<vmem_shared>>) offsets(%arg18 : memref<64xi32, #tpu.memory_space<vmem>>) semaphore(%arg28 : memref<!tpu.dma_semaphore, #tpu.memory_space<semaphore_mem>>) {add = true}
      %mul3A_347 = arith.constant 4 : i32
      %mul3A_348 = arith.muli %mul3A_347, %add3A_126 : i32
      %add3A_349 = arith.constant 3 : i32
      %add3A_350 = arith.addi %mul3A_348, %add3A_349 : i32
      %ge3A_351 = arith.constant 2 : i32
      %ge3A_352 = arith.cmpi sge, %add3A_350, %ge3A_351 : i32
      %convert_element_type3A_353 = arith.extui %ge3A_352 : i1 to i32
      %cond3A_354 = arith.constant 0 : i32
      %cond3A_355 = arith.cmpi ne, %convert_element_type3A_353, %cond3A_354 : i32
      scf.if %cond3A_355 {
        %dma_wait3A_421 = arith.constant 0 : i32
        %dma_wait3A_422 = arith.constant 0 : i32
        %dma_wait3A_423 = tpu.memref_slice %arg7[%dma_wait3A_421, %dma_wait3A_422] : memref<10000x128xf32, #tpu.memory_space<vmem_shared>> -> memref<10000x128xf32, #tpu.memory_space<vmem_shared>>
        tpu.wait_indirect_dma semaphore(%arg29 : memref<!tpu.dma_semaphore, #tpu.memory_space<semaphore_mem>>) src(%arg9 : memref<64x128xf32, #tpu.memory_space<vmem>>) dst(%dma_wait3A_423 : memref<10000x128xf32, #tpu.memory_space<vmem_shared>>)
      } else {
      }
      %add3A_356 = arith.constant 16 : i32
      %add3A_357 = arith.addi %mul3A_13, %add3A_356 : i32
      %add3A_358 = arith.constant 0 : i32
      %add3A_359 = arith.addi %add3A_357, %add3A_358 : i32
      %dma_wait3A_360 = tpu.memref_slice %arg3[%add3A_359] : memref<320000xi32, #tpu.memory_space<hbm>> -> memref<64xi32, #tpu.memory_space<hbm>>
      %dma_wait3A_361 = tpu.memref_slice %arg3[%add3A_359] : memref<320000xi32, #tpu.memory_space<hbm>> -> memref<64xi32, #tpu.memory_space<hbm>>
      tpu.wait_dma2 semaphore(%arg26 : memref<!tpu.dma_semaphore, #tpu.memory_space<semaphore_mem>>) src(%dma_wait3A_361 : memref<64xi32, #tpu.memory_space<hbm>>) dst(%arg14 : memref<64xi32, #tpu.memory_space<vmem>>)
      %add3A_362 = arith.constant 16 : i32
      %add3A_363 = arith.addi %mul3A_13, %add3A_362 : i32
      %add3A_364 = arith.constant 0 : i32
      %add3A_365 = arith.addi %add3A_363, %add3A_364 : i32
      %dma_wait3A_366 = tpu.memref_slice %arg4[%add3A_365] : memref<320000xi32, #tpu.memory_space<hbm>> -> memref<64xi32, #tpu.memory_space<hbm>>
      %dma_wait3A_367 = tpu.memref_slice %arg4[%add3A_365] : memref<320000xi32, #tpu.memory_space<hbm>> -> memref<64xi32, #tpu.memory_space<hbm>>
      tpu.wait_dma2 semaphore(%arg26 : memref<!tpu.dma_semaphore, #tpu.memory_space<semaphore_mem>>) src(%dma_wait3A_367 : memref<64xi32, #tpu.memory_space<hbm>>) dst(%arg16 : memref<64xi32, #tpu.memory_space<vmem>>)
      %add3A_368 = arith.constant 1 : i32
      %add3A_369 = arith.addi %add3A_350, %add3A_368 : i32
      %min3A_370 = arith.constant 155 : i32
      %min3A_371 = arith.minsi %add3A_369, %min3A_370 : i32
      %dma_start3A_372 = arith.constant 0 : i32
      %dma_start3A_373 = arith.constant 0 : i32
      %dma_start3A_374 = tpu.memref_slice %arg2[%dma_start3A_372, %dma_start3A_373] : memref<10000x128xf32, #tpu.memory_space<hbm>> -> memref<10000x128xf32, #tpu.memory_space<hbm>>
      tpu.enqueue_indirect_dma source(%dma_start3A_374 : memref<10000x128xf32, #tpu.memory_space<hbm>>) target(%arg8 : memref<64x128xf32, #tpu.memory_space<vmem>>) offsets(%arg14 : memref<64xi32, #tpu.memory_space<vmem>>) semaphore(%arg20 : memref<!tpu.dma_semaphore, #tpu.memory_space<semaphore_mem>>)
      %add3A_375 = arith.constant 16 : i32
      %add3A_376 = arith.addi %mul3A_13, %add3A_375 : i32
      %mul3A_377 = arith.constant 64 : i32
      %mul3A_378 = arith.muli %min3A_371, %mul3A_377 : i32
      %add3A_379 = arith.addi %add3A_376, %mul3A_378 : i32
      %dma_start3A_380 = arith.constant 0 : i32
      %dma_start3A_381 = tpu.memref_slice %arg5[%add3A_379, %dma_start3A_380] : memref<320000x128xf32, #tpu.memory_space<hbm>> -> memref<64x128xf32, #tpu.memory_space<hbm>>
      %dma_start3A_382 = arith.constant 0 : i32
      %dma_start3A_383 = tpu.memref_slice %arg5[%add3A_379, %dma_start3A_382] : memref<320000x128xf32, #tpu.memory_space<hbm>> -> memref<64x128xf32, #tpu.memory_space<hbm>>
      tpu.enqueue_dma source(%dma_start3A_383 : memref<64x128xf32, #tpu.memory_space<hbm>>) target(%arg12 : memref<64x128xf32, #tpu.memory_space<vmem>>) target_semaphore(%arg24 : memref<!tpu.dma_semaphore, #tpu.memory_space<semaphore_mem>>)
      %dma_wait3A_384 = arith.constant 0 : i32
      %dma_wait3A_385 = arith.constant 0 : i32
      %dma_wait3A_386 = tpu.memref_slice %arg2[%dma_wait3A_384, %dma_wait3A_385] : memref<10000x128xf32, #tpu.memory_space<hbm>> -> memref<10000x128xf32, #tpu.memory_space<hbm>>
      tpu.wait_indirect_dma semaphore(%arg23 : memref<!tpu.dma_semaphore, #tpu.memory_space<semaphore_mem>>) src(%dma_wait3A_386 : memref<10000x128xf32, #tpu.memory_space<hbm>>) dst(%arg11 : memref<64x128xf32, #tpu.memory_space<vmem>>)
      %add3A_387 = arith.constant 16 : i32
      %add3A_388 = arith.addi %mul3A_13, %add3A_387 : i32
      %add3A_389 = arith.constant 0 : i32
      %add3A_390 = arith.addi %add3A_388, %add3A_389 : i32
      %dma_wait3A_391 = arith.constant 0 : i32
      %dma_wait3A_392 = tpu.memref_slice %arg5[%add3A_390, %dma_wait3A_391] : memref<320000x128xf32, #tpu.memory_space<hbm>> -> memref<64x128xf32, #tpu.memory_space<hbm>>
      %dma_wait3A_393 = arith.constant 0 : i32
      %dma_wait3A_394 = tpu.memref_slice %arg5[%add3A_390, %dma_wait3A_393] : memref<320000x128xf32, #tpu.memory_space<hbm>> -> memref<64x128xf32, #tpu.memory_space<hbm>>
      tpu.wait_dma2 semaphore(%arg25 : memref<!tpu.dma_semaphore, #tpu.memory_space<semaphore_mem>>) src(%dma_wait3A_394 : memref<64x128xf32, #tpu.memory_space<hbm>>) dst(%arg13 : memref<64x128xf32, #tpu.memory_space<vmem>>)
      %add3A_395 = arith.constant 2 : i32
      %add3A_396 = arith.addi %add3A_350, %add3A_395 : i32
      %min3A_397 = arith.constant 155 : i32
      %min3A_398 = arith.minsi %add3A_396, %min3A_397 : i32
      %add3A_399 = arith.constant 16 : i32
      %add3A_400 = arith.addi %mul3A_13, %add3A_399 : i32
      %mul3A_401 = arith.constant 64 : i32
      %mul3A_402 = arith.muli %min3A_398, %mul3A_401 : i32
      %add3A_403 = arith.addi %add3A_400, %mul3A_402 : i32
      %dma_start3A_404 = tpu.memref_slice %arg3[%add3A_403] : memref<320000xi32, #tpu.memory_space<hbm>> -> memref<64xi32, #tpu.memory_space<hbm>>
      %dma_start3A_405 = tpu.memref_slice %arg3[%add3A_403] : memref<320000xi32, #tpu.memory_space<hbm>> -> memref<64xi32, #tpu.memory_space<hbm>>
      tpu.enqueue_dma source(%dma_start3A_405 : memref<64xi32, #tpu.memory_space<hbm>>) target(%arg15 : memref<64xi32, #tpu.memory_space<vmem>>) target_semaphore(%arg27 : memref<!tpu.dma_semaphore, #tpu.memory_space<semaphore_mem>>)
      %add3A_406 = arith.constant 16 : i32
      %add3A_407 = arith.addi %mul3A_13, %add3A_406 : i32
      %mul3A_408 = arith.constant 64 : i32
      %mul3A_409 = arith.muli %min3A_398, %mul3A_408 : i32
      %add3A_410 = arith.addi %add3A_407, %mul3A_409 : i32
      %dma_start3A_411 = tpu.memref_slice %arg4[%add3A_410] : memref<320000xi32, #tpu.memory_space<hbm>> -> memref<64xi32, #tpu.memory_space<hbm>>
      %dma_start3A_412 = tpu.memref_slice %arg4[%add3A_410] : memref<320000xi32, #tpu.memory_space<hbm>> -> memref<64xi32, #tpu.memory_space<hbm>>
      tpu.enqueue_dma source(%dma_start3A_412 : memref<64xi32, #tpu.memory_space<hbm>>) target(%arg17 : memref<64xi32, #tpu.memory_space<vmem>>) target_semaphore(%arg27 : memref<!tpu.dma_semaphore, #tpu.memory_space<semaphore_mem>>)
      %scan3A_413 = arith.constant 0 : i32
      %scan3A_414 = arith.constant 32 : i32
      %scan3A_415 = arith.addi %scan3A_413, %scan3A_414 : i32
      %scan3A_416 = arith.constant 1 : i32
      scf.for %scan3A_421 = %scan3A_413 to %scan3A_415 step %scan3A_416  : i32 {
        %mul3A_422 = arith.constant 2 : i32
        %mul3A_423 = arith.muli %scan3A_421, %mul3A_422 : i32
        %add3A_424 = arith.constant 0 : i32
        %add3A_425 = arith.addi %add3A_424, %mul3A_423 : i32
        %add3A_426 = arith.constant 0 : i32
        %add3A_427 = arith.addi %add3A_425, %add3A_426 : i32
        %get3A = arith.index_cast %add3A_427 : i32 to index
        %get3A_428 = arith.constant 0 : index
        %get3A_429 = tpu.vector_load %arg11[%get3A, %get3A_428] {strides = array<i32>} : memref<64x128xf32, #tpu.memory_space<vmem>>, vector<1x16xf32>,
        %get3A_430 = vector.shape_cast %get3A_429 : vector<1x16xf32> to vector<1x16xf32>
        %get3A_431 = arith.index_cast %add3A_427 : i32 to index
        %get3A_432 = arith.constant 0 : index
        %get3A_433 = tpu.vector_load %arg13[%get3A_431, %get3A_432] {strides = array<i32>} : memref<64x128xf32, #tpu.memory_space<vmem>>, vector<1x16xf32>,
        %get3A_434 = vector.shape_cast %get3A_433 : vector<1x16xf32> to vector<1x16xf32>
        %add3A_435 = arith.addf %get3A_430, %get3A_434 : vector<1x16xf32>
        %max3A = arith.constant 0.000000e+00 : f32
        %max3A_436 = vector.broadcast %max3A : f32 to vector<1x16xf32>
        %max3A_437 = arith.maximumf %add3A_435, %max3A_436 : vector<1x16xf32>
        %swap3A = arith.index_cast %add3A_427 : i32 to index
        %swap3A_438 = arith.constant 0 : index
        %swap3A_439 = tpu.vector_load %arg11[%swap3A, %swap3A_438] {strides = array<i32>} : memref<64x128xf32, #tpu.memory_space<vmem>>, vector<1x16xf32>,
        %swap3A_440 = vector.shape_cast %swap3A_439 : vector<1x16xf32> to vector<1x16xf32>
        %swap3A_441 = vector.shape_cast %max3A_437 : vector<1x16xf32> to vector<1x16xf32>
        tpu.vector_store %arg11[%swap3A, %swap3A_438], %swap3A_441 {strides = array<i32>} : memref<64x128xf32, #tpu.memory_space<vmem>>, vector<1x16xf32>,
        %add3A_442 = arith.constant 0 : i32
        %add3A_443 = arith.addi %add3A_425, %add3A_442 : i32
        %get3A_444 = arith.index_cast %add3A_443 : i32 to index
        %get3A_445 = arith.constant 16 : index
        %get3A_446 = tpu.vector_load %arg11[%get3A_444, %get3A_445] {strides = array<i32>} : memref<64x128xf32, #tpu.memory_space<vmem>>, vector<1x16xf32>,
        %get3A_447 = vector.shape_cast %get3A_446 : vector<1x16xf32> to vector<1x16xf32>
        %get3A_448 = arith.index_cast %add3A_443 : i32 to index
        %get3A_449 = arith.constant 16 : index
        %get3A_450 = tpu.vector_load %arg13[%get3A_448, %get3A_449] {strides = array<i32>} : memref<64x128xf32, #tpu.memory_space<vmem>>, vector<1x16xf32>,
        %get3A_451 = vector.shape_cast %get3A_450 : vector<1x16xf32> to vector<1x16xf32>
        %add3A_452 = arith.addf %get3A_447, %get3A_451 : vector<1x16xf32>
        %max3A_453 = arith.constant 0.000000e+00 : f32
        %max3A_454 = vector.broadcast %max3A_453 : f32 to vector<1x16xf32>
        %max3A_455 = arith.maximumf %add3A_452, %max3A_454 : vector<1x16xf32>
        %swap3A_456 = arith.index_cast %add3A_443 : i32 to index
        %swap3A_457 = arith.constant 16 : index
        %swap3A_458 = tpu.vector_load %arg11[%swap3A_456, %swap3A_457] {strides = array<i32>} : memref<64x128xf32, #tpu.memory_space<vmem>>, vector<1x16xf32>,
        %swap3A_459 = vector.shape_cast %swap3A_458 : vector<1x16xf32> to vector<1x16xf32>
        %swap3A_460 = vector.shape_cast %max3A_455 : vector<1x16xf32> to vector<1x16xf32>
        tpu.vector_store %arg11[%swap3A_456, %swap3A_457], %swap3A_460 {strides = array<i32>} : memref<64x128xf32, #tpu.memory_space<vmem>>, vector<1x16xf32>,
        %add3A_461 = arith.constant 0 : i32
        %add3A_462 = arith.addi %add3A_425, %add3A_461 : i32
        %get3A_463 = arith.index_cast %add3A_462 : i32 to index
        %get3A_464 = arith.constant 32 : index
        %get3A_465 = tpu.vector_load %arg11[%get3A_463, %get3A_464] {strides = array<i32>} : memref<64x128xf32, #tpu.memory_space<vmem>>, vector<1x16xf32>,
        %get3A_466 = vector.shape_cast %get3A_465 : vector<1x16xf32> to vector<1x16xf32>
        %get3A_467 = arith.index_cast %add3A_462 : i32 to index
        %get3A_468 = arith.constant 32 : index
        %get3A_469 = tpu.vector_load %arg13[%get3A_467, %get3A_468] {strides = array<i32>} : memref<64x128xf32, #tpu.memory_space<vmem>>, vector<1x16xf32>,
        %get3A_470 = vector.shape_cast %get3A_469 : vector<1x16xf32> to vector<1x16xf32>
        %add3A_471 = arith.addf %get3A_466, %get3A_470 : vector<1x16xf32>
        %max3A_472 = arith.constant 0.000000e+00 : f32
        %max3A_473 = vector.broadcast %max3A_472 : f32 to vector<1x16xf32>
        %max3A_474 = arith.maximumf %add3A_471, %max3A_473 : vector<1x16xf32>
        %swap3A_475 = arith.index_cast %add3A_462 : i32 to index
        %swap3A_476 = arith.constant 32 : index
        %swap3A_477 = tpu.vector_load %arg11[%swap3A_475, %swap3A_476] {strides = array<i32>} : memref<64x128xf32, #tpu.memory_space<vmem>>, vector<1x16xf32>,
        %swap3A_478 = vector.shape_cast %swap3A_477 : vector<1x16xf32> to vector<1x16xf32>
        %swap3A_479 = vector.shape_cast %max3A_474 : vector<1x16xf32> to vector<1x16xf32>
        tpu.vector_store %arg11[%swap3A_475, %swap3A_476], %swap3A_479 {strides = array<i32>} : memref<64x128xf32, #tpu.memory_space<vmem>>, vector<1x16xf32>,
        %add3A_480 = arith.constant 0 : i32
        %add3A_481 = arith.addi %add3A_425, %add3A_480 : i32
        %get3A_482 = arith.index_cast %add3A_481 : i32 to index
        %get3A_483 = arith.constant 48 : index
        %get3A_484 = tpu.vector_load %arg11[%get3A_482, %get3A_483] {strides = array<i32>} : memref<64x128xf32, #tpu.memory_space<vmem>>, vector<1x16xf32>,
        %get3A_485 = vector.shape_cast %get3A_484 : vector<1x16xf32> to vector<1x16xf32>
        %get3A_486 = arith.index_cast %add3A_481 : i32 to index
        %get3A_487 = arith.constant 48 : index
        %get3A_488 = tpu.vector_load %arg13[%get3A_486, %get3A_487] {strides = array<i32>} : memref<64x128xf32, #tpu.memory_space<vmem>>, vector<1x16xf32>,
        %get3A_489 = vector.shape_cast %get3A_488 : vector<1x16xf32> to vector<1x16xf32>
        %add3A_490 = arith.addf %get3A_485, %get3A_489 : vector<1x16xf32>
        %max3A_491 = arith.constant 0.000000e+00 : f32
        %max3A_492 = vector.broadcast %max3A_491 : f32 to vector<1x16xf32>
        %max3A_493 = arith.maximumf %add3A_490, %max3A_492 : vector<1x16xf32>
        %swap3A_494 = arith.index_cast %add3A_481 : i32 to index
        %swap3A_495 = arith.constant 48 : index
        %swap3A_496 = tpu.vector_load %arg11[%swap3A_494, %swap3A_495] {strides = array<i32>} : memref<64x128xf32, #tpu.memory_space<vmem>>, vector<1x16xf32>,
        %swap3A_497 = vector.shape_cast %swap3A_496 : vector<1x16xf32> to vector<1x16xf32>
        %swap3A_498 = vector.shape_cast %max3A_493 : vector<1x16xf32> to vector<1x16xf32>
        tpu.vector_store %arg11[%swap3A_494, %swap3A_495], %swap3A_498 {strides = array<i32>} : memref<64x128xf32, #tpu.memory_space<vmem>>, vector<1x16xf32>,
        %add3A_499 = arith.constant 0 : i32
        %add3A_500 = arith.addi %add3A_425, %add3A_499 : i32
        %get3A_501 = arith.index_cast %add3A_500 : i32 to index
        %get3A_502 = arith.constant 64 : index
        %get3A_503 = tpu.vector_load %arg11[%get3A_501, %get3A_502] {strides = array<i32>} : memref<64x128xf32, #tpu.memory_space<vmem>>, vector<1x16xf32>,
        %get3A_504 = vector.shape_cast %get3A_503 : vector<1x16xf32> to vector<1x16xf32>
        %get3A_505 = arith.index_cast %add3A_500 : i32 to index
        %get3A_506 = arith.constant 64 : index
        %get3A_507 = tpu.vector_load %arg13[%get3A_505, %get3A_506] {strides = array<i32>} : memref<64x128xf32, #tpu.memory_space<vmem>>, vector<1x16xf32>,
        %get3A_508 = vector.shape_cast %get3A_507 : vector<1x16xf32> to vector<1x16xf32>
        %add3A_509 = arith.addf %get3A_504, %get3A_508 : vector<1x16xf32>
        %max3A_510 = arith.constant 0.000000e+00 : f32
        %max3A_511 = vector.broadcast %max3A_510 : f32 to vector<1x16xf32>
        %max3A_512 = arith.maximumf %add3A_509, %max3A_511 : vector<1x16xf32>
        %swap3A_513 = arith.index_cast %add3A_500 : i32 to index
        %swap3A_514 = arith.constant 64 : index
        %swap3A_515 = tpu.vector_load %arg11[%swap3A_513, %swap3A_514] {strides = array<i32>} : memref<64x128xf32, #tpu.memory_space<vmem>>, vector<1x16xf32>,
        %swap3A_516 = vector.shape_cast %swap3A_515 : vector<1x16xf32> to vector<1x16xf32>
        %swap3A_517 = vector.shape_cast %max3A_512 : vector<1x16xf32> to vector<1x16xf32>
        tpu.vector_store %arg11[%swap3A_513, %swap3A_514], %swap3A_517 {strides = array<i32>} : memref<64x128xf32, #tpu.memory_space<vmem>>, vector<1x16xf32>,
        %add3A_518 = arith.constant 0 : i32
        %add3A_519 = arith.addi %add3A_425, %add3A_518 : i32
        %get3A_520 = arith.index_cast %add3A_519 : i32 to index
        %get3A_521 = arith.constant 80 : index
        %get3A_522 = tpu.vector_load %arg11[%get3A_520, %get3A_521] {strides = array<i32>} : memref<64x128xf32, #tpu.memory_space<vmem>>, vector<1x16xf32>,
        %get3A_523 = vector.shape_cast %get3A_522 : vector<1x16xf32> to vector<1x16xf32>
        %get3A_524 = arith.index_cast %add3A_519 : i32 to index
        %get3A_525 = arith.constant 80 : index
        %get3A_526 = tpu.vector_load %arg13[%get3A_524, %get3A_525] {strides = array<i32>} : memref<64x128xf32, #tpu.memory_space<vmem>>, vector<1x16xf32>,
        %get3A_527 = vector.shape_cast %get3A_526 : vector<1x16xf32> to vector<1x16xf32>
        %add3A_528 = arith.addf %get3A_523, %get3A_527 : vector<1x16xf32>
        %max3A_529 = arith.constant 0.000000e+00 : f32
        %max3A_530 = vector.broadcast %max3A_529 : f32 to vector<1x16xf32>
        %max3A_531 = arith.maximumf %add3A_528, %max3A_530 : vector<1x16xf32>
        %swap3A_532 = arith.index_cast %add3A_519 : i32 to index
        %swap3A_533 = arith.constant 80 : index
        %swap3A_534 = tpu.vector_load %arg11[%swap3A_532, %swap3A_533] {strides = array<i32>} : memref<64x128xf32, #tpu.memory_space<vmem>>, vector<1x16xf32>,
        %swap3A_535 = vector.shape_cast %swap3A_534 : vector<1x16xf32> to vector<1x16xf32>
        %swap3A_536 = vector.shape_cast %max3A_531 : vector<1x16xf32> to vector<1x16xf32>
        tpu.vector_store %arg11[%swap3A_532, %swap3A_533], %swap3A_536 {strides = array<i32>} : memref<64x128xf32, #tpu.memory_space<vmem>>, vector<1x16xf32>,
        %add3A_537 = arith.constant 0 : i32
        %add3A_538 = arith.addi %add3A_425, %add3A_537 : i32
        %get3A_539 = arith.index_cast %add3A_538 : i32 to index
        %get3A_540 = arith.constant 96 : index
        %get3A_541 = tpu.vector_load %arg11[%get3A_539, %get3A_540] {strides = array<i32>} : memref<64x128xf32, #tpu.memory_space<vmem>>, vector<1x16xf32>,
        %get3A_542 = vector.shape_cast %get3A_541 : vector<1x16xf32> to vector<1x16xf32>
        %get3A_543 = arith.index_cast %add3A_538 : i32 to index
        %get3A_544 = arith.constant 96 : index
        %get3A_545 = tpu.vector_load %arg13[%get3A_543, %get3A_544] {strides = array<i32>} : memref<64x128xf32, #tpu.memory_space<vmem>>, vector<1x16xf32>,
        %get3A_546 = vector.shape_cast %get3A_545 : vector<1x16xf32> to vector<1x16xf32>
        %add3A_547 = arith.addf %get3A_542, %get3A_546 : vector<1x16xf32>
        %max3A_548 = arith.constant 0.000000e+00 : f32
        %max3A_549 = vector.broadcast %max3A_548 : f32 to vector<1x16xf32>
        %max3A_550 = arith.maximumf %add3A_547, %max3A_549 : vector<1x16xf32>
        %swap3A_551 = arith.index_cast %add3A_538 : i32 to index
        %swap3A_552 = arith.constant 96 : index
        %swap3A_553 = tpu.vector_load %arg11[%swap3A_551, %swap3A_552] {strides = array<i32>} : memref<64x128xf32, #tpu.memory_space<vmem>>, vector<1x16xf32>,
        %swap3A_554 = vector.shape_cast %swap3A_553 : vector<1x16xf32> to vector<1x16xf32>
        %swap3A_555 = vector.shape_cast %max3A_550 : vector<1x16xf32> to vector<1x16xf32>
        tpu.vector_store %arg11[%swap3A_551, %swap3A_552], %swap3A_555 {strides = array<i32>} : memref<64x128xf32, #tpu.memory_space<vmem>>, vector<1x16xf32>,
        %add3A_556 = arith.constant 0 : i32
        %add3A_557 = arith.addi %add3A_425, %add3A_556 : i32
        %get3A_558 = arith.index_cast %add3A_557 : i32 to index
        %get3A_559 = arith.constant 112 : index
        %get3A_560 = tpu.vector_load %arg11[%get3A_558, %get3A_559] {strides = array<i32>} : memref<64x128xf32, #tpu.memory_space<vmem>>, vector<1x16xf32>,
        %get3A_561 = vector.shape_cast %get3A_560 : vector<1x16xf32> to vector<1x16xf32>
        %get3A_562 = arith.index_cast %add3A_557 : i32 to index
        %get3A_563 = arith.constant 112 : index
        %get3A_564 = tpu.vector_load %arg13[%get3A_562, %get3A_563] {strides = array<i32>} : memref<64x128xf32, #tpu.memory_space<vmem>>, vector<1x16xf32>,
        %get3A_565 = vector.shape_cast %get3A_564 : vector<1x16xf32> to vector<1x16xf32>
        %add3A_566 = arith.addf %get3A_561, %get3A_565 : vector<1x16xf32>
        %max3A_567 = arith.constant 0.000000e+00 : f32
        %max3A_568 = vector.broadcast %max3A_567 : f32 to vector<1x16xf32>
        %max3A_569 = arith.maximumf %add3A_566, %max3A_568 : vector<1x16xf32>
        %swap3A_570 = arith.index_cast %add3A_557 : i32 to index
        %swap3A_571 = arith.constant 112 : index
        %swap3A_572 = tpu.vector_load %arg11[%swap3A_570, %swap3A_571] {strides = array<i32>} : memref<64x128xf32, #tpu.memory_space<vmem>>, vector<1x16xf32>,
        %swap3A_573 = vector.shape_cast %swap3A_572 : vector<1x16xf32> to vector<1x16xf32>
        %swap3A_574 = vector.shape_cast %max3A_569 : vector<1x16xf32> to vector<1x16xf32>
        tpu.vector_store %arg11[%swap3A_570, %swap3A_571], %swap3A_574 {strides = array<i32>} : memref<64x128xf32, #tpu.memory_space<vmem>>, vector<1x16xf32>,
        %add3A_575 = arith.constant 1 : i32
        %add3A_576 = arith.addi %add3A_425, %add3A_575 : i32
        %get3A_577 = arith.index_cast %add3A_576 : i32 to index
        %get3A_578 = arith.constant 0 : index
        %get3A_579 = tpu.vector_load %arg11[%get3A_577, %get3A_578] {strides = array<i32>} : memref<64x128xf32, #tpu.memory_space<vmem>>, vector<1x16xf32>,
        %get3A_580 = vector.shape_cast %get3A_579 : vector<1x16xf32> to vector<1x16xf32>
        %get3A_581 = arith.index_cast %add3A_576 : i32 to index
        %get3A_582 = arith.constant 0 : index
        %get3A_583 = tpu.vector_load %arg13[%get3A_581, %get3A_582] {strides = array<i32>} : memref<64x128xf32, #tpu.memory_space<vmem>>, vector<1x16xf32>,
        %get3A_584 = vector.shape_cast %get3A_583 : vector<1x16xf32> to vector<1x16xf32>
        %add3A_585 = arith.addf %get3A_580, %get3A_584 : vector<1x16xf32>
        %max3A_586 = arith.constant 0.000000e+00 : f32
        %max3A_587 = vector.broadcast %max3A_586 : f32 to vector<1x16xf32>
        %max3A_588 = arith.maximumf %add3A_585, %max3A_587 : vector<1x16xf32>
        %swap3A_589 = arith.index_cast %add3A_576 : i32 to index
        %swap3A_590 = arith.constant 0 : index
        %swap3A_591 = tpu.vector_load %arg11[%swap3A_589, %swap3A_590] {strides = array<i32>} : memref<64x128xf32, #tpu.memory_space<vmem>>, vector<1x16xf32>,
        %swap3A_592 = vector.shape_cast %swap3A_591 : vector<1x16xf32> to vector<1x16xf32>
        %swap3A_593 = vector.shape_cast %max3A_588 : vector<1x16xf32> to vector<1x16xf32>
        tpu.vector_store %arg11[%swap3A_589, %swap3A_590], %swap3A_593 {strides = array<i32>} : memref<64x128xf32, #tpu.memory_space<vmem>>, vector<1x16xf32>,
        %add3A_594 = arith.constant 1 : i32
        %add3A_595 = arith.addi %add3A_425, %add3A_594 : i32
        %get3A_596 = arith.index_cast %add3A_595 : i32 to index
        %get3A_597 = arith.constant 16 : index
        %get3A_598 = tpu.vector_load %arg11[%get3A_596, %get3A_597] {strides = array<i32>} : memref<64x128xf32, #tpu.memory_space<vmem>>, vector<1x16xf32>,
        %get3A_599 = vector.shape_cast %get3A_598 : vector<1x16xf32> to vector<1x16xf32>
        %get3A_600 = arith.index_cast %add3A_595 : i32 to index
        %get3A_601 = arith.constant 16 : index
        %get3A_602 = tpu.vector_load %arg13[%get3A_600, %get3A_601] {strides = array<i32>} : memref<64x128xf32, #tpu.memory_space<vmem>>, vector<1x16xf32>,
        %get3A_603 = vector.shape_cast %get3A_602 : vector<1x16xf32> to vector<1x16xf32>
        %add3A_604 = arith.addf %get3A_599, %get3A_603 : vector<1x16xf32>
        %max3A_605 = arith.constant 0.000000e+00 : f32
        %max3A_606 = vector.broadcast %max3A_605 : f32 to vector<1x16xf32>
        %max3A_607 = arith.maximumf %add3A_604, %max3A_606 : vector<1x16xf32>
        %swap3A_608 = arith.index_cast %add3A_595 : i32 to index
        %swap3A_609 = arith.constant 16 : index
        %swap3A_610 = tpu.vector_load %arg11[%swap3A_608, %swap3A_609] {strides = array<i32>} : memref<64x128xf32, #tpu.memory_space<vmem>>, vector<1x16xf32>,
        %swap3A_611 = vector.shape_cast %swap3A_610 : vector<1x16xf32> to vector<1x16xf32>
        %swap3A_612 = vector.shape_cast %max3A_607 : vector<1x16xf32> to vector<1x16xf32>
        tpu.vector_store %arg11[%swap3A_608, %swap3A_609], %swap3A_612 {strides = array<i32>} : memref<64x128xf32, #tpu.memory_space<vmem>>, vector<1x16xf32>,
        %add3A_613 = arith.constant 1 : i32
        %add3A_614 = arith.addi %add3A_425, %add3A_613 : i32
        %get3A_615 = arith.index_cast %add3A_614 : i32 to index
        %get3A_616 = arith.constant 32 : index
        %get3A_617 = tpu.vector_load %arg11[%get3A_615, %get3A_616] {strides = array<i32>} : memref<64x128xf32, #tpu.memory_space<vmem>>, vector<1x16xf32>,
        %get3A_618 = vector.shape_cast %get3A_617 : vector<1x16xf32> to vector<1x16xf32>
        %get3A_619 = arith.index_cast %add3A_614 : i32 to index
        %get3A_620 = arith.constant 32 : index
        %get3A_621 = tpu.vector_load %arg13[%get3A_619, %get3A_620] {strides = array<i32>} : memref<64x128xf32, #tpu.memory_space<vmem>>, vector<1x16xf32>,
        %get3A_622 = vector.shape_cast %get3A_621 : vector<1x16xf32> to vector<1x16xf32>
        %add3A_623 = arith.addf %get3A_618, %get3A_622 : vector<1x16xf32>
        %max3A_624 = arith.constant 0.000000e+00 : f32
        %max3A_625 = vector.broadcast %max3A_624 : f32 to vector<1x16xf32>
        %max3A_626 = arith.maximumf %add3A_623, %max3A_625 : vector<1x16xf32>
        %swap3A_627 = arith.index_cast %add3A_614 : i32 to index
        %swap3A_628 = arith.constant 32 : index
        %swap3A_629 = tpu.vector_load %arg11[%swap3A_627, %swap3A_628] {strides = array<i32>} : memref<64x128xf32, #tpu.memory_space<vmem>>, vector<1x16xf32>,
        %swap3A_630 = vector.shape_cast %swap3A_629 : vector<1x16xf32> to vector<1x16xf32>
        %swap3A_631 = vector.shape_cast %max3A_626 : vector<1x16xf32> to vector<1x16xf32>
        tpu.vector_store %arg11[%swap3A_627, %swap3A_628], %swap3A_631 {strides = array<i32>} : memref<64x128xf32, #tpu.memory_space<vmem>>, vector<1x16xf32>,
        %add3A_632 = arith.constant 1 : i32
        %add3A_633 = arith.addi %add3A_425, %add3A_632 : i32
        %get3A_634 = arith.index_cast %add3A_633 : i32 to index
        %get3A_635 = arith.constant 48 : index
        %get3A_636 = tpu.vector_load %arg11[%get3A_634, %get3A_635] {strides = array<i32>} : memref<64x128xf32, #tpu.memory_space<vmem>>, vector<1x16xf32>,
        %get3A_637 = vector.shape_cast %get3A_636 : vector<1x16xf32> to vector<1x16xf32>
        %get3A_638 = arith.index_cast %add3A_633 : i32 to index
        %get3A_639 = arith.constant 48 : index
        %get3A_640 = tpu.vector_load %arg13[%get3A_638, %get3A_639] {strides = array<i32>} : memref<64x128xf32, #tpu.memory_space<vmem>>, vector<1x16xf32>,
        %get3A_641 = vector.shape_cast %get3A_640 : vector<1x16xf32> to vector<1x16xf32>
        %add3A_642 = arith.addf %get3A_637, %get3A_641 : vector<1x16xf32>
        %max3A_643 = arith.constant 0.000000e+00 : f32
        %max3A_644 = vector.broadcast %max3A_643 : f32 to vector<1x16xf32>
        %max3A_645 = arith.maximumf %add3A_642, %max3A_644 : vector<1x16xf32>
        %swap3A_646 = arith.index_cast %add3A_633 : i32 to index
        %swap3A_647 = arith.constant 48 : index
        %swap3A_648 = tpu.vector_load %arg11[%swap3A_646, %swap3A_647] {strides = array<i32>} : memref<64x128xf32, #tpu.memory_space<vmem>>, vector<1x16xf32>,
        %swap3A_649 = vector.shape_cast %swap3A_648 : vector<1x16xf32> to vector<1x16xf32>
        %swap3A_650 = vector.shape_cast %max3A_645 : vector<1x16xf32> to vector<1x16xf32>
        tpu.vector_store %arg11[%swap3A_646, %swap3A_647], %swap3A_650 {strides = array<i32>} : memref<64x128xf32, #tpu.memory_space<vmem>>, vector<1x16xf32>,
        %add3A_651 = arith.constant 1 : i32
        %add3A_652 = arith.addi %add3A_425, %add3A_651 : i32
        %get3A_653 = arith.index_cast %add3A_652 : i32 to index
        %get3A_654 = arith.constant 64 : index
        %get3A_655 = tpu.vector_load %arg11[%get3A_653, %get3A_654] {strides = array<i32>} : memref<64x128xf32, #tpu.memory_space<vmem>>, vector<1x16xf32>,
        %get3A_656 = vector.shape_cast %get3A_655 : vector<1x16xf32> to vector<1x16xf32>
        %get3A_657 = arith.index_cast %add3A_652 : i32 to index
        %get3A_658 = arith.constant 64 : index
        %get3A_659 = tpu.vector_load %arg13[%get3A_657, %get3A_658] {strides = array<i32>} : memref<64x128xf32, #tpu.memory_space<vmem>>, vector<1x16xf32>,
        %get3A_660 = vector.shape_cast %get3A_659 : vector<1x16xf32> to vector<1x16xf32>
        %add3A_661 = arith.addf %get3A_656, %get3A_660 : vector<1x16xf32>
        %max3A_662 = arith.constant 0.000000e+00 : f32
        %max3A_663 = vector.broadcast %max3A_662 : f32 to vector<1x16xf32>
        %max3A_664 = arith.maximumf %add3A_661, %max3A_663 : vector<1x16xf32>
        %swap3A_665 = arith.index_cast %add3A_652 : i32 to index
        %swap3A_666 = arith.constant 64 : index
        %swap3A_667 = tpu.vector_load %arg11[%swap3A_665, %swap3A_666] {strides = array<i32>} : memref<64x128xf32, #tpu.memory_space<vmem>>, vector<1x16xf32>,
        %swap3A_668 = vector.shape_cast %swap3A_667 : vector<1x16xf32> to vector<1x16xf32>
        %swap3A_669 = vector.shape_cast %max3A_664 : vector<1x16xf32> to vector<1x16xf32>
        tpu.vector_store %arg11[%swap3A_665, %swap3A_666], %swap3A_669 {strides = array<i32>} : memref<64x128xf32, #tpu.memory_space<vmem>>, vector<1x16xf32>,
        %add3A_670 = arith.constant 1 : i32
        %add3A_671 = arith.addi %add3A_425, %add3A_670 : i32
        %get3A_672 = arith.index_cast %add3A_671 : i32 to index
        %get3A_673 = arith.constant 80 : index
        %get3A_674 = tpu.vector_load %arg11[%get3A_672, %get3A_673] {strides = array<i32>} : memref<64x128xf32, #tpu.memory_space<vmem>>, vector<1x16xf32>,
        %get3A_675 = vector.shape_cast %get3A_674 : vector<1x16xf32> to vector<1x16xf32>
        %get3A_676 = arith.index_cast %add3A_671 : i32 to index
        %get3A_677 = arith.constant 80 : index
        %get3A_678 = tpu.vector_load %arg13[%get3A_676, %get3A_677] {strides = array<i32>} : memref<64x128xf32, #tpu.memory_space<vmem>>, vector<1x16xf32>,
        %get3A_679 = vector.shape_cast %get3A_678 : vector<1x16xf32> to vector<1x16xf32>
        %add3A_680 = arith.addf %get3A_675, %get3A_679 : vector<1x16xf32>
        %max3A_681 = arith.constant 0.000000e+00 : f32
        %max3A_682 = vector.broadcast %max3A_681 : f32 to vector<1x16xf32>
        %max3A_683 = arith.maximumf %add3A_680, %max3A_682 : vector<1x16xf32>
        %swap3A_684 = arith.index_cast %add3A_671 : i32 to index
        %swap3A_685 = arith.constant 80 : index
        %swap3A_686 = tpu.vector_load %arg11[%swap3A_684, %swap3A_685] {strides = array<i32>} : memref<64x128xf32, #tpu.memory_space<vmem>>, vector<1x16xf32>,
        %swap3A_687 = vector.shape_cast %swap3A_686 : vector<1x16xf32> to vector<1x16xf32>
        %swap3A_688 = vector.shape_cast %max3A_683 : vector<1x16xf32> to vector<1x16xf32>
        tpu.vector_store %arg11[%swap3A_684, %swap3A_685], %swap3A_688 {strides = array<i32>} : memref<64x128xf32, #tpu.memory_space<vmem>>, vector<1x16xf32>,
        %add3A_689 = arith.constant 1 : i32
        %add3A_690 = arith.addi %add3A_425, %add3A_689 : i32
        %get3A_691 = arith.index_cast %add3A_690 : i32 to index
        %get3A_692 = arith.constant 96 : index
        %get3A_693 = tpu.vector_load %arg11[%get3A_691, %get3A_692] {strides = array<i32>} : memref<64x128xf32, #tpu.memory_space<vmem>>, vector<1x16xf32>,
        %get3A_694 = vector.shape_cast %get3A_693 : vector<1x16xf32> to vector<1x16xf32>
        %get3A_695 = arith.index_cast %add3A_690 : i32 to index
        %get3A_696 = arith.constant 96 : index
        %get3A_697 = tpu.vector_load %arg13[%get3A_695, %get3A_696] {strides = array<i32>} : memref<64x128xf32, #tpu.memory_space<vmem>>, vector<1x16xf32>,
        %get3A_698 = vector.shape_cast %get3A_697 : vector<1x16xf32> to vector<1x16xf32>
        %add3A_699 = arith.addf %get3A_694, %get3A_698 : vector<1x16xf32>
        %max3A_700 = arith.constant 0.000000e+00 : f32
        %max3A_701 = vector.broadcast %max3A_700 : f32 to vector<1x16xf32>
        %max3A_702 = arith.maximumf %add3A_699, %max3A_701 : vector<1x16xf32>
        %swap3A_703 = arith.index_cast %add3A_690 : i32 to index
        %swap3A_704 = arith.constant 96 : index
        %swap3A_705 = tpu.vector_load %arg11[%swap3A_703, %swap3A_704] {strides = array<i32>} : memref<64x128xf32, #tpu.memory_space<vmem>>, vector<1x16xf32>,
        %swap3A_706 = vector.shape_cast %swap3A_705 : vector<1x16xf32> to vector<1x16xf32>
        %swap3A_707 = vector.shape_cast %max3A_702 : vector<1x16xf32> to vector<1x16xf32>
        tpu.vector_store %arg11[%swap3A_703, %swap3A_704], %swap3A_707 {strides = array<i32>} : memref<64x128xf32, #tpu.memory_space<vmem>>, vector<1x16xf32>,
        %add3A_708 = arith.constant 1 : i32
        %add3A_709 = arith.addi %add3A_425, %add3A_708 : i32
        %get3A_710 = arith.index_cast %add3A_709 : i32 to index
        %get3A_711 = arith.constant 112 : index
        %get3A_712 = tpu.vector_load %arg11[%get3A_710, %get3A_711] {strides = array<i32>} : memref<64x128xf32, #tpu.memory_space<vmem>>, vector<1x16xf32>,
        %get3A_713 = vector.shape_cast %get3A_712 : vector<1x16xf32> to vector<1x16xf32>
        %get3A_714 = arith.index_cast %add3A_709 : i32 to index
        %get3A_715 = arith.constant 112 : index
        %get3A_716 = tpu.vector_load %arg13[%get3A_714, %get3A_715] {strides = array<i32>} : memref<64x128xf32, #tpu.memory_space<vmem>>, vector<1x16xf32>,
        %get3A_717 = vector.shape_cast %get3A_716 : vector<1x16xf32> to vector<1x16xf32>
        %add3A_718 = arith.addf %get3A_713, %get3A_717 : vector<1x16xf32>
        %max3A_719 = arith.constant 0.000000e+00 : f32
        %max3A_720 = vector.broadcast %max3A_719 : f32 to vector<1x16xf32>
        %max3A_721 = arith.maximumf %add3A_718, %max3A_720 : vector<1x16xf32>
        %swap3A_722 = arith.index_cast %add3A_709 : i32 to index
        %swap3A_723 = arith.constant 112 : index
        %swap3A_724 = tpu.vector_load %arg11[%swap3A_722, %swap3A_723] {strides = array<i32>} : memref<64x128xf32, #tpu.memory_space<vmem>>, vector<1x16xf32>,
        %swap3A_725 = vector.shape_cast %swap3A_724 : vector<1x16xf32> to vector<1x16xf32>
        %swap3A_726 = vector.shape_cast %max3A_721 : vector<1x16xf32> to vector<1x16xf32>
        tpu.vector_store %arg11[%swap3A_722, %swap3A_723], %swap3A_726 {strides = array<i32>} : memref<64x128xf32, #tpu.memory_space<vmem>>, vector<1x16xf32>,
      }
      %scan3A_417 = arith.constant 32 : i32
      %dma_start3A_418 = arith.constant 0 : i32
      %dma_start3A_419 = arith.constant 0 : i32
      %dma_start3A_420 = tpu.memref_slice %arg7[%dma_start3A_418, %dma_start3A_419] : memref<10000x128xf32, #tpu.memory_space<vmem_shared>> -> memref<10000x128xf32, #tpu.memory_space<vmem_shared>>
      tpu.enqueue_indirect_dma source(%arg11 : memref<64x128xf32, #tpu.memory_space<vmem>>) target(%dma_start3A_420 : memref<10000x128xf32, #tpu.memory_space<vmem_shared>>) offsets(%arg19 : memref<64xi32, #tpu.memory_space<vmem>>) semaphore(%arg29 : memref<!tpu.dma_semaphore, #tpu.memory_space<semaphore_mem>>) {add = true}
    }
    %scan3A_75 = arith.constant 39 : i32
    %dma_wait3A_76 = arith.constant 0 : i32
    %dma_wait3A_77 = arith.constant 0 : i32
    %dma_wait3A_78 = tpu.memref_slice %arg7[%dma_wait3A_76, %dma_wait3A_77] : memref<10000x128xf32, #tpu.memory_space<vmem_shared>> -> memref<10000x128xf32, #tpu.memory_space<vmem_shared>>
    tpu.wait_indirect_dma semaphore(%arg28 : memref<!tpu.dma_semaphore, #tpu.memory_space<semaphore_mem>>) src(%arg10 : memref<64x128xf32, #tpu.memory_space<vmem>>) dst(%dma_wait3A_78 : memref<10000x128xf32, #tpu.memory_space<vmem_shared>>)
    %dma_wait3A_79 = arith.constant 0 : i32
    %dma_wait3A_80 = arith.constant 0 : i32
    %dma_wait3A_81 = tpu.memref_slice %arg7[%dma_wait3A_79, %dma_wait3A_80] : memref<10000x128xf32, #tpu.memory_space<vmem_shared>> -> memref<10000x128xf32, #tpu.memory_space<vmem_shared>>
    tpu.wait_indirect_dma semaphore(%arg29 : memref<!tpu.dma_semaphore, #tpu.memory_space<semaphore_mem>>) src(%arg11 : memref<64x128xf32, #tpu.memory_space<vmem>>) dst(%dma_wait3A_81 : memref<10000x128xf32, #tpu.memory_space<vmem_shared>>)
    %dma_wait3A_82 = arith.constant 0 : i32
    %dma_wait3A_83 = arith.constant 0 : i32
    %dma_wait3A_84 = tpu.memref_slice %arg2[%dma_wait3A_82, %dma_wait3A_83] : memref<10000x128xf32, #tpu.memory_space<hbm>> -> memref<10000x128xf32, #tpu.memory_space<hbm>>
    tpu.wait_indirect_dma semaphore(%arg20 : memref<!tpu.dma_semaphore, #tpu.memory_space<semaphore_mem>>) src(%dma_wait3A_84 : memref<10000x128xf32, #tpu.memory_space<hbm>>) dst(%arg8 : memref<64x128xf32, #tpu.memory_space<vmem>>)
    %add3A_85 = arith.constant 16 : i32
    %add3A_86 = arith.addi %mul3A_13, %add3A_85 : i32
    %add3A_87 = arith.constant 0 : i32
    %add3A_88 = arith.addi %add3A_86, %add3A_87 : i32
    %dma_wait3A_89 = arith.constant 0 : i32
    %dma_wait3A_90 = tpu.memref_slice %arg5[%add3A_88, %dma_wait3A_89] : memref<320000x128xf32, #tpu.memory_space<hbm>> -> memref<64x128xf32, #tpu.memory_space<hbm>>
    %dma_wait3A_91 = arith.constant 0 : i32
    %dma_wait3A_92 = tpu.memref_slice %arg5[%add3A_88, %dma_wait3A_91] : memref<320000x128xf32, #tpu.memory_space<hbm>> -> memref<64x128xf32, #tpu.memory_space<hbm>>
    tpu.wait_dma2 semaphore(%arg24 : memref<!tpu.dma_semaphore, #tpu.memory_space<semaphore_mem>>) src(%dma_wait3A_92 : memref<64x128xf32, #tpu.memory_space<hbm>>) dst(%arg12 : memref<64x128xf32, #tpu.memory_space<vmem>>)
    %add3A_93 = arith.constant 16 : i32
    %add3A_94 = arith.addi %mul3A_13, %add3A_93 : i32
    %add3A_95 = arith.constant 0 : i32
    %add3A_96 = arith.addi %add3A_94, %add3A_95 : i32
    %dma_wait3A_97 = tpu.memref_slice %arg3[%add3A_96] : memref<320000xi32, #tpu.memory_space<hbm>> -> memref<64xi32, #tpu.memory_space<hbm>>
    %dma_wait3A_98 = tpu.memref_slice %arg3[%add3A_96] : memref<320000xi32, #tpu.memory_space<hbm>> -> memref<64xi32, #tpu.memory_space<hbm>>
    tpu.wait_dma2 semaphore(%arg27 : memref<!tpu.dma_semaphore, #tpu.memory_space<semaphore_mem>>) src(%dma_wait3A_98 : memref<64xi32, #tpu.memory_space<hbm>>) dst(%arg15 : memref<64xi32, #tpu.memory_space<vmem>>)
    %add3A_99 = arith.constant 16 : i32
    %add3A_100 = arith.addi %mul3A_13, %add3A_99 : i32
    %add3A_101 = arith.constant 0 : i32
    %add3A_102 = arith.addi %add3A_100, %add3A_101 : i32
    %dma_wait3A_103 = tpu.memref_slice %arg4[%add3A_102] : memref<320000xi32, #tpu.memory_space<hbm>> -> memref<64xi32, #tpu.memory_space<hbm>>
    %dma_wait3A_104 = tpu.memref_slice %arg4[%add3A_102] : memref<320000xi32, #tpu.memory_space<hbm>> -> memref<64xi32, #tpu.memory_space<hbm>>
    tpu.wait_dma2 semaphore(%arg27 : memref<!tpu.dma_semaphore, #tpu.memory_space<semaphore_mem>>) src(%dma_wait3A_104 : memref<64xi32, #tpu.memory_space<hbm>>) dst(%arg17 : memref<64xi32, #tpu.memory_space<vmem>>)
    %barrier3A_105 = arith.constant 0 : index
    tpu.barrier barrier_id(%barrier3A_105)
    %sub3A = arith.constant 0 : i32
    %sub3A_106 = arith.subi %select_n3A, %sub3A : i32
    %sub3A_107 = arith.constant 1 : i32
    %sub3A_108 = arith.constant 1 : i32
    %sub3A_109 = arith.subi %sub3A_107, %sub3A_108 : i32
    %add3A_110 = arith.addi %sub3A_106, %sub3A_109 : i32
    %div3A = arith.constant 1 : i32
    %div3A_111 = arith.divsi %add3A_110, %div3A : i32
    %while3A = arith.constant 1 : i32
    %while3A_112 = arith.constant 0 : i32
    %while3A_113 = arith.constant 0 : i32
    %while3A_114 = arith.subi %div3A_111, %while3A_113 : i32
    %while3A_115 = arith.addi %while3A_113, %while3A_114 : i32
    %while3A_116 = arith.constant 1 : i32
    %while3A_117 = arith.divsi %while3A_114, %while3A_116 : i32
    %while3A_118 = arith.muli %while3A_117, %while3A_116 : i32
    %while3A_119 = arith.addi %while3A_113, %while3A_118 : i32
    %while3A_120 = arith.constant 1 : i32
    scf.for %while3A_122 = %while3A_113 to %while3A_119 step %while3A_120  : i32 {
      %mul3A_123 = arith.muli %while3A_122, %while3A : i32
      %add3A_124 = arith.addi %while3A_112, %mul3A_123 : i32
      %mul3A_125 = arith.constant 80 : i32
      %mul3A_126 = arith.muli %add3A_124, %mul3A_125 : i32
      %add3A_127 = arith.addi %mul3A_0, %mul3A_126 : i32
      "tpu.region"() ({
        %run_scoped3A = tpu.sem_alloc : memref<!tpu.dma_semaphore, #tpu.memory_space<semaphore_mem>>
        %dma_start3A_128 = arith.constant 0 : i32
        %dma_start3A_129 = tpu.memref_slice %arg6[%arg0, %add3A_127, %dma_start3A_128] : memref<2x10000x128xf32, #tpu.memory_space<hbm>> -> memref<1x80x128xf32, #tpu.memory_space<hbm>>
        %dma_start3A_130 = tpu.memref_squeeze %dma_start3A_129 : memref<1x80x128xf32, #tpu.memory_space<hbm>> -> memref<80x128xf32, #tpu.memory_space<hbm>>
        %dma_start3A_131 = arith.constant 0 : i32
        %dma_start3A_132 = tpu.memref_slice %arg7[%add3A_127, %dma_start3A_131] : memref<10000x128xf32, #tpu.memory_space<vmem_shared>> -> memref<80x128xf32, #tpu.memory_space<vmem_shared>>
        tpu.enqueue_dma source(%dma_start3A_132 : memref<80x128xf32, #tpu.memory_space<vmem_shared>>) target(%dma_start3A_130 : memref<80x128xf32, #tpu.memory_space<hbm>>) target_semaphore(%run_scoped3A : memref<!tpu.dma_semaphore, #tpu.memory_space<semaphore_mem>>)
        %dma_wait3A_133 = arith.constant 0 : i32
        %dma_wait3A_134 = tpu.memref_slice %arg6[%arg0, %add3A_127, %dma_wait3A_133] : memref<2x10000x128xf32, #tpu.memory_space<hbm>> -> memref<1x80x128xf32, #tpu.memory_space<hbm>>
        %dma_wait3A_135 = tpu.memref_squeeze %dma_wait3A_134 : memref<1x80x128xf32, #tpu.memory_space<hbm>> -> memref<80x128xf32, #tpu.memory_space<hbm>>
        %dma_wait3A_136 = arith.constant 0 : i32
        %dma_wait3A_137 = tpu.memref_slice %arg7[%add3A_127, %dma_wait3A_136] : memref<10000x128xf32, #tpu.memory_space<vmem_shared>> -> memref<80x128xf32, #tpu.memory_space<vmem_shared>>
        tpu.wait_dma2 semaphore(%run_scoped3A : memref<!tpu.dma_semaphore, #tpu.memory_space<semaphore_mem>>) src(%dma_wait3A_137 : memref<80x128xf32, #tpu.memory_space<vmem_shared>>) dst(%dma_wait3A_135 : memref<80x128xf32, #tpu.memory_space<hbm>>)
        tpu.yield
      }) : () -> ()
    }
    %while3A_121 = arith.constant 1 : i32
    scf.for %while3A_122 = %while3A_119 to %while3A_115 step %while3A_121  : i32 {
      %mul3A_123 = arith.muli %while3A_122, %while3A : i32
      %add3A_124 = arith.addi %while3A_112, %mul3A_123 : i32
      %mul3A_125 = arith.constant 80 : i32
      %mul3A_126 = arith.muli %add3A_124, %mul3A_125 : i32
      %add3A_127 = arith.addi %mul3A_0, %mul3A_126 : i32
      "tpu.region"() ({
        %run_scoped3A = tpu.sem_alloc : memref<!tpu.dma_semaphore, #tpu.memory_space<semaphore_mem>>
        %dma_start3A_128 = arith.constant 0 : i32
        %dma_start3A_129 = tpu.memref_slice %arg6[%arg0, %add3A_127, %dma_start3A_128] : memref<2x10000x128xf32, #tpu.memory_space<hbm>> -> memref<1x80x128xf32, #tpu.memory_space<hbm>>
        %dma_start3A_130 = tpu.memref_squeeze %dma_start3A_129 : memref<1x80x128xf32, #tpu.memory_space<hbm>> -> memref<80x128xf32, #tpu.memory_space<hbm>>
        %dma_start3A_131 = arith.constant 0 : i32
        %dma_start3A_132 = tpu.memref_slice %arg7[%add3A_127, %dma_start3A_131] : memref<10000x128xf32, #tpu.memory_space<vmem_shared>> -> memref<80x128xf32, #tpu.memory_space<vmem_shared>>
        tpu.enqueue_dma source(%dma_start3A_132 : memref<80x128xf32, #tpu.memory_space<vmem_shared>>) target(%dma_start3A_130 : memref<80x128xf32, #tpu.memory_space<hbm>>) target_semaphore(%run_scoped3A : memref<!tpu.dma_semaphore, #tpu.memory_space<semaphore_mem>>)
        %dma_wait3A_133 = arith.constant 0 : i32
        %dma_wait3A_134 = tpu.memref_slice %arg6[%arg0, %add3A_127, %dma_wait3A_133] : memref<2x10000x128xf32, #tpu.memory_space<hbm>> -> memref<1x80x128xf32, #tpu.memory_space<hbm>>
        %dma_wait3A_135 = tpu.memref_squeeze %dma_wait3A_134 : memref<1x80x128xf32, #tpu.memory_space<hbm>> -> memref<80x128xf32, #tpu.memory_space<hbm>>
        %dma_wait3A_136 = arith.constant 0 : i32
        %dma_wait3A_137 = tpu.memref_slice %arg7[%add3A_127, %dma_wait3A_136] : memref<10000x128xf32, #tpu.memory_space<vmem_shared>> -> memref<80x128xf32, #tpu.memory_space<vmem_shared>>
        tpu.wait_dma2 semaphore(%run_scoped3A : memref<!tpu.dma_semaphore, #tpu.memory_space<semaphore_mem>>) src(%dma_wait3A_137 : memref<80x128xf32, #tpu.memory_space<vmem_shared>>) dst(%dma_wait3A_135 : memref<80x128xf32, #tpu.memory_space<hbm>>)
        tpu.yield
      }) : () -> ()
    }
    return
  }
}

module attributes {stable_mosaic.version = 14 : i64} {
  func.func @_combine_body(%arg0: memref<2x10000x128xf32, #tpu.memory_space<vmem>>, %arg1: memref<10000x128xf32, #tpu.memory_space<vmem>>) attributes {dimension_semantics = [], scalar_prefetch = 0 : i64, scratch_operands = 0 : i64, tpu.core_type = #tpu.core_type<tc>} {
    %get3A = arith.constant 0 : index
    %get3A_0 = arith.constant 0 : index
    %get3A_1 = arith.constant 0 : index
    %get3A_2 = vector.load %arg0[%get3A, %get3A_0, %get3A_1] : memref<2x10000x128xf32, #tpu.memory_space<vmem>>, vector<1x10000x128xf32>
    %get3A_3 = vector.shape_cast %get3A_2 : vector<1x10000x128xf32> to vector<10000x128xf32>
    %get3A_4 = arith.constant 1 : index
    %get3A_5 = arith.constant 0 : index
    %get3A_6 = arith.constant 0 : index
    %get3A_7 = vector.load %arg0[%get3A_4, %get3A_5, %get3A_6] : memref<2x10000x128xf32, #tpu.memory_space<vmem>>, vector<1x10000x128xf32>
    %get3A_8 = vector.shape_cast %get3A_7 : vector<1x10000x128xf32> to vector<10000x128xf32>
    %add3A = arith.addf %get3A_3, %get3A_8 : vector<10000x128xf32>
    %swap3A = arith.constant 0 : index
    %swap3A_9 = arith.constant 0 : index
    %swap3A_10 = vector.load %arg1[%swap3A, %swap3A_9] : memref<10000x128xf32, #tpu.memory_space<vmem>>, vector<10000x128xf32>
    tpu.vector_store %arg1[%swap3A, %swap3A_9], %add3A {strides = array<i32>} : memref<10000x128xf32, #tpu.memory_space<vmem>>, vector<10000x128xf32>,
    return
  }
}

</mosaic_0001>

<sc_bundles>
// kernel: kernel.4.cloned.1.call-start
scs
__scs_entry_jumppad:
0x0: {  	(pc) =	sbr.rel $0x88, $3  }
0x1: {  	(tag) =	ssettag $0x0;
	lr =	simm.s32 $0x1  }
0x2: {  	[smem:$0x3F9E] =	sst lr;
	_ =	strace $0xD0000000  }
0x3: {  	_ = 	snop  }
0x4: {  	_ = 	snop  }
0x5: {  	_ = 	snop  }
0x6: {  	_ = 	snop  }
0x7: {  	_ = 	snop  }
__scs_overlays_trampoline_lowered:
0x8: {  	[smem:$0x3FAD] =	sst s0  }
0x9: {  	[smem:$0x3FAE] =	sst s1  }
0xa: {  	[smem:$0x3FAF] =	sst s2  }
0xb: {  	[smem:$0x3FB0] =	sst s3  }
0xc: {  	[smem:$0x3FB1] =	sst s4  }
0xd: {  	[smem:$0x3FB2] =	sst s5  }
0xe: {  	[smem:$0x3FB3] =	sst s6  }
0xf: {  	[smem:$0x3FB4] =	sst s7  }
0x10: {  	[smem:$0x3FB5] =	sst s8  }
0x11: {  	[smem:$0x3FB6] =	sst s9;
	s0 =	simm.s32 @!p0 $0x0  }
0x12: {  	s1 =	sld [smem:$0x3F9C];
	s0 =	simm.s32 @p0 $0x1  }
0x13: {  	[smem:$0x3FB7] =	sst s0;
	s0 =	simm.s32 @!p1 $0x0  }
0x14: {  	s2 =	sld [smem:$0x3F9B];
	s0 =	simm.s32 @p1 $0x1  }
0x15: {  	[smem:$0x3FB8] =	sst s0;
	s0 =	simm.s32 @!p2 $0x0  }
0x16: {  	s3 =	sld [smem:$0x3FDB];
	s0 =	simm.s32 @p2 $0x1  }
0x17: {  	s4 =	simm.s32 $0x1BF5;
	[smem:$0x3FBA] =	sst s0  }
0x18: {  	s0 =	sld [smem:$0x3F9D];
	_ =	swait.ge [sflag:s4], $0x0  }
0x19: {  	s7 =	sld [smem:$0x3F9E]  }
0x1a: {  	s8 =	sadd.s32 $0xFFFFE003, lr  }
0x1b: {  	s9 =	sadd.s32 $0xFFFFFEF7, lr;
	s5 =	simm.s32 $0xFFFFFFFF;
	p2 =	slt.u32 s8, $0xFFFFF086  }
0x1c: {  	p1 =	slt.u32 s9, $0xF7A;
	s5 =	simm.s32 @!p2 $0x0  }
0x1d: {  	s5 =	simm.s32 @p1 $0x1;
	p0 =	seq.s32 s7, s2  }
0x1e: {  	s7 =	smul.u32 @!p0 $0xF7A, s2;
	p2 =	seq.s32 @!p0 s5, $0x0  }
0x1f: {  	s9 =	smul.u32 $0xF7A, s1;
	s8 =	simm.s32 @!p0 $0x1BF5;
	p2 =	por !p2, p0  }
0x20: {  	[sflag:s8] =	ssyncset.s32 @!p0 $0xFFFFF086;
	s6 =	sadd.s32 @!p0 s3, s7;
	s7 =	simm.s32 @!p0 $0x108  }
0x21: {  	s3 =	sadd.s32 s3, s9;
	s6 =	sadd.s32 @!p0 $0x88, s6;
	s7 =	simm.s32 @p2 $0x1082  }
0x22: {  	[simem:s7], [sflag:s8] =	dma.local @!p0 [hbm:s6], $0xF7A  }
0x23: {  	s9 =	sor.u32 $0xD0000000, s2;
	s6 =	simm.s32 $0x108;
	_ =	swait.ge @!p0 [sflag:s8], $0x0  }
0x24: {  	s3 =	sadd.s32 $0x88, s3;
	s6 =	simm.s32 @!p1 $0x1082;
	[sflag:s4] =	ssyncset.s32 $0xFFFFF086  }
0x25: {  	[simem:s6], [sflag:s4] =	dma.local [hbm:s3], $0xF7A  }
0x26: {  	[smem:$0x3F9E] =	sst s1;
	(tag) =	ssettag s2;
	_ =	strace s9  }
0x27: {  	s1 =	sld [smem:$0x3FAE]  }
0x28: {  	s2 =	sld [smem:$0x3FAF]  }
0x29: {  	s4 =	sld [smem:$0x3FB1]  }
0x2a: {  	p0 =	seq.s32 s5, $0x0;
	s5 =	sld [smem:$0x3FB2]  }
0x2b: {  	s6 =	sld [smem:$0x3FB3]  }
0x2c: {  	s7 =	sld [smem:$0x3FB4]  }
0x2d: {  	s3 =	simm.s32 $0x108;
	s8 =	sld [smem:$0x3FB5]  }
0x2e: {  	s3 =	simm.s32 @!p0 $0x1082;
	s9 =	sld [smem:$0x3FB6]  }
0x2f: {  	lr =	sadd.s32 s0, s3;
	s0 =	sld [smem:$0x3FAD]  }
0x30: {  	s3 =	sld [smem:$0x3FB0]  }
0x31: {  	[smem:$0x3FB9] =	sst s10  }
0x32: {  	s10 =	sld [smem:$0x3FB7];
	_ =	sdelay $0x3  }
0x33: {  	p0 =	seq.s32 s10, $0x1;
	s10 =	sld [smem:$0x3FB9];
	_ =	sdelay $0x3  }
0x34: {  	[smem:$0x3FB9] =	sst s10  }
0x35: {  	s10 =	sld [smem:$0x3FB8];
	_ =	sdelay $0x3  }
0x36: {  	p1 =	seq.s32 s10, $0x1;
	s10 =	sld [smem:$0x3FB9];
	_ =	sdelay $0x3  }
0x37: {  	[smem:$0x3FB9] =	sst s10  }
0x38: {  	s10 =	sld [smem:$0x3FBA]  }
0x39: {  	_ = 	snop;
	(pc) =	sbr.ind lr, $3  }
0x3a: {  	_ = 	snop  }
0x3b: {  	_ = 	snop  }
0x3c: {  	p2 =	seq.s32 s10, $0x1;
	s10 =	sld [smem:$0x3FB9]  }
0x3d: {  	_ =	shalt  }
0x3e: {  	_ =	shalt  }
0x3f: {  	_ =	shalt  }
0x40: {  	_ =	shalt  }
0x41: {  	_ =	shalt  }
0x42: {  	_ =	shalt  }
0x43: {  	_ =	shalt  }
0x44: {  	_ =	shalt  }
0x45: {  	_ =	shalt  }
0x46: {  	_ =	shalt  }
0x47: {  	_ =	shalt  }
0x48: {  	_ =	shalt  }
0x49: {  	_ =	shalt  }
0x4a: {  	_ =	shalt  }
0x4b: {  	_ =	shalt  }
0x4c: {  	_ =	shalt  }
0x4d: {  	_ =	shalt  }
0x4e: {  	_ =	shalt  }
0x4f: {  	_ =	shalt  }
0x50: {  	_ =	shalt  }
0x51: {  	_ =	shalt  }
0x52: {  	_ =	shalt  }
0x53: {  	_ =	shalt  }
0x54: {  	_ =	shalt  }
0x55: {  	_ =	shalt  }
0x56: {  	_ =	shalt  }
0x57: {  	_ =	shalt  }
0x58: {  	_ =	shalt  }
0x59: {  	_ =	shalt  }
0x5a: {  	_ =	shalt  }
0x5b: {  	_ =	shalt  }
0x5c: {  	_ =	shalt  }
0x5d: {  	_ =	shalt  }
0x5e: {  	_ =	shalt  }
0x5f: {  	_ =	shalt  }
0x60: {  	_ =	shalt  }
0x61: {  	_ =	shalt  }
0x62: {  	_ =	shalt  }
0x63: {  	_ =	shalt  }
0x64: {  	_ =	shalt  }
0x65: {  	_ =	shalt  }
0x66: {  	_ =	shalt  }
0x67: {  	_ =	shalt  }
0x68: {  	_ =	shalt  }
0x69: {  	_ =	shalt  }
0x6a: {  	_ =	shalt  }
0x6b: {  	_ =	shalt  }
0x6c: {  	_ =	shalt  }
0x6d: {  	_ =	shalt  }
0x6e: {  	_ =	shalt  }
0x6f: {  	_ =	shalt  }
0x70: {  	_ =	shalt  }
0x71: {  	_ =	shalt  }
0x72: {  	_ =	shalt  }
0x73: {  	_ =	shalt  }
0x74: {  	_ =	shalt  }
0x75: {  	_ =	shalt  }
0x76: {  	_ =	shalt  }
0x77: {  	_ =	shalt  }
0x78: {  	_ =	shalt  }
0x79: {  	_ =	shalt  }
0x7a: {  	_ =	shalt  }
0x7b: {  	_ =	shalt  }
0x7c: {  	_ =	shalt  }
0x7d: {  	_ =	shalt  }
0x7e: {  	_ =	shalt  }
0x7f: {  	_ =	shalt  }
0x80: {  	_ =	shalt  }
0x81: {  	_ =	shalt  }
0x82: {  	_ =	shalt  }
0x83: {  	_ =	shalt  }
0x84: {  	_ =	shalt  }
0x85: {  	_ =	shalt  }
0x86: {  	_ =	shalt  }
0x87: {  	_ =	shalt  }
.Lfunc_end0:
.L_simem_size_0:
called_computation_lowered:
.L_overlay_start_0:
0x88: {  	s2 =	sld [smem:$0x3FD9]  }
0x89: {  	s3 =	sld [smem:$0x3FFE];
	_ =	sdelay $0x1  }
0x8a: {  	s1 =	srdreg.scid  }
0x8b: {  	s0 =	sand.u32 $0x1, s1  }
0x8c: {  	s17 =	sshll.u32 s0, $0xA;
	s2 =	sadd.s32 s3, s2  }
0x8d: {  	s2 =	sadd.s32 s2, s17  }
0x8e: {  	[smem:$0x3FC5] =	sst s2  }
0x8f: {  	_ = 	snop  }
0x90: {  	s2 =	sld [smem:$0x3FC9]  }
0x91: {  	s18 =	sld [smem:$0x3FC7]  }
0x92: {  	s4 =	sld [smem:$0x3FD0];
	(tm) =	ssettm $0x1  }
0x93: {  	s5 =	sld [smem:$0x3FFB];
	_ =	sdelay $0x3  }
0x94: {  	_ =	strace s5  }
0x95: {  	s5 =	sld [smem:$0x3FFC];
	_ =	sdelay $0x3  }
0x96: {  	_ =	strace s5  }
0x97: {  	s5 =	sld [smem:$0x3FFD];
	_ =	sdelay $0x3  }
0x98: {  	_ =	strace s5  }
0x99: {  	_ =	strace $0x8FFFFFFF  }
0x9a: {  	s19 =	sld [smem:$0x3FDB];
	_ =	sdelay $0x1  }
0x9b: {  	s6 =	simm.s32 $_scs_section_size  }
0x9c: {  	s7 =	simm.s32 $_size__tile_overlayer_lowered;
	s8 =	simm.s32 $_tile_overlayer_lowered  }
0x9d: {  	s22 =	simm.s32 $0x1BFF;
	s21 =	sshll.u32 s8, $0x1;
	s5 =	sadd.s32 s6, s19  }
0x9e: {  	s9 =	simm.s32 $0x0;
	s20 =	sshll.u32 s7, $0x1;
	s7 =	sadd.s32 s21, s5  }
0x9f: {  	[timem:s9], [sflag:s22] =	dma.local [hbm:s7], s20  }
0xa0: {  	_ =	swait.ge [sflag:s22], s20  }
0xa1: {  	s6 =	ssub.s32 $0x0, s20;
	[sflag:s22] =	ssyncset.done $0x0  }
0xa2: {  	[sflag:s22] =	ssyncadd.s32 s6;
	_ =	sdelay $0x1  }
0xa3: {  	s23 =	simm.s32 $0x1B8B  }
0xa4: {  	_ =	swait.ge [sflag:s23], $0x1  }
0xa5: {  	[sflag:s23] =	ssyncset.done $0x0  }
0xa6: {  	s25 =	simm.s32 $0x1B8E;
	s24 =	sld [smem:$0x3FFE];
	[sflag:s23] =	ssyncadd.s32 $0xFFFFFFFF  }
0xa7: {  	s26 =	simm.s32 $execute0_lowered;
	[smem:$0x3FD2] =	sst s25  }
0xa8: {  	s7 =	sshll.u32 s26, $0x1;
	_ =	strace $0x80000046;
	[dreg:$0x1] =	wrdreg $0xFFFFFFFF  }
0xa9: {  	s28 =	simm.s32 $_size_execute0_lowered;
	s5 =	sadd.s32 s5, s7;
	[dreg:$0x0] =	wrdreg $0x0  }
0xaa: {  	s7 =	sshll.u32 s28, $0x1;
	[dreg:$0x2] =	wrdreg s5  }
0xab: {  	[dreg:$0x3] =	wrdreg s7  }
0xac: {  	[dreg:$0x4] =	wrdreg $0xC0  }
0xad: {  	_ =	task [dreg:s9], $0x5FFFF  }
0xae: {  	[dreg:$0x1] =	wrdreg $0xFFFFFFFF  }
0xaf: {  	[dreg:$0x0] =	wrdreg $0x60  }
0xb0: {  	[dreg:$0x2] =	wrdreg s2  }
0xb1: {  	[dreg:$0x3] =	wrdreg s24  }
0xb2: {  	[dreg:$0x4] =	wrdreg s4  }
0xb3: {  	[dreg:$0x5] =	wrdreg s18  }
0xb4: {  	[dreg:$0x6] =	wrdreg $0x0  }
0xb5: {  	[dreg:$0x7] =	wrdreg $0x9  }
0xb6: {  	_ =	task.clear_ibuf [dreg:s9], $0x8FFFF;
	_ =	strace $0x90000046  }
0xb7: {  	s29 =	simm.s32 $0x9;
	_ =	strace $0x80000048  }
0xb8: {  	_ =	swait.ge [sflag:s29], $0x1  }
0xb9: {  	[sflag:s29] =	ssyncadd.s32 $0xFFFFFFFF  }
0xba: {  	_ =	strace $0x90000048  }
0xbb: {  	_ =	sfence  }
0xbc: {  	s30 =	sld [smem:$0x0];
	_ =	sdelay $0x2  }
0xbd: {  	s31 =	sshll.u32 s1, $0xD;
	s1 =	sshrl.u32 s1, $0x2  }
0xbe: {  	s3 =	sand.u32 $0x4000, s31;
	s1 =	sadd.s32 s1, s30  }
0xbf: {  	s0 =	sor.u32 s3, s0;
	s1 =	sshll.u32 s1, $0x11  }
0xc0: {  	s0 =	sor.u32 s1, s0  }
0xc1: {  	s0 =	sadd.s32 $0x8F2B, s0  }
0xc2: {  	[sflag:s0] =	ssyncadd.remote.s32 $0x1  }
0xc3: {  	_ =	sfence.sel $0xFFFF  }
0xc4: {  	[dreg:$0x0] =	wrdreg $0xFFFFFFFF;
	(pc) =	sbr.abs _section_cstart, $3  }
0xc5: {  	[dreg:$0x1] =	wrdreg $0xFFFFFFFF  }
0xc6: {  	_ =	task.clear_ibuf [dreg:s9], $0x2FFFF;
	_ =	strace $0x9FFFFFFF  }
0xc7: {  	(tm) =	ssettm $0x7FFFFFFF  }
tec
execute0_lowered:
.L_overlay_start_1:
0x0: {  	(tag) =	ssettag $0x1  }
0x1: {  	s1 =	rddreg [dreg:$0x0]  }
0x2: {  	s2 =	rddreg [dreg:$0x1]  }
0x3: {  	s3 =	rddreg [dreg:$0x2]  }
0x4: {  	s4 =	rddreg [dreg:$0x3]  }
0x5: {  	s5 =	rddreg [dreg:$0x4];
	s6 =	simm.s32 $0x0;
	s0 =	srdreg.scid  }
0x6: {  	s12 =	stileid.u32;
	s25 =	simm.s32 $0x5;
	s29 =	simm.s32 $0xB  }
0x7: {  	s30 =	simm.s32 $0x1F880;
	s31 =	simm.s32 $0x1F980;
	s16 =	smul.u32 $0x14000, s12  }
0x8: {  	[smem:$0x7FF] =	sst s6;
	s0 =	sand.u32 $0x1, s0;
	s18 =	smul.u32 $0x50000, s12  }
0x9: {  	p0 =	seq.s32 s12, $0xF;
	s9 =	sadd.s32 $0x9E00, s2;
	s19 =	smul.u32 $0x2800, s12  }
0xa: {  	s21 =	ssub.s32 $0x2, s0;
	s7 =	sshll.u32 s0, $0x4;
	_ =	strace $0x80000047  }
0xb: {  	s25 =	simm.s32 @!p0 $0x8;
	s14 =	smul.u32 $0x138800, s0;
	s7 =	sor.u32 s12, s7  }
0xc: {  	p0 =	sne.s32 s0, $0x0;
	s8 =	sshrl.u32 s21, $0x1;
	s10 =	smul.u32 $0x2710, s7  }
0xd: {  	s0 =	simm.s32 $0x1B880;
	s6 =	ssub.s32 s21, s8;
	s7 =	smul.u32 $0x27100, s7  }
0xe: {  	s12 =	simm.s32 $0x7;
	[dreg:$0x6] =	wrdreg s25;
	s6 =	smax.u32 s6, $0x1  }
0xf: {  	s22 =	sshrl.u32 s10, $0x3;
	s7 =	sadd.s32 s4, s7;
	[dreg:$0x14] =	wrdreg s6  }
0x10: {  	s13 =	sadd.s32 $0x10, s10;
	s17 =	sadd.s32 $0x90, s10;
	[dreg:$0xa] =	wrdreg s7  }
0x11: {  	s20 =	sadd.s32 $0x110, s10;
	s21 =	sadd.s32 $0x150, s10;
	[dreg:$0x7] =	wrdreg s13  }
0x12: {  	s6 =	simm.s32 $0x13880;
	s11 =	sadd.s32 s2, s22;
	[dreg:$0x10] =	wrdreg s17  }
0x13: {  	s23 =	sadd.s32 s3, s22;
	s24 =	sshrl.u32 s13, $0x3;
	[dreg:$0x12] =	wrdreg s20  }
0x14: {  	s13 =	sshll.u32 s13, $0x4;
	s8 =	sadd.s32 $0xA, s22;
	[dreg:$0x13] =	wrdreg s21  }
0x15: {  	s7 =	sadd.s32 s16, s14;
	s22 =	sshrl.u32 s18, $0x2;
	[dreg:$0x8] =	wrdreg s11  }
0x16: {  	s14 =	simm.s32 $0x1F900;
	s16 =	simm.s32 $0x2;
	[dreg:$0x9] =	wrdreg s23  }
0x17: {  	s20 =	simm.s32 $0x6;
	s26 =	sadd.s32 s2, s24;
	[dreg:$0x11] =	wrdreg s7  }
0x18: {  	s21 =	simm.s32 $0xA;
	s11 =	sadd.s32 s3, s24;
	[dreg:$0xb] =	wrdreg s26  }
0x19: {  	s13 =	sadd.s32 s4, s13;
	s15 =	sadd.s32 s2, s8;
	[dreg:$0xc] =	wrdreg s11  }
0x1a: {  	s8 =	sadd.s32 s3, s8;
	s28 =	sadd.s32 s22, s5;
	[dreg:$0xe] =	wrdreg s15  }
0x1b: {  	s23 =	sadd.s32 s19, s1;
	s7 =	simm.s32 $0x8;
	[dreg:$0xf] =	wrdreg s8  }
0x1c: {  	s19 =	simm.s32 $0x3;
	s22 =	simm.s32 $0x4;
	[dreg:$0x16] =	wrdreg s23  }
0x1d: {  	s26 =	simm.s32 $0x5;
	[dreg:$0xd] =	wrdreg s13;
	s24 =	sadd.s32 $0x400, s13  }
0x1e: {  	s11 =	simm.s32 $0x1;
	s13 =	simm.s32 $0x40;
	[dreg:$0x15] =	wrdreg s28  }
0x1f: {  	v0 =	vimm.f32 $0.0e+00;
	s8 =	simm.s32 $0x9;
	s15 =	simm.s32 $0x0;
	[dreg:$0x17] =	wrdreg s24  }
.LBB2_1:
.Ltmp0:
0x20: {  	(pc) =	sbr.rel @p0 .LBB2_5-.Ltmp0, $4  }
0x21: {  	_ = 	snop  }
0x22: {  	[dreg:$0x18] =	wrdreg s15;
	s10 =	stileid.u32;
	s17 =	sshrl.u32 s28, $0x3  }
0x23: {  	s10 =	sshll.u32 s10, $0x6;
	[dreg:$0x1a] =	wrdreg s17  }
0x24: {  	[dreg:$0x19] =	wrdreg s10  }
0x25: {  	p1 =	seq.s32 s25, $0x1  }
.Ltmp1:
0x26: {  	_ = 	snop;
	(pc) =	sbr.rel @p1 .LBB2_4-.Ltmp1, $4  }
0x27: {  	_ = 	snop  }
0x28: {  	s10 =	sor.u32 $0x1C0B, s10;
	s15 =	rddreg [dreg:$0x16];
	s23 =	smov.u32 s28  }
0x29: {  	[spmem:s17], [sflag:s10] =	dma.local [hbm:s15], $0x500  }
0x2a: {  	s17 =	sadd.s32 $0xFFFFFFFF, s25;
	s18 =	sadd.s32 $0x500, s15;
	_ =	swait.ge [sflag:s29], $0x500  }
.LBB2_3:
0x2b: {  	[sflag:s29] =	ssyncset.done $0x0;
	s23 =	sadd.s32 $0x2800, s23;
	p1 =	seq.s32 s17, $0x1  }
.Ltmp2:
0x2c: {  	s24 =	sshrl.u32 s23, $0x3;
	[sflag:s29] =	ssyncadd.s32 $0xFFFFFB00;
	(pc) =	sbr.rel @!p1 .LBB2_3-.Ltmp2, $3  }
0x2d: {  	[spmem:s24], [sflag:s10] =	dma.local [hbm:s18], $0x500  }
0x2e: {  	s17 =	sadd.s32 $0xFFFFFFFF, s17;
	_ =	sdelay $0x1  }
0x2f: {  	s18 =	sadd.s32 $0x500, s18;
	_ =	swait.ge [sflag:s29], $0x500  }
.LBB2_4:
.Ltmp3:
0x30: {  	(pc) =	sbr.rel .LBB2_10-.Ltmp3, $3  }
0x31: {  	_ =	sdelay $0x1  }
0x32: {  	[sflag:s29] =	ssyncset.done $0x0  }
0x33: {  	[sflag:s29] =	ssyncadd.s32 $0xFFFFFB00  }
.LBB2_5:
0x34: {  	s15 =	simm.s32 $0x0  }
0x35: {  	s10 =	sshra.s32 s15, $0x2;
	s17 =	sadd.s32 $0x200, s15  }
.LBB2_6:
0x36: {  	p1 =	seq.s32 s17, $0x9E00;
	[tilespmem:s10+$0x138F0] =	vst v0  }
0x37: {  	[tilespmem:s10+$0x13880] =	vst v0  }
0x38: {  	[tilespmem:s10+$0x13890] =	vst v0  }
.Ltmp4:
0x39: {  	[tilespmem:s10+$0x138A0] =	vst v0;
	(pc) =	sbr.rel @!p1 .LBB2_6-.Ltmp4, $4  }
0x3a: {  	[tilespmem:s10+$0x138B0] =	vst v0  }
0x3b: {  	[tilespmem:s10+$0x138C0] =	vst v0  }
0x3c: {  	[tilespmem:s10+$0x138D0] =	vst v0  }
0x3d: {  	[tilespmem:s10+$0x138E0] =	vst v0;
	s10 =	sshra.s32 s17, $0x2;
	s17 =	sadd.s32 $0x200, s17  }
0x3e: {  	[tilespmem:s10+$0x138F0] =	vst v0  }
0x3f: {  	[tilespmem:s10+$0x13880] =	vst v0  }
0x40: {  	[tilespmem:s10+$0x13890] =	vst v0  }
0x41: {  	[tilespmem:s10+$0x138A0] =	vst v0  }
0x42: {  	[tilespmem:s10+$0x138B0] =	vst v0  }
0x43: {  	[tilespmem:s10+$0x138C0] =	vst v0;
	p1 =	sne.s32 s25, $0x1  }
.Ltmp5:
0x44: {  	[tilespmem:s10+$0x138D0] =	vst v0;
	(pc) =	sbr.rel @!p1 .LBB2_9-.Ltmp5, $4  }
0x45: {  	[tilespmem:s10+$0x138E0] =	vst v0  }
0x46: {  	[spmem:s28] =	stream.linear.scatter [tilespmem:s6], [sflag:$0xB], $0x2800, $0x38;
	[tilespmem:$0x1FB80] =	vst v63  }
0x47: {  	_ =	swait.ge [sflag:s29], $0x2800  }
0x48: {  	s10 =	sadd.s32 $0xFFFFFFFF, s25;
	s17 =	smov.u32 s28;
	[sflag:s29] =	ssyncset.done $0x0  }
.LBB2_8:
0x49: {  	p1 =	sne.s32 s10, $0x1;
	[sflag:s29] =	ssyncadd.s32 $0xFFFFD800;
	s17 =	sadd.s32 $0x2800, s17  }
.Ltmp6:
0x4a: {  	s10 =	sadd.s32 $0xFFFFFFFF, s10;
	(pc) =	sbr.rel @p1 .LBB2_8-.Ltmp6, $4  }
0x4b: {  	_ = 	snop  }
0x4c: {  	[spmem:s17] =	stream.linear.scatter [tilespmem:s6], [sflag:$0xB], $0x2800, $0x38;
	[tilespmem:$0x1FB80] =	vst v63  }
0x4d: {  	_ =	swait.ge [sflag:s29], $0x2800  }
0x4e: {  	[sflag:s29] =	ssyncset.done $0x0  }
.LBB2_9:
0x4f: {  	[sflag:s29] =	ssyncadd.s32 $0xFFFFD800  }
.LBB2_10:
0x50: {  	[bflag:$0x0] =	sbarrier.arrive $0xFFFF  }
0x51: {  	s10 =	simm.s32 $0x0;
	s15 =	rddreg [dreg:$0x8]  }
0x52: {  	[tilespmem:s30], [sflag:$0xB] =	stream.linear.gather [hbm4b:s15+s10], $0x10, $0x38;
	[tilespmem:$0x1FB80] =	vst v63  }
0x53: {  	_ =	swait.ge [sflag:s29], $0x10  }
0x54: {  	[sflag:s29] =	ssyncset.done $0x0  }
0x55: {  	s24 =	rddreg [dreg:$0x9];
	[sflag:s29] =	ssyncadd.s32 $0xFFFFFFF0  }
0x56: {  	[tilespmem:s31], [sflag:$0xB] =	stream.linear.gather [hbm4b:s24+s10], $0x10, $0x38;
	[tilespmem:$0x1FB80] =	vst v63  }
0x57: {  	_ =	swait.ge [sflag:s29], $0x10  }
0x58: {  	[sflag:s29] =	ssyncset.done $0x0  }
0x59: {  	s25 =	rddreg [dreg:$0xa];
	[sflag:s29] =	ssyncadd.s32 $0xFFFFFFF0  }
0x5a: {  	[tilespmem:s0], [sflag:$0xB] =	stream.linear.gather [hbm4b:s25+s10], $0x800, $0x38;
	[tilespmem:$0x1FB80] =	vst v63  }
0x5b: {  	_ =	swait.ge [sflag:s29], $0x800  }
0x5c: {  	[sflag:s29] =	ssyncset.done $0x0  }
0x5d: {  	s28 =	simm.s32 $0x10;
	[sflag:s29] =	ssyncadd.s32 $0xFFFFF800  }
0x5e: {  	[tilespmem:s6], [sflag:$0x1] =	stream.indirect.gather [hbm4b:s1+s28], $0x80, s30, s28, $0xb8;
	[tilespmem:$0x1FB80] =	vst v63  }
0x5f: {  	_ =	swait.ge [sflag:s11], $0x800  }
0x60: {  	[sflag:s11] =	ssyncset.done $0x0  }
0x61: {  	s17 =	simm.s32 $0x0;
	[sflag:s11] =	ssyncadd.s32 $0xFFFFF800  }
0x62: {  	v7 =	vld [tilespmem:s17+$0x1B880]  }
0x63: {  	v8 =	vld [tilespmem:s17+$0x1B890]  }
0x64: {  	v9 =	vld [tilespmem:s17+$0x1B8A0]  }
0x65: {  	v10 =	vld [tilespmem:s17+$0x1B8B0]  }
0x66: {  	v11 =	vld [tilespmem:s17+$0x1B8C0]  }
0x67: {  	v12 =	vld [tilespmem:s17+$0x1B8D0]  }
0x68: {  	v13 =	vld [tilespmem:s17+$0x1B8E0]  }
0x69: {  	v14 =	vld [tilespmem:s17+$0x1B8F0]  }
0x6a: {  	v15 =	vld [tilespmem:s17+$0x1B900]  }
0x6b: {  	v16 =	vld [tilespmem:s17+$0x1B910]  }
0x6c: {  	v6 =	vld [tilespmem:s17+$0x1B920]  }
0x6d: {  	v5 =	vld [tilespmem:s17+$0x1B930]  }
0x6e: {  	v4 =	vld [tilespmem:s17+$0x1B940]  }
0x6f: {  	v17 =	vld [tilespmem:s17+$0x13880]  }
0x70: {  	v18 =	vld [tilespmem:s17+$0x13890]  }
0x71: {  	v3 =	vld [tilespmem:s17+$0x1B950]  }
0x72: {  	v19 =	vld [tilespmem:s17+$0x138A0]  }
0x73: {  	v20 =	vld [tilespmem:s17+$0x138B0]  }
0x74: {  	v2 =	vld [tilespmem:s17+$0x1B960];
	v7 =	vadd.f32 v7, v17  }
0x75: {  	v21 =	vld [tilespmem:s17+$0x138C0];
	v8 =	vadd.f32 v8, v18  }
0x76: {  	v60 =	vld [tilespmem:s17+$0x138D0];
	v7 =	vmax.f32 v7, $0.0e+00  }
0x77: {  	v1 =	vld [tilespmem:s17+$0x1B970];
	v8 =	vmax.f32 v8, $0.0e+00;
	[tilespmem:s17+$0x13880] =	vst v7;
	v7 =	vadd.f32 v9, v19  }
0x78: {  	v22 =	vld [tilespmem:s17+$0x138E0];
	[tilespmem:s17+$0x13890] =	vst v8;
	v8 =	vadd.f32 v10, v20  }
0x79: {  	v61 =	vld [tilespmem:s17+$0x138F0];
	v7 =	vmax.f32 v7, $0.0e+00  }
0x7a: {  	v62 =	vld [tilespmem:s17+$0x13900];
	v9 =	vmax.f32 v8, $0.0e+00;
	[tilespmem:s17+$0x138A0] =	vst v7;
	v7 =	vadd.f32 v11, v21  }
0x7b: {  	v63 =	vld [tilespmem:s17+$0x13910];
	[tilespmem:s17+$0x138B0] =	vst v9;
	v9 =	vadd.f32 v12, v60  }
0x7c: {  	v8 =	vld [tilespmem:s17+$0x13920];
	v10 =	vmax.f32 v7, $0.0e+00  }
0x7d: {  	v7 =	vld [tilespmem:s17+$0x13930];
	v11 =	vmax.f32 v9, $0.0e+00;
	[tilespmem:s17+$0x138C0] =	vst v10;
	v10 =	vadd.f32 v13, v22  }
0x7e: {  	v9 =	vld [tilespmem:s17+$0x13940];
	[tilespmem:s17+$0x138D0] =	vst v11;
	v11 =	vadd.f32 v14, v61  }
0x7f: {  	v13 =	vadd.f32 v15, v62;
	v12 =	vmax.f32 v10, $0.0e+00;
	v10 =	vld [tilespmem:s17+$0x13950]  }
0x80: {  	s18 =	simm.s32 $0x400;
	v14 =	vmax.f32 v11, $0.0e+00;
	v11 =	vld [tilespmem:s17+$0x13960];
	[tilespmem:s17+$0x138E0] =	vst v12;
	v12 =	vadd.f32 v16, v63  }
.LBB2_11:
0x81: {  	s10 =	sshra.s32 s18, $0x2;
	p1 =	sne.s32 s18, $0x1C00;
	[tilespmem:s17+$0x138F0] =	vst v14;
	v13 =	vmax.f32 v13, $0.0e+00;
	v6 =	vadd.f32 v6, v8;
	v8 =	vld [tilespmem:s17+$0x13970]  }
0x82: {  	v14 =	vld [tilespmem:s10+$0x1B880];
	[tilespmem:s17+$0x13900] =	vst v13;
	v12 =	vmax.f32 v12, $0.0e+00;
	v5 =	vadd.f32 v5, v7  }
0x83: {  	v7 =	vld [tilespmem:s10+$0x1B890];
	[tilespmem:s17+$0x13910] =	vst v12;
	v6 =	vmax.f32 v6, $0.0e+00;
	v4 =	vadd.f32 v4, v9  }
0x84: {  	v9 =	vld [tilespmem:s10+$0x1B8A0];
	[tilespmem:s17+$0x13920] =	vst v6;
	v5 =	vmax.f32 v5, $0.0e+00;
	v3 =	vadd.f32 v3, v10  }
0x85: {  	v10 =	vld [tilespmem:s10+$0x1B8B0];
	[tilespmem:s17+$0x13930] =	vst v5;
	v4 =	vmax.f32 v4, $0.0e+00;
	v2 =	vadd.f32 v2, v11  }
0x86: {  	v11 =	vld [tilespmem:s10+$0x1B8C0];
	[tilespmem:s17+$0x13940] =	vst v4;
	v3 =	vmax.f32 v3, $0.0e+00;
	v1 =	vadd.f32 v1, v8  }
0x87: {  	v8 =	vld [tilespmem:s10+$0x1B8D0];
	[tilespmem:s17+$0x13950] =	vst v3;
	v2 =	vmax.f32 v2, $0.0e+00  }
0x88: {  	v12 =	vld [tilespmem:s10+$0x1B8E0];
	[tilespmem:s17+$0x13960] =	vst v2;
	v1 =	vmax.f32 v1, $0.0e+00  }
0x89: {  	v13 =	vld [tilespmem:s10+$0x1B8F0];
	[tilespmem:s17+$0x13970] =	vst v1;
	s17 =	smov.u32 s10  }
0x8a: {  	v15 =	vld [tilespmem:s17+$0x1B900]  }
0x8b: {  	v16 =	vld [tilespmem:s17+$0x1B910]  }
0x8c: {  	v6 =	vld [tilespmem:s17+$0x1B920]  }
0x8d: {  	v5 =	vld [tilespmem:s17+$0x1B930]  }
0x8e: {  	v4 =	vld [tilespmem:s17+$0x1B940]  }
0x8f: {  	v3 =	vld [tilespmem:s17+$0x1B950]  }
0x90: {  	v2 =	vld [tilespmem:s17+$0x1B960]  }
0x91: {  	v1 =	vld [tilespmem:s17+$0x1B970]  }
0x92: {  	v17 =	vld [tilespmem:s17+$0x13880]  }
0x93: {  	v18 =	vld [tilespmem:s17+$0x13890]  }
0x94: {  	v19 =	vld [tilespmem:s17+$0x138A0]  }
0x95: {  	v20 =	vld [tilespmem:s17+$0x138B0]  }
0x96: {  	v21 =	vld [tilespmem:s17+$0x138C0]  }
0x97: {  	v14 =	vadd.f32 v14, v17;
	v17 =	vld [tilespmem:s17+$0x138D0]  }
0x98: {  	v7 =	vadd.f32 v7, v18;
	v18 =	vld [tilespmem:s17+$0x138E0]  }
0x99: {  	v14 =	vmax.f32 v14, $0.0e+00;
	v9 =	vadd.f32 v9, v19;
	v19 =	vld [tilespmem:s17+$0x138F0]  }
0x9a: {  	[tilespmem:s17+$0x13880] =	vst v14;
	v7 =	vmax.f32 v7, $0.0e+00;
	v10 =	vadd.f32 v10, v20;
	v14 =	vld [tilespmem:s17+$0x13900]  }
0x9b: {  	[tilespmem:s17+$0x13890] =	vst v7;
	v7 =	vmax.f32 v9, $0.0e+00;
	v9 =	vadd.f32 v11, v21;
	v11 =	vld [tilespmem:s17+$0x13910]  }
.Ltmp7:
0x9c: {  	[tilespmem:s17+$0x138A0] =	vst v7;
	v7 =	vmax.f32 v10, $0.0e+00;
	v10 =	vadd.f32 v8, v17;
	v8 =	vld [tilespmem:s17+$0x13920];
	(pc) =	sbr.rel @p1 .LBB2_11-.Ltmp7, $4  }
0x9d: {  	[tilespmem:s17+$0x138B0] =	vst v7;
	v9 =	vmax.f32 v9, $0.0e+00;
	v12 =	vadd.f32 v12, v18;
	v7 =	vld [tilespmem:s17+$0x13930]  }
0x9e: {  	[tilespmem:s17+$0x138C0] =	vst v9;
	v10 =	vmax.f32 v10, $0.0e+00;
	v17 =	vadd.f32 v13, v19;
	v9 =	vld [tilespmem:s17+$0x13940]  }
0x9f: {  	[tilespmem:s17+$0x138D0] =	vst v10;
	v12 =	vmax.f32 v12, $0.0e+00;
	v13 =	vadd.f32 v15, v14;
	v10 =	vld [tilespmem:s17+$0x13950]  }
0xa0: {  	s18 =	sadd.s32 $0x400, s18;
	[tilespmem:s17+$0x138E0] =	vst v12;
	v14 =	vmax.f32 v17, $0.0e+00;
	v12 =	vadd.f32 v16, v11;
	v11 =	vld [tilespmem:s17+$0x13960]  }
0xa1: {  	[tilespmem:s17+$0x138F0] =	vst v14;
	v13 =	vmax.f32 v13, $0.0e+00;
	v6 =	vadd.f32 v6, v8;
	v63 =	vld [tilespmem:s17+$0x13970]  }
0xa2: {  	[tilespmem:s17+$0x13900] =	vst v13;
	v12 =	vmax.f32 v12, $0.0e+00;
	v5 =	vadd.f32 v5, v7  }
0xa3: {  	[tilespmem:s17+$0x13910] =	vst v12;
	v6 =	vmax.f32 v6, $0.0e+00;
	v4 =	vadd.f32 v4, v9  }
0xa4: {  	[tilespmem:s17+$0x13920] =	vst v6;
	v5 =	vmax.f32 v5, $0.0e+00;
	v3 =	vadd.f32 v3, v10  }
0xa5: {  	[tilespmem:s17+$0x13930] =	vst v5;
	v4 =	vmax.f32 v4, $0.0e+00;
	v2 =	vadd.f32 v2, v11  }
0xa6: {  	[tilespmem:s17+$0x13940] =	vst v4;
	v3 =	vmax.f32 v3, $0.0e+00;
	v1 =	vadd.f32 v1, v63  }
0xa7: {  	[tilespmem:s17+$0x13950] =	vst v3;
	v2 =	vmax.f32 v2, $0.0e+00  }
0xa8: {  	[tilespmem:s17+$0x13960] =	vst v2;
	v1 =	vmax.f32 v1, $0.0e+00  }
0xa9: {  	s10 =	simm.s32 $0x10;
	[tilespmem:s17+$0x13970] =	vst v1  }
0xaa: {  	[spmem:s5] =	stream.indirect.scatter.add.f32 [tilespmem:s6], [sflag:$0xB], $0x80, s31, s10, $0xb8;
	[tilespmem:$0x1FB80] =	vst v63  }
0xab: {  	_ =	swait.ge [sflag:s29], $0x800  }
0xac: {  	[sflag:s29] =	ssyncset.done $0x0  }
0xad: {  	s28 =	simm.s32 $0x0;
	s17 =	rddreg [dreg:$0xb];
	[sflag:s29] =	ssyncadd.s32 $0xFFFFF800  }
0xae: {  	[tilespmem:s30], [sflag:$0x7] =	stream.linear.gather [hbm4b:s17+s28], $0x40, $0x38;
	[tilespmem:$0x1FB80] =	vst v63  }
0xaf: {  	s18 =	rddreg [dreg:$0xc]  }
0xb0: {  	[tilespmem:s31], [sflag:$0x7] =	stream.linear.gather [hbm4b:s18+s28], $0x40, $0x38;
	[tilespmem:$0x1FB80] =	vst v63  }
0xb1: {  	_ =	swait.ge [sflag:s12], $0x40  }
0xb2: {  	[sflag:s12] =	ssyncset.done $0x0  }
0xb3: {  	[sflag:s12] =	ssyncadd.s32 $0xFFFFFFC0  }
0xb4: {  	_ =	swait.ge [sflag:s12], $0x40  }
0xb5: {  	[sflag:s12] =	ssyncset.done $0x0  }
0xb6: {  	[sflag:s12] =	ssyncadd.s32 $0xFFFFFFC0  }
0xb7: {  	[tilespmem:s6], [sflag:$0x1] =	stream.indirect.gather [hbm4b:s1+s13], $0x80, s30, s13, $0xb8;
	[tilespmem:$0x1FB80] =	vst v63  }
0xb8: {  	s23 =	rddreg [dreg:$0xd]  }
0xb9: {  	[tilespmem:s0], [sflag:$0x5] =	stream.linear.gather [hbm4b:s23+s28], $0x2000, $0x38;
	[tilespmem:$0x1FB80] =	vst v63  }
0xba: {  	s24 =	rddreg [dreg:$0xe]  }
0xbb: {  	[tilespmem:s14], [sflag:$0x8] =	stream.linear.gather [hbm4b:s24+s28], $0x40, $0x38;
	[tilespmem:$0x1FB80] =	vst v63  }
0xbc: {  	s15 =	simm.s32 $0x1FA00;
	s17 =	simm.s32 $0x0;
	s25 =	rddreg [dreg:$0xf]  }
0xbd: {  	[tilespmem:s15], [sflag:$0x8] =	stream.linear.gather [hbm4b:s25+s28], $0x40, $0x38;
	[tilespmem:$0x1FB80] =	vst v63  }
.LBB2_13:
0xbe: {  	p1 =	seq.s32 s17, $0x0  }
0xbf: {  	s10 =	simm.s32 @!p1 $0x9  }
0xc0: {  	_ =	swait.ge @!p1 [sflag:s10], $0x2000  }
0xc1: {  	[sflag:s10] =	ssyncset.done @!p1 $0x0  }
0xc2: {  	[sflag:s10] =	ssyncadd.s32 @!p1 $0xFFFFE000  }
0xc3: {  	_ =	swait.ge [sflag:s7], $0x40  }
0xc4: {  	[sflag:s7] =	ssyncset.done $0x0  }
0xc5: {  	[sflag:s7] =	ssyncadd.s32 $0xFFFFFFC0  }
0xc6: {  	_ =	swait.ge [sflag:s7], $0x40  }
0xc7: {  	s23 =	simm.s32 $0x15880;
	[sflag:s7] =	ssyncset.done $0x0  }
0xc8: {  	s24 =	sshll.u32 s17, $0xC;
	s15 =	rddreg [dreg:$0x17];
	[sflag:s7] =	ssyncadd.s32 $0xFFFFFFC0  }
0xc9: {  	[tilespmem:s23], [sflag:$0x2] =	stream.indirect.gather [hbm4b:s1+s13], $0x80, s14, s13, $0xb8;
	[tilespmem:$0x1FB80] =	vst v63  }
0xca: {  	s25 =	simm.s32 $0x1D880;
	s10 =	sadd.s32 s24, s15  }
0xcb: {  	[tilespmem:s25], [sflag:$0x6] =	stream.linear.gather [hbm4b:s10+s28], $0x2000, $0x38;
	[tilespmem:$0x1FB80] =	vst v63  }
0xcc: {  	_ =	swait.ge [sflag:s11], $0x2000  }
0xcd: {  	[sflag:s11] =	ssyncset.done $0x0  }
0xce: {  	[sflag:s11] =	ssyncadd.s32 $0xFFFFE000  }
0xcf: {  	_ =	swait.ge [sflag:s26], $0x2000  }
0xd0: {  	s23 =	sshll.u32 s17, $0x8;
	s18 =	rddreg [dreg:$0x10]  }
0xd1: {  	s25 =	sadd.s32 s23, s18  }
0xd2: {  	[sflag:s26] =	ssyncset.done $0x0;
	s10 =	sshrl.u32 s25, $0x3  }
0xd3: {  	[sflag:s26] =	ssyncadd.s32 $0xFFFFE000;
	s18 =	sadd.s32 s2, s10  }
0xd4: {  	[tilespmem:s30], [sflag:$0x7] =	stream.linear.gather [hbm4b:s18+s28], $0x40, $0x38;
	[tilespmem:$0x1FB80] =	vst v63  }
0xd5: {  	s24 =	simm.s32 $0x1FA80;
	s10 =	sadd.s32 s3, s10  }
0xd6: {  	[tilespmem:s24], [sflag:$0x7] =	stream.linear.gather [hbm4b:s10+s28], $0x40, $0x38;
	[tilespmem:$0x1FB80] =	vst v63  }
0xd7: {  	s24 =	simm.s32 $0x0  }
0xd8: {  	v7 =	vld [tilespmem:s24+$0x1B880]  }
0xd9: {  	v8 =	vld [tilespmem:s24+$0x1B890]  }
0xda: {  	v9 =	vld [tilespmem:s24+$0x1B8A0]  }
0xdb: {  	v10 =	vld [tilespmem:s24+$0x1B8B0]  }
0xdc: {  	v11 =	vld [tilespmem:s24+$0x1B8C0]  }
0xdd: {  	v12 =	vld [tilespmem:s24+$0x1B8D0]  }
0xde: {  	v13 =	vld [tilespmem:s24+$0x1B8E0]  }
0xdf: {  	v14 =	vld [tilespmem:s24+$0x1B8F0]  }
0xe0: {  	v15 =	vld [tilespmem:s24+$0x1B900]  }
0xe1: {  	v16 =	vld [tilespmem:s24+$0x1B910]  }
0xe2: {  	v6 =	vld [tilespmem:s24+$0x1B920]  }
0xe3: {  	v5 =	vld [tilespmem:s24+$0x1B930]  }
0xe4: {  	v4 =	vld [tilespmem:s24+$0x1B940]  }
0xe5: {  	v17 =	vld [tilespmem:s24+$0x13880]  }
0xe6: {  	v18 =	vld [tilespmem:s24+$0x13890]  }
0xe7: {  	v3 =	vld [tilespmem:s24+$0x1B950]  }
0xe8: {  	v19 =	vld [tilespmem:s24+$0x138A0]  }
0xe9: {  	v20 =	vld [tilespmem:s24+$0x138B0]  }
0xea: {  	v2 =	vld [tilespmem:s24+$0x1B960];
	v7 =	vadd.f32 v7, v17  }
0xeb: {  	v21 =	vld [tilespmem:s24+$0x138C0];
	v8 =	vadd.f32 v8, v18  }
0xec: {  	v60 =	vld [tilespmem:s24+$0x138D0];
	v7 =	vmax.f32 v7, $0.0e+00  }
0xed: {  	v1 =	vld [tilespmem:s24+$0x1B970];
	v8 =	vmax.f32 v8, $0.0e+00;
	[tilespmem:s24+$0x13880] =	vst v7;
	v7 =	vadd.f32 v9, v19  }
0xee: {  	v22 =	vld [tilespmem:s24+$0x138E0];
	[tilespmem:s24+$0x13890] =	vst v8;
	v8 =	vadd.f32 v10, v20  }
0xef: {  	v61 =	vld [tilespmem:s24+$0x138F0];
	v7 =	vmax.f32 v7, $0.0e+00  }
0xf0: {  	v62 =	vld [tilespmem:s24+$0x13900];
	v9 =	vmax.f32 v8, $0.0e+00;
	[tilespmem:s24+$0x138A0] =	vst v7;
	v7 =	vadd.f32 v11, v21  }
0xf1: {  	v63 =	vld [tilespmem:s24+$0x13910];
	[tilespmem:s24+$0x138B0] =	vst v9;
	v9 =	vadd.f32 v12, v60  }
0xf2: {  	v8 =	vld [tilespmem:s24+$0x13920];
	v10 =	vmax.f32 v7, $0.0e+00  }
0xf3: {  	v7 =	vld [tilespmem:s24+$0x13930];
	v11 =	vmax.f32 v9, $0.0e+00;
	[tilespmem:s24+$0x138C0] =	vst v10;
	v10 =	vadd.f32 v13, v22  }
0xf4: {  	v9 =	vld [tilespmem:s24+$0x13940];
	[tilespmem:s24+$0x138D0] =	vst v11;
	v11 =	vadd.f32 v14, v61  }
0xf5: {  	v13 =	vadd.f32 v15, v62;
	v12 =	vmax.f32 v10, $0.0e+00;
	v10 =	vld [tilespmem:s24+$0x13950]  }
0xf6: {  	s18 =	sshll.u32 s17, $0x2;
	s10 =	simm.s32 $0x400;
	v14 =	vmax.f32 v11, $0.0e+00;
	v11 =	vld [tilespmem:s24+$0x13960];
	[tilespmem:s24+$0x138E0] =	vst v12;
	v12 =	vadd.f32 v16, v63  }
.LBB2_14:
0xf7: {  	s15 =	sshra.s32 s10, $0x2;
	p2 =	sne.s32 s10, $0x7C00;
	[tilespmem:s24+$0x138F0] =	vst v14;
	v13 =	vmax.f32 v13, $0.0e+00;
	v6 =	vadd.f32 v6, v8;
	v8 =	vld [tilespmem:s24+$0x13970]  }
0xf8: {  	v14 =	vld [tilespmem:s15+$0x1B880];
	[tilespmem:s24+$0x13900] =	vst v13;
	v12 =	vmax.f32 v12, $0.0e+00;
	v5 =	vadd.f32 v5, v7  }
0xf9: {  	v7 =	vld [tilespmem:s15+$0x1B890];
	[tilespmem:s24+$0x13910] =	vst v12;
	v6 =	vmax.f32 v6, $0.0e+00;
	v4 =	vadd.f32 v4, v9  }
0xfa: {  	v9 =	vld [tilespmem:s15+$0x1B8A0];
	[tilespmem:s24+$0x13920] =	vst v6;
	v5 =	vmax.f32 v5, $0.0e+00;
	v3 =	vadd.f32 v3, v10  }
0xfb: {  	v10 =	vld [tilespmem:s15+$0x1B8B0];
	[tilespmem:s24+$0x13930] =	vst v5;
	v4 =	vmax.f32 v4, $0.0e+00;
	v2 =	vadd.f32 v2, v11  }
0xfc: {  	v11 =	vld [tilespmem:s15+$0x1B8C0];
	[tilespmem:s24+$0x13940] =	vst v4;
	v3 =	vmax.f32 v3, $0.0e+00;
	v1 =	vadd.f32 v1, v8  }
0xfd: {  	v8 =	vld [tilespmem:s15+$0x1B8D0];
	[tilespmem:s24+$0x13950] =	vst v3;
	v2 =	vmax.f32 v2, $0.0e+00  }
0xfe: {  	v12 =	vld [tilespmem:s15+$0x1B8E0];
	[tilespmem:s24+$0x13960] =	vst v2;
	v1 =	vmax.f32 v1, $0.0e+00  }
0xff: {  	v13 =	vld [tilespmem:s15+$0x1B8F0];
	[tilespmem:s24+$0x13970] =	vst v1;
	s24 =	smov.u32 s15  }
0x100: {  	v15 =	vld [tilespmem:s24+$0x1B900]  }
0x101: {  	v16 =	vld [tilespmem:s24+$0x1B910]  }
0x102: {  	v6 =	vld [tilespmem:s24+$0x1B920]  }
0x103: {  	v5 =	vld [tilespmem:s24+$0x1B930]  }
0x104: {  	v4 =	vld [tilespmem:s24+$0x1B940]  }
0x105: {  	v3 =	vld [tilespmem:s24+$0x1B950]  }
0x106: {  	v2 =	vld [tilespmem:s24+$0x1B960]  }
0x107: {  	v1 =	vld [tilespmem:s24+$0x1B970]  }
0x108: {  	v17 =	vld [tilespmem:s24+$0x13880]  }
0x109: {  	v18 =	vld [tilespmem:s24+$0x13890]  }
0x10a: {  	v19 =	vld [tilespmem:s24+$0x138A0]  }
0x10b: {  	v20 =	vld [tilespmem:s24+$0x138B0]  }
0x10c: {  	v21 =	vld [tilespmem:s24+$0x138C0]  }
0x10d: {  	v14 =	vadd.f32 v14, v17;
	v17 =	vld [tilespmem:s24+$0x138D0]  }
0x10e: {  	v7 =	vadd.f32 v7, v18;
	v18 =	vld [tilespmem:s24+$0x138E0]  }
0x10f: {  	v14 =	vmax.f32 v14, $0.0e+00;
	v9 =	vadd.f32 v9, v19;
	v19 =	vld [tilespmem:s24+$0x138F0]  }
0x110: {  	[tilespmem:s24+$0x13880] =	vst v14;
	v7 =	vmax.f32 v7, $0.0e+00;
	v10 =	vadd.f32 v10, v20;
	v14 =	vld [tilespmem:s24+$0x13900]  }
0x111: {  	[tilespmem:s24+$0x13890] =	vst v7;
	v7 =	vmax.f32 v9, $0.0e+00;
	v9 =	vadd.f32 v11, v21;
	v11 =	vld [tilespmem:s24+$0x13910]  }
.Ltmp8:
0x112: {  	[tilespmem:s24+$0x138A0] =	vst v7;
	v7 =	vmax.f32 v10, $0.0e+00;
	v10 =	vadd.f32 v8, v17;
	v8 =	vld [tilespmem:s24+$0x13920];
	(pc) =	sbr.rel @p2 .LBB2_14-.Ltmp8, $4  }
0x113: {  	[tilespmem:s24+$0x138B0] =	vst v7;
	v9 =	vmax.f32 v9, $0.0e+00;
	v12 =	vadd.f32 v12, v18;
	v7 =	vld [tilespmem:s24+$0x13930]  }
0x114: {  	[tilespmem:s24+$0x138C0] =	vst v9;
	v10 =	vmax.f32 v10, $0.0e+00;
	v17 =	vadd.f32 v13, v19;
	v9 =	vld [tilespmem:s24+$0x13940]  }
0x115: {  	[tilespmem:s24+$0x138D0] =	vst v10;
	v12 =	vmax.f32 v12, $0.0e+00;
	v13 =	vadd.f32 v15, v14;
	v10 =	vld [tilespmem:s24+$0x13950]  }
0x116: {  	s10 =	sadd.s32 $0x400, s10;
	[tilespmem:s24+$0x138E0] =	vst v12;
	v14 =	vmax.f32 v17, $0.0e+00;
	v12 =	vadd.f32 v16, v11;
	v11 =	vld [tilespmem:s24+$0x13960]  }
0x117: {  	[tilespmem:s24+$0x138F0] =	vst v14;
	v13 =	vmax.f32 v13, $0.0e+00;
	v6 =	vadd.f32 v6, v8;
	v8 =	vld [tilespmem:s24+$0x13970]  }
0x118: {  	[tilespmem:s24+$0x13900] =	vst v13;
	v12 =	vmax.f32 v12, $0.0e+00;
	v5 =	vadd.f32 v5, v7  }
0x119: {  	[tilespmem:s24+$0x13910] =	vst v12;
	v6 =	vmax.f32 v6, $0.0e+00;
	v4 =	vadd.f32 v4, v9  }
0x11a: {  	[tilespmem:s24+$0x13920] =	vst v6;
	v5 =	vmax.f32 v5, $0.0e+00;
	v3 =	vadd.f32 v3, v10  }
0x11b: {  	[tilespmem:s24+$0x13930] =	vst v5;
	v4 =	vmax.f32 v4, $0.0e+00;
	v2 =	vadd.f32 v2, v11  }
0x11c: {  	[tilespmem:s24+$0x13940] =	vst v4;
	v3 =	vmax.f32 v3, $0.0e+00;
	v1 =	vadd.f32 v1, v8  }
0x11d: {  	[tilespmem:s24+$0x13950] =	vst v3;
	v2 =	vmax.f32 v2, $0.0e+00  }
0x11e: {  	[tilespmem:s24+$0x13960] =	vst v2;
	v1 =	vmax.f32 v1, $0.0e+00  }
0x11f: {  	s10 =	simm.s32 @!p1 $0xA;
	[tilespmem:s24+$0x13970] =	vst v1  }
0x120: {  	[spmem:s5] =	stream.indirect.scatter.add.f32 [tilespmem:s6], [sflag:$0x9], $0x80, s31, s13, $0xb8;
	[tilespmem:$0x1FB80] =	vst v63  }
0x121: {  	_ =	swait.ge @!p1 [sflag:s10], $0x2000  }
0x122: {  	[sflag:s10] =	ssyncset.done @!p1 $0x0  }
0x123: {  	[sflag:s10] =	ssyncadd.s32 @!p1 $0xFFFFE000  }
0x124: {  	_ =	swait.ge [sflag:s12], $0x40  }
0x125: {  	[sflag:s12] =	ssyncset.done $0x0  }
0x126: {  	[sflag:s12] =	ssyncadd.s32 $0xFFFFFFC0  }
0x127: {  	_ =	swait.ge [sflag:s12], $0x40  }
0x128: {  	[sflag:s12] =	ssyncset.done $0x0  }
0x129: {  	s15 =	sshll.u32 s25, $0x4;
	s24 =	simm.s32 $0x17880;
	[sflag:s12] =	ssyncadd.s32 $0xFFFFFFC0  }
0x12a: {  	[tilespmem:s24], [sflag:$0x3] =	stream.indirect.gather [hbm4b:s1+s13], $0x80, s30, s13, $0xb8;
	[tilespmem:$0x1FB80] =	vst v63  }
0x12b: {  	s10 =	sadd.s32 s4, s15;
	s15 =	simm.s32 $0x0  }
0x12c: {  	[tilespmem:s0], [sflag:$0x5] =	stream.linear.gather [hbm4b:s10+s15], $0x2000, $0x38;
	[tilespmem:$0x1FB80] =	vst v63  }
0x12d: {  	_ =	swait.ge [sflag:s16], $0x2000  }
0x12e: {  	[sflag:s16] =	ssyncset.done $0x0;
	s24 =	rddreg [dreg:$0x7]  }
0x12f: {  	[sflag:s16] =	ssyncadd.s32 $0xFFFFE000;
	s10 =	sadd.s32 s23, s24  }
0x130: {  	_ =	swait.ge [sflag:s20], $0x2000;
	s23 =	sadd.s32 $0xC0, s10  }
0x131: {  	[sflag:s20] =	ssyncset.done $0x0;
	s10 =	sshrl.u32 s23, $0x3  }
0x132: {  	[sflag:s20] =	ssyncadd.s32 $0xFFFFE000;
	s25 =	sadd.s32 s2, s10  }
0x133: {  	[tilespmem:s14], [sflag:$0x8] =	stream.linear.gather [hbm4b:s25+s15], $0x40, $0x38;
	[tilespmem:$0x1FB80] =	vst v63  }
0x134: {  	s24 =	simm.s32 $0x0;
	s10 =	sadd.s32 s3, s10;
	s25 =	simm.s32 $0x1FB00  }
0x135: {  	[tilespmem:s25], [sflag:$0x8] =	stream.linear.gather [hbm4b:s10+s15], $0x40, $0x38;
	[tilespmem:$0x1FB80] =	vst v63  }
0x136: {  	v7 =	vld [tilespmem:s24+$0x1D880]  }
0x137: {  	v8 =	vld [tilespmem:s24+$0x1D890]  }
0x138: {  	v9 =	vld [tilespmem:s24+$0x1D8A0]  }
0x139: {  	v10 =	vld [tilespmem:s24+$0x1D8B0]  }
0x13a: {  	v11 =	vld [tilespmem:s24+$0x1D8C0]  }
0x13b: {  	v12 =	vld [tilespmem:s24+$0x1D8D0]  }
0x13c: {  	v13 =	vld [tilespmem:s24+$0x1D8E0]  }
0x13d: {  	v14 =	vld [tilespmem:s24+$0x1D8F0]  }
0x13e: {  	v15 =	vld [tilespmem:s24+$0x1D900]  }
0x13f: {  	v16 =	vld [tilespmem:s24+$0x1D910]  }
0x140: {  	v6 =	vld [tilespmem:s24+$0x1D920]  }
0x141: {  	v5 =	vld [tilespmem:s24+$0x1D930]  }
0x142: {  	v4 =	vld [tilespmem:s24+$0x1D940]  }
0x143: {  	v17 =	vld [tilespmem:s24+$0x15880]  }
0x144: {  	v18 =	vld [tilespmem:s24+$0x15890]  }
0x145: {  	v3 =	vld [tilespmem:s24+$0x1D950]  }
0x146: {  	v19 =	vld [tilespmem:s24+$0x158A0]  }
0x147: {  	v20 =	vld [tilespmem:s24+$0x158B0]  }
0x148: {  	v2 =	vld [tilespmem:s24+$0x1D960];
	v7 =	vadd.f32 v7, v17  }
0x149: {  	v21 =	vld [tilespmem:s24+$0x158C0];
	v8 =	vadd.f32 v8, v18  }
0x14a: {  	v60 =	vld [tilespmem:s24+$0x158D0];
	v7 =	vmax.f32 v7, $0.0e+00  }
0x14b: {  	v1 =	vld [tilespmem:s24+$0x1D970];
	v8 =	vmax.f32 v8, $0.0e+00;
	[tilespmem:s24+$0x15880] =	vst v7;
	v7 =	vadd.f32 v9, v19  }
0x14c: {  	v22 =	vld [tilespmem:s24+$0x158E0];
	[tilespmem:s24+$0x15890] =	vst v8;
	v8 =	vadd.f32 v10, v20  }
0x14d: {  	v61 =	vld [tilespmem:s24+$0x158F0];
	v7 =	vmax.f32 v7, $0.0e+00  }
0x14e: {  	v62 =	vld [tilespmem:s24+$0x15900];
	v9 =	vmax.f32 v8, $0.0e+00;
	[tilespmem:s24+$0x158A0] =	vst v7;
	v7 =	vadd.f32 v11, v21  }
0x14f: {  	v63 =	vld [tilespmem:s24+$0x15910];
	[tilespmem:s24+$0x158B0] =	vst v9;
	v9 =	vadd.f32 v12, v60  }
0x150: {  	v8 =	vld [tilespmem:s24+$0x15920];
	v10 =	vmax.f32 v7, $0.0e+00  }
0x151: {  	v7 =	vld [tilespmem:s24+$0x15930];
	v11 =	vmax.f32 v9, $0.0e+00;
	[tilespmem:s24+$0x158C0] =	vst v10;
	v10 =	vadd.f32 v13, v22  }
0x152: {  	v9 =	vld [tilespmem:s24+$0x15940];
	[tilespmem:s24+$0x158D0] =	vst v11;
	v11 =	vadd.f32 v14, v61  }
0x153: {  	v13 =	vadd.f32 v15, v62;
	v12 =	vmax.f32 v10, $0.0e+00;
	v10 =	vld [tilespmem:s24+$0x15950]  }
0x154: {  	s10 =	simm.s32 $0x400;
	v14 =	vmax.f32 v11, $0.0e+00;
	v11 =	vld [tilespmem:s24+$0x15960];
	[tilespmem:s24+$0x158E0] =	vst v12;
	v12 =	vadd.f32 v16, v63  }
.LBB2_16:
0x155: {  	s15 =	sshra.s32 s10, $0x2;
	p1 =	sne.s32 s10, $0x7C00;
	[tilespmem:s24+$0x158F0] =	vst v14;
	v13 =	vmax.f32 v13, $0.0e+00;
	v6 =	vadd.f32 v6, v8;
	v8 =	vld [tilespmem:s24+$0x15970]  }
0x156: {  	v14 =	vld [tilespmem:s15+$0x1D880];
	[tilespmem:s24+$0x15900] =	vst v13;
	v12 =	vmax.f32 v12, $0.0e+00;
	v5 =	vadd.f32 v5, v7  }
0x157: {  	v7 =	vld [tilespmem:s15+$0x1D890];
	[tilespmem:s24+$0x15910] =	vst v12;
	v6 =	vmax.f32 v6, $0.0e+00;
	v4 =	vadd.f32 v4, v9  }
0x158: {  	v9 =	vld [tilespmem:s15+$0x1D8A0];
	[tilespmem:s24+$0x15920] =	vst v6;
	v5 =	vmax.f32 v5, $0.0e+00;
	v3 =	vadd.f32 v3, v10  }
0x159: {  	v10 =	vld [tilespmem:s15+$0x1D8B0];
	[tilespmem:s24+$0x15930] =	vst v5;
	v4 =	vmax.f32 v4, $0.0e+00;
	v2 =	vadd.f32 v2, v11  }
0x15a: {  	v11 =	vld [tilespmem:s15+$0x1D8C0];
	[tilespmem:s24+$0x15940] =	vst v4;
	v3 =	vmax.f32 v3, $0.0e+00;
	v1 =	vadd.f32 v1, v8  }
0x15b: {  	v8 =	vld [tilespmem:s15+$0x1D8D0];
	[tilespmem:s24+$0x15950] =	vst v3;
	v2 =	vmax.f32 v2, $0.0e+00  }
0x15c: {  	v12 =	vld [tilespmem:s15+$0x1D8E0];
	[tilespmem:s24+$0x15960] =	vst v2;
	v1 =	vmax.f32 v1, $0.0e+00  }
0x15d: {  	v13 =	vld [tilespmem:s15+$0x1D8F0];
	[tilespmem:s24+$0x15970] =	vst v1;
	s24 =	smov.u32 s15  }
0x15e: {  	v15 =	vld [tilespmem:s24+$0x1D900]  }
0x15f: {  	v16 =	vld [tilespmem:s24+$0x1D910]  }
0x160: {  	v6 =	vld [tilespmem:s24+$0x1D920]  }
0x161: {  	v5 =	vld [tilespmem:s24+$0x1D930]  }
0x162: {  	v4 =	vld [tilespmem:s24+$0x1D940]  }
0x163: {  	v3 =	vld [tilespmem:s24+$0x1D950]  }
0x164: {  	v2 =	vld [tilespmem:s24+$0x1D960]  }
0x165: {  	v1 =	vld [tilespmem:s24+$0x1D970]  }
0x166: {  	v17 =	vld [tilespmem:s24+$0x15880]  }
0x167: {  	v18 =	vld [tilespmem:s24+$0x15890]  }
0x168: {  	v19 =	vld [tilespmem:s24+$0x158A0]  }
0x169: {  	v20 =	vld [tilespmem:s24+$0x158B0]  }
0x16a: {  	v21 =	vld [tilespmem:s24+$0x158C0]  }
0x16b: {  	v14 =	vadd.f32 v14, v17;
	v17 =	vld [tilespmem:s24+$0x158D0]  }
0x16c: {  	v7 =	vadd.f32 v7, v18;
	v18 =	vld [tilespmem:s24+$0x158E0]  }
0x16d: {  	v14 =	vmax.f32 v14, $0.0e+00;
	v9 =	vadd.f32 v9, v19;
	v19 =	vld [tilespmem:s24+$0x158F0]  }
0x16e: {  	[tilespmem:s24+$0x15880] =	vst v14;
	v7 =	vmax.f32 v7, $0.0e+00;
	v10 =	vadd.f32 v10, v20;
	v14 =	vld [tilespmem:s24+$0x15900]  }
0x16f: {  	[tilespmem:s24+$0x15890] =	vst v7;
	v7 =	vmax.f32 v9, $0.0e+00;
	v9 =	vadd.f32 v11, v21;
	v11 =	vld [tilespmem:s24+$0x15910]  }
.Ltmp9:
0x170: {  	[tilespmem:s24+$0x158A0] =	vst v7;
	v7 =	vmax.f32 v10, $0.0e+00;
	v10 =	vadd.f32 v8, v17;
	v8 =	vld [tilespmem:s24+$0x15920];
	(pc) =	sbr.rel @p1 .LBB2_16-.Ltmp9, $4  }
0x171: {  	[tilespmem:s24+$0x158B0] =	vst v7;
	v9 =	vmax.f32 v9, $0.0e+00;
	v12 =	vadd.f32 v12, v18;
	v7 =	vld [tilespmem:s24+$0x15930]  }
0x172: {  	[tilespmem:s24+$0x158C0] =	vst v9;
	v10 =	vmax.f32 v10, $0.0e+00;
	v17 =	vadd.f32 v13, v19;
	v9 =	vld [tilespmem:s24+$0x15940]  }
0x173: {  	[tilespmem:s24+$0x158D0] =	vst v10;
	v12 =	vmax.f32 v12, $0.0e+00;
	v13 =	vadd.f32 v15, v14;
	v10 =	vld [tilespmem:s24+$0x15950]  }
0x174: {  	s10 =	sadd.s32 $0x400, s10;
	[tilespmem:s24+$0x158E0] =	vst v12;
	v14 =	vmax.f32 v17, $0.0e+00;
	v12 =	vadd.f32 v16, v11;
	v11 =	vld [tilespmem:s24+$0x15960]  }
0x175: {  	[tilespmem:s24+$0x158F0] =	vst v14;
	v13 =	vmax.f32 v13, $0.0e+00;
	v6 =	vadd.f32 v6, v8;
	v8 =	vld [tilespmem:s24+$0x15970]  }
0x176: {  	[tilespmem:s24+$0x15900] =	vst v13;
	v12 =	vmax.f32 v12, $0.0e+00;
	v5 =	vadd.f32 v5, v7  }
0x177: {  	[tilespmem:s24+$0x15910] =	vst v12;
	v6 =	vmax.f32 v6, $0.0e+00;
	v4 =	vadd.f32 v4, v9  }
0x178: {  	[tilespmem:s24+$0x15920] =	vst v6;
	v5 =	vmax.f32 v5, $0.0e+00;
	v3 =	vadd.f32 v3, v10  }
0x179: {  	[tilespmem:s24+$0x15930] =	vst v5;
	v4 =	vmax.f32 v4, $0.0e+00;
	v2 =	vadd.f32 v2, v11  }
0x17a: {  	[tilespmem:s24+$0x15940] =	vst v4;
	v3 =	vmax.f32 v3, $0.0e+00;
	v1 =	vadd.f32 v1, v8  }
0x17b: {  	[tilespmem:s24+$0x15950] =	vst v3;
	v2 =	vmax.f32 v2, $0.0e+00  }
0x17c: {  	[tilespmem:s24+$0x15960] =	vst v2;
	v1 =	vmax.f32 v1, $0.0e+00  }
0x17d: {  	s10 =	simm.s32 $0x1FA00;
	s15 =	simm.s32 $0x15880;
	[tilespmem:s24+$0x15970] =	vst v1  }
0x17e: {  	[spmem:s5] =	stream.indirect.scatter.add.f32 [tilespmem:s15], [sflag:$0xA], $0x80, s10, s13, $0xb8;
	[tilespmem:$0x1FB80] =	vst v63  }
0x17f: {  	_ =	swait.ge [sflag:s8], $0x2000  }
0x180: {  	[sflag:s8] =	ssyncset.done $0x0  }
0x181: {  	[sflag:s8] =	ssyncadd.s32 $0xFFFFE000  }
0x182: {  	_ =	swait.ge [sflag:s7], $0x40  }
0x183: {  	[sflag:s7] =	ssyncset.done $0x0  }
0x184: {  	[sflag:s7] =	ssyncadd.s32 $0xFFFFFFC0  }
0x185: {  	_ =	swait.ge [sflag:s7], $0x40  }
0x186: {  	[sflag:s7] =	ssyncset.done $0x0  }
0x187: {  	s24 =	sshll.u32 s23, $0x4;
	s15 =	simm.s32 $0x19880;
	[sflag:s7] =	ssyncadd.s32 $0xFFFFFFC0  }
0x188: {  	[tilespmem:s15], [sflag:$0x4] =	stream.indirect.gather [hbm4b:s1+s13], $0x80, s14, s13, $0xb8;
	[tilespmem:$0x1FB80] =	vst v63  }
0x189: {  	s25 =	simm.s32 $0x1D880;
	s10 =	sadd.s32 s4, s24;
	s15 =	simm.s32 $0x0  }
0x18a: {  	[tilespmem:s25], [sflag:$0x6] =	stream.linear.gather [hbm4b:s10+s15], $0x2000, $0x38;
	[tilespmem:$0x1FB80] =	vst v63  }
0x18b: {  	_ =	swait.ge [sflag:s19], $0x2000  }
0x18c: {  	[sflag:s19] =	ssyncset.done $0x0  }
0x18d: {  	[sflag:s19] =	ssyncadd.s32 $0xFFFFE000  }
0x18e: {  	s23 =	smin.u32 s18, $0x97;
	_ =	swait.ge [sflag:s26], $0x2000  }
0x18f: {  	s10 =	sshll.u32 s23, $0x6;
	s24 =	rddreg [dreg:$0x12]  }
0x190: {  	s23 =	sadd.s32 s10, s24  }
0x191: {  	[sflag:s26] =	ssyncset.done $0x0;
	s10 =	sshrl.u32 s23, $0x3  }
0x192: {  	[sflag:s26] =	ssyncadd.s32 $0xFFFFE000;
	s25 =	sadd.s32 s2, s10  }
0x193: {  	[tilespmem:s30], [sflag:$0x7] =	stream.linear.gather [hbm4b:s25+s15], $0x40, $0x38;
	[tilespmem:$0x1FB80] =	vst v63  }
0x194: {  	s24 =	simm.s32 $0x0;
	s10 =	sadd.s32 s3, s10  }
0x195: {  	[tilespmem:s31], [sflag:$0x7] =	stream.linear.gather [hbm4b:s10+s15], $0x40, $0x38;
	[tilespmem:$0x1FB80] =	vst v63  }
0x196: {  	v7 =	vld [tilespmem:s24+$0x1B880]  }
0x197: {  	v8 =	vld [tilespmem:s24+$0x1B890]  }
0x198: {  	v9 =	vld [tilespmem:s24+$0x1B8A0]  }
0x199: {  	v10 =	vld [tilespmem:s24+$0x1B8B0]  }
0x19a: {  	v11 =	vld [tilespmem:s24+$0x1B8C0]  }
0x19b: {  	v12 =	vld [tilespmem:s24+$0x1B8D0]  }
0x19c: {  	v13 =	vld [tilespmem:s24+$0x1B8E0]  }
0x19d: {  	v14 =	vld [tilespmem:s24+$0x1B8F0]  }
0x19e: {  	v15 =	vld [tilespmem:s24+$0x1B900]  }
0x19f: {  	v16 =	vld [tilespmem:s24+$0x1B910]  }
0x1a0: {  	v6 =	vld [tilespmem:s24+$0x1B920]  }
0x1a1: {  	v5 =	vld [tilespmem:s24+$0x1B930]  }
0x1a2: {  	v4 =	vld [tilespmem:s24+$0x1B940]  }
0x1a3: {  	v17 =	vld [tilespmem:s24+$0x17880]  }
0x1a4: {  	v18 =	vld [tilespmem:s24+$0x17890]  }
0x1a5: {  	v3 =	vld [tilespmem:s24+$0x1B950]  }
0x1a6: {  	v19 =	vld [tilespmem:s24+$0x178A0]  }
0x1a7: {  	v20 =	vld [tilespmem:s24+$0x178B0]  }
0x1a8: {  	v2 =	vld [tilespmem:s24+$0x1B960];
	v7 =	vadd.f32 v7, v17  }
0x1a9: {  	v21 =	vld [tilespmem:s24+$0x178C0];
	v8 =	vadd.f32 v8, v18  }
0x1aa: {  	v60 =	vld [tilespmem:s24+$0x178D0];
	v7 =	vmax.f32 v7, $0.0e+00  }
0x1ab: {  	v1 =	vld [tilespmem:s24+$0x1B970];
	v8 =	vmax.f32 v8, $0.0e+00;
	[tilespmem:s24+$0x17880] =	vst v7;
	v7 =	vadd.f32 v9, v19  }
0x1ac: {  	v22 =	vld [tilespmem:s24+$0x178E0];
	[tilespmem:s24+$0x17890] =	vst v8;
	v8 =	vadd.f32 v10, v20  }
0x1ad: {  	v61 =	vld [tilespmem:s24+$0x178F0];
	v7 =	vmax.f32 v7, $0.0e+00  }
0x1ae: {  	v62 =	vld [tilespmem:s24+$0x17900];
	v9 =	vmax.f32 v8, $0.0e+00;
	[tilespmem:s24+$0x178A0] =	vst v7;
	v7 =	vadd.f32 v11, v21  }
0x1af: {  	v63 =	vld [tilespmem:s24+$0x17910];
	[tilespmem:s24+$0x178B0] =	vst v9;
	v9 =	vadd.f32 v12, v60  }
0x1b0: {  	v8 =	vld [tilespmem:s24+$0x17920];
	v10 =	vmax.f32 v7, $0.0e+00  }
0x1b1: {  	v7 =	vld [tilespmem:s24+$0x17930];
	v11 =	vmax.f32 v9, $0.0e+00;
	[tilespmem:s24+$0x178C0] =	vst v10;
	v10 =	vadd.f32 v13, v22  }
0x1b2: {  	v9 =	vld [tilespmem:s24+$0x17940];
	[tilespmem:s24+$0x178D0] =	vst v11;
	v11 =	vadd.f32 v14, v61  }
0x1b3: {  	v13 =	vadd.f32 v15, v62;
	v12 =	vmax.f32 v10, $0.0e+00;
	v10 =	vld [tilespmem:s24+$0x17950]  }
0x1b4: {  	s10 =	simm.s32 $0x400;
	v14 =	vmax.f32 v11, $0.0e+00;
	v11 =	vld [tilespmem:s24+$0x17960];
	[tilespmem:s24+$0x178E0] =	vst v12;
	v12 =	vadd.f32 v16, v63  }
.LBB2_18:
0x1b5: {  	s15 =	sshra.s32 s10, $0x2;
	p1 =	sne.s32 s10, $0x7C00;
	[tilespmem:s24+$0x178F0] =	vst v14;
	v13 =	vmax.f32 v13, $0.0e+00;
	v6 =	vadd.f32 v6, v8;
	v8 =	vld [tilespmem:s24+$0x17970]  }
0x1b6: {  	v14 =	vld [tilespmem:s15+$0x1B880];
	[tilespmem:s24+$0x17900] =	vst v13;
	v12 =	vmax.f32 v12, $0.0e+00;
	v5 =	vadd.f32 v5, v7  }
0x1b7: {  	v7 =	vld [tilespmem:s15+$0x1B890];
	[tilespmem:s24+$0x17910] =	vst v12;
	v6 =	vmax.f32 v6, $0.0e+00;
	v4 =	vadd.f32 v4, v9  }
0x1b8: {  	v9 =	vld [tilespmem:s15+$0x1B8A0];
	[tilespmem:s24+$0x17920] =	vst v6;
	v5 =	vmax.f32 v5, $0.0e+00;
	v3 =	vadd.f32 v3, v10  }
0x1b9: {  	v10 =	vld [tilespmem:s15+$0x1B8B0];
	[tilespmem:s24+$0x17930] =	vst v5;
	v4 =	vmax.f32 v4, $0.0e+00;
	v2 =	vadd.f32 v2, v11  }
0x1ba: {  	v11 =	vld [tilespmem:s15+$0x1B8C0];
	[tilespmem:s24+$0x17940] =	vst v4;
	v3 =	vmax.f32 v3, $0.0e+00;
	v1 =	vadd.f32 v1, v8  }
0x1bb: {  	v8 =	vld [tilespmem:s15+$0x1B8D0];
	[tilespmem:s24+$0x17950] =	vst v3;
	v2 =	vmax.f32 v2, $0.0e+00  }
0x1bc: {  	v12 =	vld [tilespmem:s15+$0x1B8E0];
	[tilespmem:s24+$0x17960] =	vst v2;
	v1 =	vmax.f32 v1, $0.0e+00  }
0x1bd: {  	v13 =	vld [tilespmem:s15+$0x1B8F0];
	[tilespmem:s24+$0x17970] =	vst v1;
	s24 =	smov.u32 s15  }
0x1be: {  	v15 =	vld [tilespmem:s24+$0x1B900]  }
0x1bf: {  	v16 =	vld [tilespmem:s24+$0x1B910]  }
0x1c0: {  	v6 =	vld [tilespmem:s24+$0x1B920]  }
0x1c1: {  	v5 =	vld [tilespmem:s24+$0x1B930]  }
0x1c2: {  	v4 =	vld [tilespmem:s24+$0x1B940]  }
0x1c3: {  	v3 =	vld [tilespmem:s24+$0x1B950]  }
0x1c4: {  	v2 =	vld [tilespmem:s24+$0x1B960]  }
0x1c5: {  	v1 =	vld [tilespmem:s24+$0x1B970]  }
0x1c6: {  	v17 =	vld [tilespmem:s24+$0x17880]  }
0x1c7: {  	v18 =	vld [tilespmem:s24+$0x17890]  }
0x1c8: {  	v19 =	vld [tilespmem:s24+$0x178A0]  }
0x1c9: {  	v20 =	vld [tilespmem:s24+$0x178B0]  }
0x1ca: {  	v21 =	vld [tilespmem:s24+$0x178C0]  }
0x1cb: {  	v14 =	vadd.f32 v14, v17;
	v17 =	vld [tilespmem:s24+$0x178D0]  }
0x1cc: {  	v7 =	vadd.f32 v7, v18;
	v18 =	vld [tilespmem:s24+$0x178E0]  }
0x1cd: {  	v14 =	vmax.f32 v14, $0.0e+00;
	v9 =	vadd.f32 v9, v19;
	v19 =	vld [tilespmem:s24+$0x178F0]  }
0x1ce: {  	[tilespmem:s24+$0x17880] =	vst v14;
	v7 =	vmax.f32 v7, $0.0e+00;
	v10 =	vadd.f32 v10, v20;
	v14 =	vld [tilespmem:s24+$0x17900]  }
0x1cf: {  	[tilespmem:s24+$0x17890] =	vst v7;
	v7 =	vmax.f32 v9, $0.0e+00;
	v9 =	vadd.f32 v11, v21;
	v11 =	vld [tilespmem:s24+$0x17910]  }
.Ltmp10:
0x1d0: {  	[tilespmem:s24+$0x178A0] =	vst v7;
	v7 =	vmax.f32 v10, $0.0e+00;
	v10 =	vadd.f32 v8, v17;
	v8 =	vld [tilespmem:s24+$0x17920];
	(pc) =	sbr.rel @p1 .LBB2_18-.Ltmp10, $4  }
0x1d1: {  	[tilespmem:s24+$0x178B0] =	vst v7;
	v9 =	vmax.f32 v9, $0.0e+00;
	v12 =	vadd.f32 v12, v18;
	v7 =	vld [tilespmem:s24+$0x17930]  }
0x1d2: {  	[tilespmem:s24+$0x178C0] =	vst v9;
	v10 =	vmax.f32 v10, $0.0e+00;
	v17 =	vadd.f32 v13, v19;
	v9 =	vld [tilespmem:s24+$0x17940]  }
0x1d3: {  	[tilespmem:s24+$0x178D0] =	vst v10;
	v12 =	vmax.f32 v12, $0.0e+00;
	v13 =	vadd.f32 v15, v14;
	v10 =	vld [tilespmem:s24+$0x17950]  }
0x1d4: {  	s10 =	sadd.s32 $0x400, s10;
	[tilespmem:s24+$0x178E0] =	vst v12;
	v14 =	vmax.f32 v17, $0.0e+00;
	v12 =	vadd.f32 v16, v11;
	v11 =	vld [tilespmem:s24+$0x17960]  }
0x1d5: {  	[tilespmem:s24+$0x178F0] =	vst v14;
	v13 =	vmax.f32 v13, $0.0e+00;
	v6 =	vadd.f32 v6, v8;
	v8 =	vld [tilespmem:s24+$0x17970]  }
0x1d6: {  	[tilespmem:s24+$0x17900] =	vst v13;
	v12 =	vmax.f32 v12, $0.0e+00;
	v5 =	vadd.f32 v5, v7  }
0x1d7: {  	[tilespmem:s24+$0x17910] =	vst v12;
	v6 =	vmax.f32 v6, $0.0e+00;
	v4 =	vadd.f32 v4, v9  }
0x1d8: {  	[tilespmem:s24+$0x17920] =	vst v6;
	v5 =	vmax.f32 v5, $0.0e+00;
	v3 =	vadd.f32 v3, v10  }
0x1d9: {  	[tilespmem:s24+$0x17930] =	vst v5;
	v4 =	vmax.f32 v4, $0.0e+00;
	v2 =	vadd.f32 v2, v11  }
0x1da: {  	[tilespmem:s24+$0x17940] =	vst v4;
	v3 =	vmax.f32 v3, $0.0e+00;
	v1 =	vadd.f32 v1, v8  }
0x1db: {  	[tilespmem:s24+$0x17950] =	vst v3;
	v2 =	vmax.f32 v2, $0.0e+00  }
0x1dc: {  	[tilespmem:s24+$0x17960] =	vst v2;
	v1 =	vmax.f32 v1, $0.0e+00  }
0x1dd: {  	s10 =	simm.s32 $0x1FA80;
	s15 =	simm.s32 $0x17880;
	[tilespmem:s24+$0x17970] =	vst v1  }
0x1de: {  	[spmem:s5] =	stream.indirect.scatter.add.f32 [tilespmem:s15], [sflag:$0x9], $0x80, s10, s13, $0xb8;
	[tilespmem:$0x1FB80] =	vst v63  }
0x1df: {  	_ =	swait.ge [sflag:s21], $0x2000  }
0x1e0: {  	[sflag:s21] =	ssyncset.done $0x0  }
0x1e1: {  	[sflag:s21] =	ssyncadd.s32 $0xFFFFE000  }
0x1e2: {  	_ =	swait.ge [sflag:s12], $0x40  }
0x1e3: {  	[sflag:s12] =	ssyncset.done $0x0  }
0x1e4: {  	[sflag:s12] =	ssyncadd.s32 $0xFFFFFFC0  }
0x1e5: {  	_ =	swait.ge [sflag:s12], $0x40  }
0x1e6: {  	[sflag:s12] =	ssyncset.done $0x0  }
0x1e7: {  	s15 =	sshll.u32 s23, $0x4;
	[sflag:s12] =	ssyncadd.s32 $0xFFFFFFC0  }
0x1e8: {  	[tilespmem:s6], [sflag:$0x1] =	stream.indirect.gather [hbm4b:s1+s13], $0x80, s30, s13, $0xb8;
	[tilespmem:$0x1FB80] =	vst v63  }
0x1e9: {  	s10 =	sadd.s32 s4, s15;
	s15 =	simm.s32 $0x0  }
0x1ea: {  	[tilespmem:s0], [sflag:$0x5] =	stream.linear.gather [hbm4b:s10+s15], $0x2000, $0x38;
	[tilespmem:$0x1FB80] =	vst v63  }
0x1eb: {  	_ =	swait.ge [sflag:s22], $0x2000  }
0x1ec: {  	[sflag:s22] =	ssyncset.done $0x0  }
0x1ed: {  	[sflag:s22] =	ssyncadd.s32 $0xFFFFE000  }
0x1ee: {  	s18 =	smin.u32 s18, $0x96;
	_ =	swait.ge [sflag:s20], $0x2000  }
0x1ef: {  	s10 =	sshll.u32 s18, $0x6;
	s23 =	rddreg [dreg:$0x13]  }
0x1f0: {  	s10 =	sadd.s32 s10, s23  }
0x1f1: {  	[sflag:s20] =	ssyncset.done $0x0;
	s10 =	sshrl.u32 s10, $0x3  }
0x1f2: {  	[sflag:s20] =	ssyncadd.s32 $0xFFFFE000;
	s24 =	sadd.s32 s2, s10  }
0x1f3: {  	[tilespmem:s14], [sflag:$0x8] =	stream.linear.gather [hbm4b:s24+s15], $0x40, $0x38;
	[tilespmem:$0x1FB80] =	vst v63  }
0x1f4: {  	s25 =	simm.s32 $0x1FA00;
	s18 =	simm.s32 $0x0;
	s10 =	sadd.s32 s3, s10  }
0x1f5: {  	[tilespmem:s25], [sflag:$0x8] =	stream.linear.gather [hbm4b:s10+s15], $0x40, $0x38;
	[tilespmem:$0x1FB80] =	vst v63  }
0x1f6: {  	v7 =	vld [tilespmem:s18+$0x1D880]  }
0x1f7: {  	v8 =	vld [tilespmem:s18+$0x1D890]  }
0x1f8: {  	v9 =	vld [tilespmem:s18+$0x1D8A0]  }
0x1f9: {  	v10 =	vld [tilespmem:s18+$0x1D8B0]  }
0x1fa: {  	v11 =	vld [tilespmem:s18+$0x1D8C0]  }
0x1fb: {  	v12 =	vld [tilespmem:s18+$0x1D8D0]  }
0x1fc: {  	v13 =	vld [tilespmem:s18+$0x1D8E0]  }
0x1fd: {  	v14 =	vld [tilespmem:s18+$0x1D8F0]  }
0x1fe: {  	v15 =	vld [tilespmem:s18+$0x1D900]  }
0x1ff: {  	v16 =	vld [tilespmem:s18+$0x1D910]  }
0x200: {  	v6 =	vld [tilespmem:s18+$0x1D920]  }
0x201: {  	v5 =	vld [tilespmem:s18+$0x1D930]  }
0x202: {  	v4 =	vld [tilespmem:s18+$0x1D940]  }
0x203: {  	v17 =	vld [tilespmem:s18+$0x19880]  }
0x204: {  	v18 =	vld [tilespmem:s18+$0x19890]  }
0x205: {  	v3 =	vld [tilespmem:s18+$0x1D950]  }
0x206: {  	v19 =	vld [tilespmem:s18+$0x198A0]  }
0x207: {  	v20 =	vld [tilespmem:s18+$0x198B0]  }
0x208: {  	v2 =	vld [tilespmem:s18+$0x1D960];
	v7 =	vadd.f32 v7, v17  }
0x209: {  	v21 =	vld [tilespmem:s18+$0x198C0];
	v8 =	vadd.f32 v8, v18  }
0x20a: {  	v60 =	vld [tilespmem:s18+$0x198D0];
	v7 =	vmax.f32 v7, $0.0e+00  }
0x20b: {  	v1 =	vld [tilespmem:s18+$0x1D970];
	v8 =	vmax.f32 v8, $0.0e+00;
	[tilespmem:s18+$0x19880] =	vst v7;
	v7 =	vadd.f32 v9, v19  }
0x20c: {  	v22 =	vld [tilespmem:s18+$0x198E0];
	[tilespmem:s18+$0x19890] =	vst v8;
	v8 =	vadd.f32 v10, v20  }
0x20d: {  	v61 =	vld [tilespmem:s18+$0x198F0];
	v7 =	vmax.f32 v7, $0.0e+00  }
0x20e: {  	v62 =	vld [tilespmem:s18+$0x19900];
	v9 =	vmax.f32 v8, $0.0e+00;
	[tilespmem:s18+$0x198A0] =	vst v7;
	v7 =	vadd.f32 v11, v21  }
0x20f: {  	v63 =	vld [tilespmem:s18+$0x19910];
	[tilespmem:s18+$0x198B0] =	vst v9;
	v9 =	vadd.f32 v12, v60  }
0x210: {  	v8 =	vld [tilespmem:s18+$0x19920];
	v10 =	vmax.f32 v7, $0.0e+00  }
0x211: {  	v7 =	vld [tilespmem:s18+$0x19930];
	v11 =	vmax.f32 v9, $0.0e+00;
	[tilespmem:s18+$0x198C0] =	vst v10;
	v10 =	vadd.f32 v13, v22  }
0x212: {  	v9 =	vld [tilespmem:s18+$0x19940];
	[tilespmem:s18+$0x198D0] =	vst v11;
	v11 =	vadd.f32 v14, v61  }
0x213: {  	v13 =	vadd.f32 v15, v62;
	v12 =	vmax.f32 v10, $0.0e+00;
	v10 =	vld [tilespmem:s18+$0x19950]  }
0x214: {  	s10 =	simm.s32 $0x400;
	v14 =	vmax.f32 v11, $0.0e+00;
	v11 =	vld [tilespmem:s18+$0x19960];
	[tilespmem:s18+$0x198E0] =	vst v12;
	v12 =	vadd.f32 v16, v63  }
.LBB2_20:
0x215: {  	s15 =	sshra.s32 s10, $0x2;
	p1 =	sne.s32 s10, $0x7C00;
	[tilespmem:s18+$0x198F0] =	vst v14;
	v13 =	vmax.f32 v13, $0.0e+00;
	v6 =	vadd.f32 v6, v8;
	v8 =	vld [tilespmem:s18+$0x19970]  }
0x216: {  	v14 =	vld [tilespmem:s15+$0x1D880];
	[tilespmem:s18+$0x19900] =	vst v13;
	v12 =	vmax.f32 v12, $0.0e+00;
	v5 =	vadd.f32 v5, v7  }
0x217: {  	v7 =	vld [tilespmem:s15+$0x1D890];
	[tilespmem:s18+$0x19910] =	vst v12;
	v6 =	vmax.f32 v6, $0.0e+00;
	v4 =	vadd.f32 v4, v9  }
0x218: {  	v9 =	vld [tilespmem:s15+$0x1D8A0];
	[tilespmem:s18+$0x19920] =	vst v6;
	v5 =	vmax.f32 v5, $0.0e+00;
	v3 =	vadd.f32 v3, v10  }
0x219: {  	v10 =	vld [tilespmem:s15+$0x1D8B0];
	[tilespmem:s18+$0x19930] =	vst v5;
	v4 =	vmax.f32 v4, $0.0e+00;
	v2 =	vadd.f32 v2, v11  }
0x21a: {  	v11 =	vld [tilespmem:s15+$0x1D8C0];
	[tilespmem:s18+$0x19940] =	vst v4;
	v3 =	vmax.f32 v3, $0.0e+00;
	v1 =	vadd.f32 v1, v8  }
0x21b: {  	v8 =	vld [tilespmem:s15+$0x1D8D0];
	[tilespmem:s18+$0x19950] =	vst v3;
	v2 =	vmax.f32 v2, $0.0e+00  }
0x21c: {  	v12 =	vld [tilespmem:s15+$0x1D8E0];
	[tilespmem:s18+$0x19960] =	vst v2;
	v1 =	vmax.f32 v1, $0.0e+00  }
0x21d: {  	v13 =	vld [tilespmem:s15+$0x1D8F0];
	[tilespmem:s18+$0x19970] =	vst v1;
	s18 =	smov.u32 s15  }
0x21e: {  	v15 =	vld [tilespmem:s18+$0x1D900]  }
0x21f: {  	v16 =	vld [tilespmem:s18+$0x1D910]  }
0x220: {  	v6 =	vld [tilespmem:s18+$0x1D920]  }
0x221: {  	v5 =	vld [tilespmem:s18+$0x1D930]  }
0x222: {  	v4 =	vld [tilespmem:s18+$0x1D940]  }
0x223: {  	v3 =	vld [tilespmem:s18+$0x1D950]  }
0x224: {  	v2 =	vld [tilespmem:s18+$0x1D960]  }
0x225: {  	v1 =	vld [tilespmem:s18+$0x1D970]  }
0x226: {  	v17 =	vld [tilespmem:s18+$0x19880]  }
0x227: {  	v18 =	vld [tilespmem:s18+$0x19890]  }
0x228: {  	v19 =	vld [tilespmem:s18+$0x198A0]  }
0x229: {  	v20 =	vld [tilespmem:s18+$0x198B0]  }
0x22a: {  	v21 =	vld [tilespmem:s18+$0x198C0]  }
0x22b: {  	v14 =	vadd.f32 v14, v17;
	v17 =	vld [tilespmem:s18+$0x198D0]  }
0x22c: {  	v7 =	vadd.f32 v7, v18;
	v18 =	vld [tilespmem:s18+$0x198E0]  }
0x22d: {  	v14 =	vmax.f32 v14, $0.0e+00;
	v9 =	vadd.f32 v9, v19;
	v19 =	vld [tilespmem:s18+$0x198F0]  }
0x22e: {  	[tilespmem:s18+$0x19880] =	vst v14;
	v7 =	vmax.f32 v7, $0.0e+00;
	v10 =	vadd.f32 v10, v20;
	v14 =	vld [tilespmem:s18+$0x19900]  }
0x22f: {  	[tilespmem:s18+$0x19890] =	vst v7;
	v7 =	vmax.f32 v9, $0.0e+00;
	v9 =	vadd.f32 v11, v21;
	v11 =	vld [tilespmem:s18+$0x19910]  }
.Ltmp11:
0x230: {  	[tilespmem:s18+$0x198A0] =	vst v7;
	v7 =	vmax.f32 v10, $0.0e+00;
	v10 =	vadd.f32 v8, v17;
	v8 =	vld [tilespmem:s18+$0x19920];
	(pc) =	sbr.rel @p1 .LBB2_20-.Ltmp11, $4  }
0x231: {  	[tilespmem:s18+$0x198B0] =	vst v7;
	v9 =	vmax.f32 v9, $0.0e+00;
	v12 =	vadd.f32 v12, v18;
	v7 =	vld [tilespmem:s18+$0x19930]  }
0x232: {  	[tilespmem:s18+$0x198C0] =	vst v9;
	v10 =	vmax.f32 v10, $0.0e+00;
	v17 =	vadd.f32 v13, v19;
	v9 =	vld [tilespmem:s18+$0x19940]  }
0x233: {  	[tilespmem:s18+$0x198D0] =	vst v10;
	v12 =	vmax.f32 v12, $0.0e+00;
	v13 =	vadd.f32 v15, v14;
	v10 =	vld [tilespmem:s18+$0x19950]  }
0x234: {  	s10 =	sadd.s32 $0x400, s10;
	[tilespmem:s18+$0x198E0] =	vst v12;
	v14 =	vmax.f32 v17, $0.0e+00;
	v12 =	vadd.f32 v16, v11;
	v11 =	vld [tilespmem:s18+$0x19960]  }
0x235: {  	[tilespmem:s18+$0x198F0] =	vst v14;
	v13 =	vmax.f32 v13, $0.0e+00;
	v6 =	vadd.f32 v6, v8;
	v63 =	vld [tilespmem:s18+$0x19970]  }
0x236: {  	[tilespmem:s18+$0x19900] =	vst v13;
	v12 =	vmax.f32 v12, $0.0e+00;
	v5 =	vadd.f32 v5, v7  }
0x237: {  	[tilespmem:s18+$0x19910] =	vst v12;
	v6 =	vmax.f32 v6, $0.0e+00;
	v4 =	vadd.f32 v4, v9  }
0x238: {  	s17 =	sadd.s32 $0x1, s17;
	[tilespmem:s18+$0x19920] =	vst v6;
	v5 =	vmax.f32 v5, $0.0e+00;
	v3 =	vadd.f32 v3, v10  }
0x239: {  	p1 =	sne.s32 s17, $0x27;
	[tilespmem:s18+$0x19930] =	vst v5;
	v4 =	vmax.f32 v4, $0.0e+00;
	v2 =	vadd.f32 v2, v11  }
.Ltmp12:
0x23a: {  	[tilespmem:s18+$0x19940] =	vst v4;
	v3 =	vmax.f32 v3, $0.0e+00;
	v1 =	vadd.f32 v1, v63;
	(pc) =	sbr.rel @p1 .LBB2_13-.Ltmp12, $4  }
0x23b: {  	[tilespmem:s18+$0x19950] =	vst v3;
	v2 =	vmax.f32 v2, $0.0e+00  }
0x23c: {  	[tilespmem:s18+$0x19960] =	vst v2;
	v1 =	vmax.f32 v1, $0.0e+00  }
0x23d: {  	s10 =	simm.s32 $0x1FB00;
	s15 =	simm.s32 $0x19880;
	[tilespmem:s18+$0x19970] =	vst v1  }
0x23e: {  	[spmem:s5] =	stream.indirect.scatter.add.f32 [tilespmem:s15], [sflag:$0xA], $0x80, s10, s13, $0xb8;
	[tilespmem:$0x1FB80] =	vst v63  }
0x23f: {  	_ =	swait.ge [sflag:s8], $0x2000  }
0x240: {  	[sflag:s8] =	ssyncset.done $0x0  }
0x241: {  	[sflag:s8] =	ssyncadd.s32 $0xFFFFE000  }
0x242: {  	_ =	swait.ge [sflag:s21], $0x2000  }
0x243: {  	[sflag:s21] =	ssyncset.done $0x0  }
0x244: {  	[sflag:s21] =	ssyncadd.s32 $0xFFFFE000  }
0x245: {  	_ =	swait.ge [sflag:s11], $0x2000  }
0x246: {  	[sflag:s11] =	ssyncset.done $0x0  }
0x247: {  	[sflag:s11] =	ssyncadd.s32 $0xFFFFE000  }
0x248: {  	_ =	swait.ge [sflag:s26], $0x2000  }
0x249: {  	[sflag:s26] =	ssyncset.done $0x0  }
0x24a: {  	[sflag:s26] =	ssyncadd.s32 $0xFFFFE000  }
0x24b: {  	_ =	swait.ge [sflag:s7], $0x40  }
0x24c: {  	[sflag:s7] =	ssyncset.done $0x0  }
0x24d: {  	[sflag:s7] =	ssyncadd.s32 $0xFFFFFFC0  }
0x24e: {  	_ =	swait.ge [sflag:s7], $0x40  }
0x24f: {  	[sflag:s7] =	ssyncset.done $0x0  }
0x250: {  	[sflag:s7] =	ssyncadd.s32 $0xFFFFFFC0  }
0x251: {  	s18 =	rddreg [dreg:$0x11];
	[bflag:$0x0] =	sbarrier.arrive $0xFFFF  }
0x252: {  	s10 =	sshrl.u32 s18, $0x3;
	s25 =	rddreg [dreg:$0x19]  }
0x253: {  	s15 =	sadd.s32 s9, s10;
	s17 =	rddreg [dreg:$0x1a];
	s10 =	sor.u32 $0x1C0B, s25  }
0x254: {  	[hbm:s15], [sflag:s10] =	dma.local [spmem:s17], $0x500  }
0x255: {  	s25 =	rddreg [dreg:$0x6]  }
0x256: {  	p1 =	sne.s32 s25, $0x1  }
.Ltmp13:
0x257: {  	_ = 	snop;
	(pc) =	sbr.rel @!p1 .LBB2_24-.Ltmp13, $3  }
0x258: {  	_ =	sdelay $0x1  }
0x259: {  	s28 =	rddreg [dreg:$0x15]  }
0x25a: {  	s18 =	sadd.s32 $0x2800, s18;
	s17 =	sadd.s32 $0xFFFFFFFF, s25;
	s23 =	smov.u32 s28  }
.LBB2_23:
0x25b: {  	_ =	swait.ge [sflag:s29], $0x500  }
0x25c: {  	s23 =	sadd.s32 $0x2800, s23;
	s15 =	sshrl.u32 s18, $0x3;
	p1 =	sne.s32 s17, $0x1  }
.Ltmp14:
0x25d: {  	s24 =	sshrl.u32 s23, $0x3;
	[sflag:s29] =	ssyncset.done $0x0;
	(pc) =	sbr.rel @p1 .LBB2_23-.Ltmp14, $4  }
0x25e: {  	s15 =	sadd.s32 s9, s15;
	[sflag:s29] =	ssyncadd.s32 $0xFFFFFB00  }
0x25f: {  	[hbm:s15], [sflag:s10] =	dma.local [spmem:s24], $0x500  }
0x260: {  	s17 =	sadd.s32 $0xFFFFFFFF, s17  }
0x261: {  	s18 =	sadd.s32 $0x2800, s18  }
.LBB2_24:
0x262: {  	_ =	swait.ge [sflag:s29], $0x500  }
0x263: {  	s15 =	rddreg [dreg:$0x18]  }
0x264: {  	s10 =	rddreg [dreg:$0x14];
	s15 =	sadd.s32 $0x1, s15  }
0x265: {  	p1 =	sne.s32 s15, s10  }
.Ltmp15:
0x266: {  	_ = 	snop;
	(pc) =	sbr.rel @p1 .LBB2_1-.Ltmp15, $3  }
0x267: {  	_ =	sdelay $0x1  }
0x268: {  	[sflag:s29] =	ssyncset.done $0x0  }
0x269: {  	[sflag:s29] =	ssyncadd.s32 $0xFFFFFB00  }
0x26a: {  	_ =	sfence.sel $0x180000  }
0x26b: {  	[bflag:$0x0] =	sbarrier.arrive $0xFFFF  }
0x26c: {  	_ =	strace $0x90000047  }
0x26d: {  	s0 =	stileid.u32;
	[bflag:$0x2] =	sbarrier.arrive $0xFFFF  }
0x26e: {  	p0 =	sne.s32 s0, $0x0;
	s0 =	rddreg [dreg:$0x5]  }
0x26f: {  	s0 =	sadd.s32 @!p0 $0x100000, s0  }
0x270: {  	[sflag:s0] =	ssyncadd.tile.s32 @!p0 $0x1;
	_ =	shalt  }
.Lfunc_end2:
_tile_overlayer_lowered:
.L_overlay_start_2:
0x271: {  	(tag) =	ssettag $0x2  }
0x272: {  	s0 =	rddreg [dreg:$0x0];
	s2 =	stileid.u32  }
0x273: {  	s1 =	rddreg [dreg:$0x1];
	p0 =	sne.s32 s2, $0x0  }
0x274: {  	s3 =	rddreg [dreg:$0x2];
	[bflag:$0x3] =	sbarrier.arrive $0xFFFF;
	s2 =	simm.s32 @!p0 $0x1C0B  }
0x275: {  	[timem:s3], [sflag:s2] =	dma.local @!p0 [hbm:s0], s1  }
0x276: {  	s0 =	simm.s32 @!p0 $0xB  }
0x277: {  	_ =	swait.ge @!p0 [sflag:s0], s1  }
0x278: {  	s1 =	ssub.s32 @!p0 $0x0, s1;
	[sflag:s0] =	ssyncset.done @!p0 $0x0  }
0x279: {  	[sflag:s0] =	ssyncadd.s32 @!p0 s1  }
0x27a: {  	[bflag:$0x3] =	sbarrier.arrive $0xFFFF  }
0x27b: {  	_ =	shalt  }

</sc_bundles>
